<compile_context>
chip_gen: v7x
topology: tpu7x:2x2x1
jax: 0.10.2.dev20260603
libtpu: 0.0.44.dev20260713+nightly
codegen_flags: <defaults>
</compile_context>

<pallas_src>
import functools

import numpy as np

import jax
import jax.numpy as jnp
from jax import lax
from jax.experimental import pallas as pl
from jax.experimental.pallas import tpu as pltpu
from jax.experimental.pallas import tpu_sc as plsc

_GROUPS = 8
_NUM_VARS = 64
_VAR_DIM = 64
_PROJ_DIM = 32
_PAIRS = 4
_PAIR_DIM = 2 * _VAR_DIM

_BLK = 1024

_info = plsc.get_sparse_core_info()
_NC = _info.num_cores
_NS = _info.num_subcores
_NW = _NC * _NS
_CHUNK = 128

_VV = np.arange(_GROUPS * _NUM_VARS)
_POW2 = np.where((_VV // _NUM_VARS)[:, None] == np.arange(_GROUPS)[None, :],
                 np.exp2(_NUM_VARS - 1 - (_VV % _NUM_VARS))[:, None],
                 0.0).astype(np.float32)


def _logits_argmax_body(x_ref, wpre_ref, bpre_ref, wwp_ref, bwp_ref, pow2_ref,
                        idx_ref):
    x = x_ref[...]
    h = jnp.dot(x, wpre_ref[...], preferred_element_type=jnp.float32)
    h = h + bpre_ref[...]
    logits = jnp.dot(h, wwp_ref[...], preferred_element_type=jnp.float32)
    logits = logits + bwp_ref[...]
    rows = x.shape[0]
    mfull = jnp.concatenate(
        [jnp.broadcast_to(
            jnp.max(logits[:, g * _NUM_VARS:(g + 1) * _NUM_VARS], axis=-1,
                    keepdims=True), (rows, _NUM_VARS))
         for g in range(_GROUPS)], axis=-1)
    eqb = (logits == mfull).astype(jnp.bfloat16)
    y = jnp.dot(eqb, pow2_ref[...], preferred_element_type=jnp.float32)
    e = jax.lax.bitcast_convert_type(y, jnp.int32) >> 23
    k_all = jnp.clip(jnp.int32(63 + 127) - e, 0, _NUM_VARS - 1)
    parts = []
    for p in range(_PAIRS):
        pidx = (k_all[:, 2 * p] * _NUM_VARS + k_all[:, 2 * p + 1]
                + p * _NUM_VARS * _NUM_VARS)
        parts.append(pidx.reshape(rows // _CHUNK, _CHUNK))
    idx_ref[...] = jnp.concatenate(parts, axis=0)


def _postproject_body(q_ref, wp_ref, bpost_ref, out_ref):
    r = q_ref[...].reshape(_PAIRS, _BLK, _PAIR_DIM)
    acc = None
    for p in range(_PAIRS):
        qp = r[p].astype(jnp.bfloat16)
        wp = wp_ref[p * _PAIR_DIM:(p + 1) * _PAIR_DIM, :].astype(jnp.bfloat16)
        d = jnp.dot(qp, wp, preferred_element_type=jnp.float32)
        acc = d if acc is None else acc + d
    out_ref[...] = acc + bpost_ref[...]


def _postproject_alias_body(q_ref, wp_ref, bpost_ref, prev_ref, out_ref):
    del prev_ref
    _postproject_body(q_ref, wp_ref, bpost_ref, out_ref)


def _make_sc_gather(rows, nch):
    mesh = plsc.VectorSubcoreMesh(core_axis_name="c", subcore_axis_name="s")
    nrows_idx = rows // _CHUNK

    @functools.partial(
        pl.kernel,
        mesh=mesh,
        out_type=jax.ShapeDtypeStruct((rows, _PAIR_DIM), jnp.float32),
        scratch_types=[
            pltpu.VMEM((nrows_idx, _CHUNK), jnp.int32),
            pltpu.VMEM((_CHUNK, _PAIR_DIM), jnp.float32),
            pltpu.VMEM((_CHUNK, _PAIR_DIM), jnp.float32),
            pltpu.SemaphoreType.DMA,
            pltpu.SemaphoreType.DMA,
        ],
    )
    def gather(idx_hbm, pt_hbm, out_hbm, idx_v, buf0, buf1, sem0, sem1):
        wid = lax.axis_index("s") * _NC + lax.axis_index("c")
        pltpu.sync_copy(idx_hbm, idx_v)
        bufs = (buf0, buf1)
        sems = (sem0, sem1)
        base = wid * nch * _CHUNK
        row0 = wid * nch
        cps = [None] * nch
        cps[0] = pltpu.async_copy(pt_hbm.at[idx_v.at[row0]], bufs[0], sems[0])
        for j in range(nch):
            if j + 1 < nch:
                cps[j + 1] = pltpu.async_copy(
                    pt_hbm.at[idx_v.at[row0 + j + 1]],
                    bufs[(j + 1) % 2], sems[(j + 1) % 2])
            cps[j].wait()
            pltpu.sync_copy(bufs[j % 2],
                            out_hbm.at[pl.ds(base + j * _CHUNK, _CHUNK)])

    return gather


def _make_sc_ptbuild():
    mesh = plsc.VectorSubcoreMesh(core_axis_name="c", subcore_axis_name="s")
    L = 16

    @functools.partial(
        pl.kernel,
        mesh=mesh,
        out_type=jax.ShapeDtypeStruct((_PAIRS * _NUM_VARS * _NUM_VARS,
                                       _PAIR_DIM), jnp.float32),
        scratch_types=[
            pltpu.VMEM((8, _VAR_DIM), jnp.float32),
            pltpu.VMEM((_NUM_VARS, _VAR_DIM), jnp.float32),
            pltpu.VMEM((_NUM_VARS, _PAIR_DIM), jnp.float32),
        ],
    )
    def ptbuild(cb_hbm, pt_hbm, cb0_v, cb1_v, buf):
        wid = lax.axis_index("s") * _NC + lax.axis_index("c")
        p = wid // 8
        i0 = (wid % 8) * 8
        pltpu.sync_copy(cb_hbm.at[pl.ds(p * 2 * _NUM_VARS + i0, 8)], cb0_v)
        pltpu.sync_copy(cb_hbm.at[pl.ds(p * 2 * _NUM_VARS + _NUM_VARS,
                                        _NUM_VARS)], cb1_v)

        def fill_cb1(j, _):
            for c in range(_VAR_DIM // L):
                buf[j, pl.ds(_VAR_DIM + c * L, L)] = cb1_v[j, pl.ds(c * L, L)]
            return 0

        lax.fori_loop(0, _NUM_VARS, fill_cb1, 0)
        for i in range(8):
            vs = [cb0_v[i, pl.ds(c * L, L)] for c in range(_VAR_DIM // L)]

            def fill_cb0(j, _, vs=vs):
                for c in range(_VAR_DIM // L):
                    buf[j, pl.ds(c * L, L)] = vs[c]
                return 0

            lax.fori_loop(0, _NUM_VARS, fill_cb0, 0)
            pltpu.sync_copy(
                buf, pt_hbm.at[pl.ds(wid * 512 + i * _NUM_VARS, _NUM_VARS)])

    return ptbuild


def kernel(x, W_pre, b_pre, W_wp, b_wp, codebook, W_post, b_post):
    B, T, IN_DIM = x.shape
    OUT_DIM = W_post.shape[1]
    BT = B * T
    xf = x.reshape(BT, IN_DIM)
    bpre2 = b_pre.reshape(1, -1)
    bwp2 = b_wp.reshape(1, -1)
    bpost2 = b_post.reshape(1, -1)

    pair_table = _make_sc_ptbuild()(codebook)

    THIRDS = 3
    BT3 = BT // THIRDS
    G3 = BT3 // _BLK
    rows3 = BT3 * _PAIRS
    nch = rows3 // (_NW * _CHUNK)
    sc_gather = _make_sc_gather(rows3, nch)

    pow2 = jnp.asarray(_POW2).astype(jnp.bfloat16)

    def argmax_call(h):
        return pl.pallas_call(
            _logits_argmax_body,
            grid=(G3,),
            in_specs=[
                pl.BlockSpec((_BLK, IN_DIM), lambda i, h=h: (i + G3 * h, 0)),
                pl.BlockSpec((IN_DIM, _PROJ_DIM), lambda i: (0, 0)),
                pl.BlockSpec((1, _PROJ_DIM), lambda i: (0, 0)),
                pl.BlockSpec((_PROJ_DIM, _GROUPS * _NUM_VARS), lambda i: (0, 0)),
                pl.BlockSpec((1, _GROUPS * _NUM_VARS), lambda i: (0, 0)),
                pl.BlockSpec((_GROUPS * _NUM_VARS, _GROUPS), lambda i: (0, 0)),
            ],
            out_specs=pl.BlockSpec((_BLK * _PAIRS // _CHUNK, _CHUNK),
                                   lambda i: (i, 0)),
            out_shape=jax.ShapeDtypeStruct((rows3 // _CHUNK, _CHUNK), jnp.int32),
        )(xf, W_pre, bpre2, W_wp, bwp2, pow2)

    def post_call(h, q, prev):
        qspec = pl.BlockSpec((_BLK * _PAIRS, _PAIR_DIM), lambda i: (i, 0))
        wspec = pl.BlockSpec((_PAIRS * _PAIR_DIM, OUT_DIM), lambda i: (0, 0))
        bspec = pl.BlockSpec((1, OUT_DIM), lambda i: (0, 0))
        ospec = pl.BlockSpec((_BLK, OUT_DIM), lambda i, h=h: (i + G3 * h, 0))
        oshape = jax.ShapeDtypeStruct((BT, OUT_DIM), jnp.float32)
        if prev is None:
            return pl.pallas_call(
                _postproject_body, grid=(G3,),
                in_specs=[qspec, wspec, bspec],
                out_specs=ospec, out_shape=oshape,
            )(q, W_post, bpost2)
        return pl.pallas_call(
            _postproject_alias_body, grid=(G3,),
            in_specs=[qspec, wspec, bspec,
                      pl.BlockSpec(memory_space=pl.ANY)],
            out_specs=ospec, out_shape=oshape,
            input_output_aliases={3: 0},
        )(q, W_post, bpost2, prev)

    idxs = [argmax_call(h) for h in range(THIRDS)]
    qs = [sc_gather(idxs[h], pair_table)
          for h in range(THIRDS)]
    out = None
    for h in range(THIRDS):
        out = post_call(h, qs[h], out)

    return out.reshape(B, T, OUT_DIM)

# --- scband reference (transcript-rebuilt; emitter-appended) ---
"""Pipeline reference for scband-quant-layer-10866267259536 (READ-ONLY COPY).

The authoritative reference and input builder live on the scoring server;
editing this copy changes nothing except your own understanding.
"""

import jax, jax.numpy as jnp
import numpy as np

GROUPS = 8
NUM_VARS = 64
VAR_DIM = 64  # vq_dim (groups*64=512) // groups
PROJ_DIM = 32  # GumbelVectorQuantizer input dim (hardcoded in QuantLayer)


def setup_inputs(seed: int = 0):
    key = jax.random.key(seed)
    ks = jax.random.split(key, 8)
    B, T, IN_DIM, OUT_DIM = 16, 576, 768, 768
    x = jax.random.normal(ks[0], (B, T, IN_DIM), dtype=jnp.float32)
    # quantizer_preproject: Linear(in_dim, 32)
    W_pre = jax.random.normal(ks[1], (IN_DIM, PROJ_DIM), dtype=jnp.float32) * (1.0 / np.sqrt(IN_DIM))
    b_pre = jnp.zeros((PROJ_DIM,), dtype=jnp.float32)
    # weight_proj: Linear(32, groups*num_vars), init normal(0,1), bias 0 (fairseq init)
    W_wp = jax.random.normal(ks[2], (PROJ_DIM, GROUPS * NUM_VARS), dtype=jnp.float32)
    b_wp = jnp.zeros((GROUPS * NUM_VARS,), dtype=jnp.float32)
    # codebook vars: uniform init, shape [num_groups*num_vars, var_dim] (combine_groups=False)
    codebook = jax.random.uniform(ks[3], (GROUPS * NUM_VARS, VAR_DIM), dtype=jnp.float32)
    # quantizer_postproject: Linear(groups*64, out_dim)
    W_post = jax.random.normal(ks[4], (GROUPS * VAR_DIM, OUT_DIM), dtype=jnp.float32) * (1.0 / np.sqrt(GROUPS * VAR_DIM))
    b_post = jnp.zeros((OUT_DIM,), dtype=jnp.float32)
    return {"x": x, "W_pre": W_pre, "b_pre": b_pre, "W_wp": W_wp, "b_wp": b_wp,
            "codebook": codebook, "W_post": W_post, "b_post": b_post}


def reference(x, W_pre, b_pre, W_wp, b_wp, codebook, W_post, b_post):
    B, T, _ = x.shape
    # preproject to quantizer input dim
    h = x @ W_pre + b_pre                      # [B, T, 32]
    h = h.reshape(B * T, PROJ_DIM)
    # weight projection to group logits
    logits = h @ W_wp + b_wp                   # [BT, G*V]
    logits = logits.reshape(B * T, GROUPS, NUM_VARS)
    # eval-mode hard assignment: argmax per group (hard_x path of GumbelVectorQuantizer)
    k = jnp.argmax(logits, axis=-1)            # [BT, G] int
    cb = codebook.reshape(GROUPS, NUM_VARS, VAR_DIM)
    # gather selected codewords per group (equivalent to one_hot @ vars then sum over vars)
    g_idx = jnp.arange(GROUPS)[None, :]        # [1, G]
    q = cb[g_idx, k]                           # [BT, G, VAR_DIM]
    q = q.reshape(B, T, GROUPS * VAR_DIM)      # [B, T, vq_dim]
    out = q @ W_post + b_post                  # [B, T, out_dim]
    return out

if __name__ == "__main__":
    import jax
    _d = setup_inputs()
    print(jax.jit(kernel)(*tuple(_d.values())))

</pallas_src>

<mosaic_0001>
#map = affine_map<(d0, d1) -> (0, 0)>
module attributes {stable_mosaic.version = 14 : i64} {
  func.func @gather(%arg0: i32, %arg1: i32, %arg2: memref<96x128xi32, #tpu.memory_space<hbm>>, %arg3: memref<16384x128xf32, #tpu.memory_space<hbm>>, %arg4: memref<12288x128xf32, #tpu.memory_space<hbm>>, %arg5: memref<96x128xi32, #tpu.memory_space<vmem>>, %arg6: memref<128x128xf32, #tpu.memory_space<vmem>>, %arg7: memref<128x128xf32, #tpu.memory_space<vmem>>, %arg8: memref<!tpu.dma_semaphore, #tpu.memory_space<semaphore_mem>>, %arg9: memref<!tpu.dma_semaphore, #tpu.memory_space<semaphore_mem>>) attributes {dimension_semantics = [#tpu.dimension_semantics<core_parallel>, #tpu.dimension_semantics<subcore_parallel>], iteration_bounds = array<i64: 2, 16>, scalar_prefetch = 0 : i64, scratch_operands = 5 : i64, tpu.core_type = #tpu.core_type<sc_vector_subcore>, window_params = [{transform_indices = #map}, {transform_indices = #map}, {transform_indices = #map}]} {
    %mul3A = arith.constant 2 : i32
    %mul3A_0 = arith.muli %arg1, %mul3A : i32
    %add3A = arith.addi %mul3A_0, %arg0 : i32
    "tpu.region"() ({
      %run_scoped3A = tpu.sem_alloc : memref<!tpu.dma_semaphore, #tpu.memory_space<semaphore_mem>>
      tpu.enqueue_dma source(%arg2 : memref<96x128xi32, #tpu.memory_space<hbm>>) target(%arg5 : memref<96x128xi32, #tpu.memory_space<vmem>>) target_semaphore(%run_scoped3A : memref<!tpu.dma_semaphore, #tpu.memory_space<semaphore_mem>>)
      tpu.wait_dma2 semaphore(%run_scoped3A : memref<!tpu.dma_semaphore, #tpu.memory_space<semaphore_mem>>) src(%arg2 : memref<96x128xi32, #tpu.memory_space<hbm>>) dst(%arg5 : memref<96x128xi32, #tpu.memory_space<vmem>>)
      tpu.yield
    }) : () -> ()
    %mul3A_1 = arith.constant 3 : i32
    %mul3A_2 = arith.muli %add3A, %mul3A_1 : i32
    %mul3A_3 = arith.constant 128 : i32
    %mul3A_4 = arith.muli %mul3A_2, %mul3A_3 : i32
    %mul3A_5 = arith.constant 3 : i32
    %mul3A_6 = arith.muli %add3A, %mul3A_5 : i32
    %dma_start3A = arith.constant 0 : i32
    %dma_start3A_7 = tpu.memref_slice %arg5[%mul3A_6, %dma_start3A] : memref<96x128xi32, #tpu.memory_space<vmem>> -> memref<1x128xi32, #tpu.memory_space<vmem>>
    %dma_start3A_8 = tpu.memref_squeeze %dma_start3A_7 : memref<1x128xi32, #tpu.memory_space<vmem>> -> memref<128xi32, #tpu.memory_space<vmem>>
    %dma_start3A_9 = arith.constant 0 : i32
    %dma_start3A_10 = arith.constant 0 : i32
    %dma_start3A_11 = tpu.memref_slice %arg3[%dma_start3A_9, %dma_start3A_10] : memref<16384x128xf32, #tpu.memory_space<hbm>> -> memref<16384x128xf32, #tpu.memory_space<hbm>>
    tpu.enqueue_indirect_dma source(%dma_start3A_11 : memref<16384x128xf32, #tpu.memory_space<hbm>>) target(%arg6 : memref<128x128xf32, #tpu.memory_space<vmem>>) offsets(%dma_start3A_8 : memref<128xi32, #tpu.memory_space<vmem>>) semaphore(%arg8 : memref<!tpu.dma_semaphore, #tpu.memory_space<semaphore_mem>>)
    %add3A_12 = arith.constant 0 : i32
    %add3A_13 = arith.addi %mul3A_6, %add3A_12 : i32
    %add3A_14 = arith.constant 1 : i32
    %add3A_15 = arith.addi %add3A_13, %add3A_14 : i32
    %dma_start3A_16 = arith.constant 0 : i32
    %dma_start3A_17 = tpu.memref_slice %arg5[%add3A_15, %dma_start3A_16] : memref<96x128xi32, #tpu.memory_space<vmem>> -> memref<1x128xi32, #tpu.memory_space<vmem>>
    %dma_start3A_18 = tpu.memref_squeeze %dma_start3A_17 : memref<1x128xi32, #tpu.memory_space<vmem>> -> memref<128xi32, #tpu.memory_space<vmem>>
    %dma_start3A_19 = arith.constant 0 : i32
    %dma_start3A_20 = arith.constant 0 : i32
    %dma_start3A_21 = tpu.memref_slice %arg3[%dma_start3A_19, %dma_start3A_20] : memref<16384x128xf32, #tpu.memory_space<hbm>> -> memref<16384x128xf32, #tpu.memory_space<hbm>>
    tpu.enqueue_indirect_dma source(%dma_start3A_21 : memref<16384x128xf32, #tpu.memory_space<hbm>>) target(%arg7 : memref<128x128xf32, #tpu.memory_space<vmem>>) offsets(%dma_start3A_18 : memref<128xi32, #tpu.memory_space<vmem>>) semaphore(%arg9 : memref<!tpu.dma_semaphore, #tpu.memory_space<semaphore_mem>>)
    %dma_wait3A = arith.constant 0 : i32
    %dma_wait3A_22 = tpu.memref_slice %arg5[%mul3A_6, %dma_wait3A] : memref<96x128xi32, #tpu.memory_space<vmem>> -> memref<1x128xi32, #tpu.memory_space<vmem>>
    %dma_wait3A_23 = tpu.memref_squeeze %dma_wait3A_22 : memref<1x128xi32, #tpu.memory_space<vmem>> -> memref<128xi32, #tpu.memory_space<vmem>>
    %dma_wait3A_24 = arith.constant 0 : i32
    %dma_wait3A_25 = arith.constant 0 : i32
    %dma_wait3A_26 = tpu.memref_slice %arg3[%dma_wait3A_24, %dma_wait3A_25] : memref<16384x128xf32, #tpu.memory_space<hbm>> -> memref<16384x128xf32, #tpu.memory_space<hbm>>
    tpu.wait_indirect_dma semaphore(%arg8 : memref<!tpu.dma_semaphore, #tpu.memory_space<semaphore_mem>>) src(%dma_wait3A_26 : memref<16384x128xf32, #tpu.memory_space<hbm>>) dst(%arg6 : memref<128x128xf32, #tpu.memory_space<vmem>>)
    %add3A_27 = arith.constant 0 : i32
    %add3A_28 = arith.addi %mul3A_4, %add3A_27 : i32
    "tpu.region"() ({
      %run_scoped3A = tpu.sem_alloc : memref<!tpu.dma_semaphore, #tpu.memory_space<semaphore_mem>>
      %dma_start3A_55 = arith.constant 0 : i32
      %dma_start3A_56 = tpu.memref_slice %arg4[%add3A_28, %dma_start3A_55] : memref<12288x128xf32, #tpu.memory_space<hbm>> -> memref<128x128xf32, #tpu.memory_space<hbm>>
      %dma_start3A_57 = arith.constant 0 : i32
      %dma_start3A_58 = tpu.memref_slice %arg4[%add3A_28, %dma_start3A_57] : memref<12288x128xf32, #tpu.memory_space<hbm>> -> memref<128x128xf32, #tpu.memory_space<hbm>>
      tpu.enqueue_dma source(%arg6 : memref<128x128xf32, #tpu.memory_space<vmem>>) target(%dma_start3A_58 : memref<128x128xf32, #tpu.memory_space<hbm>>) target_semaphore(%run_scoped3A : memref<!tpu.dma_semaphore, #tpu.memory_space<semaphore_mem>>)
      %dma_wait3A_59 = arith.constant 0 : i32
      %dma_wait3A_60 = tpu.memref_slice %arg4[%add3A_28, %dma_wait3A_59] : memref<12288x128xf32, #tpu.memory_space<hbm>> -> memref<128x128xf32, #tpu.memory_space<hbm>>
      %dma_wait3A_61 = arith.constant 0 : i32
      %dma_wait3A_62 = tpu.memref_slice %arg4[%add3A_28, %dma_wait3A_61] : memref<12288x128xf32, #tpu.memory_space<hbm>> -> memref<128x128xf32, #tpu.memory_space<hbm>>
      tpu.wait_dma2 semaphore(%run_scoped3A : memref<!tpu.dma_semaphore, #tpu.memory_space<semaphore_mem>>) src(%arg6 : memref<128x128xf32, #tpu.memory_space<vmem>>) dst(%dma_wait3A_62 : memref<128x128xf32, #tpu.memory_space<hbm>>)
      tpu.yield
    }) : () -> ()
    %add3A_29 = arith.constant 1 : i32
    %add3A_30 = arith.addi %mul3A_6, %add3A_29 : i32
    %add3A_31 = arith.constant 1 : i32
    %add3A_32 = arith.addi %add3A_30, %add3A_31 : i32
    %dma_start3A_33 = arith.constant 0 : i32
    %dma_start3A_34 = tpu.memref_slice %arg5[%add3A_32, %dma_start3A_33] : memref<96x128xi32, #tpu.memory_space<vmem>> -> memref<1x128xi32, #tpu.memory_space<vmem>>
    %dma_start3A_35 = tpu.memref_squeeze %dma_start3A_34 : memref<1x128xi32, #tpu.memory_space<vmem>> -> memref<128xi32, #tpu.memory_space<vmem>>
    %dma_start3A_36 = arith.constant 0 : i32
    %dma_start3A_37 = arith.constant 0 : i32
    %dma_start3A_38 = tpu.memref_slice %arg3[%dma_start3A_36, %dma_start3A_37] : memref<16384x128xf32, #tpu.memory_space<hbm>> -> memref<16384x128xf32, #tpu.memory_space<hbm>>
    tpu.enqueue_indirect_dma source(%dma_start3A_38 : memref<16384x128xf32, #tpu.memory_space<hbm>>) target(%arg6 : memref<128x128xf32, #tpu.memory_space<vmem>>) offsets(%dma_start3A_35 : memref<128xi32, #tpu.memory_space<vmem>>) semaphore(%arg8 : memref<!tpu.dma_semaphore, #tpu.memory_space<semaphore_mem>>)
    %dma_wait3A_39 = arith.constant 0 : i32
    %dma_wait3A_40 = tpu.memref_slice %arg5[%add3A_15, %dma_wait3A_39] : memref<96x128xi32, #tpu.memory_space<vmem>> -> memref<1x128xi32, #tpu.memory_space<vmem>>
    %dma_wait3A_41 = tpu.memref_squeeze %dma_wait3A_40 : memref<1x128xi32, #tpu.memory_space<vmem>> -> memref<128xi32, #tpu.memory_space<vmem>>
    %dma_wait3A_42 = arith.constant 0 : i32
    %dma_wait3A_43 = arith.constant 0 : i32
    %dma_wait3A_44 = tpu.memref_slice %arg3[%dma_wait3A_42, %dma_wait3A_43] : memref<16384x128xf32, #tpu.memory_space<hbm>> -> memref<16384x128xf32, #tpu.memory_space<hbm>>
    tpu.wait_indirect_dma semaphore(%arg9 : memref<!tpu.dma_semaphore, #tpu.memory_space<semaphore_mem>>) src(%dma_wait3A_44 : memref<16384x128xf32, #tpu.memory_space<hbm>>) dst(%arg7 : memref<128x128xf32, #tpu.memory_space<vmem>>)
    %add3A_45 = arith.constant 128 : i32
    %add3A_46 = arith.addi %mul3A_4, %add3A_45 : i32
    "tpu.region"() ({
      %run_scoped3A = tpu.sem_alloc : memref<!tpu.dma_semaphore, #tpu.memory_space<semaphore_mem>>
      %dma_start3A_55 = arith.constant 0 : i32
      %dma_start3A_56 = tpu.memref_slice %arg4[%add3A_46, %dma_start3A_55] : memref<12288x128xf32, #tpu.memory_space<hbm>> -> memref<128x128xf32, #tpu.memory_space<hbm>>
      %dma_start3A_57 = arith.constant 0 : i32
      %dma_start3A_58 = tpu.memref_slice %arg4[%add3A_46, %dma_start3A_57] : memref<12288x128xf32, #tpu.memory_space<hbm>> -> memref<128x128xf32, #tpu.memory_space<hbm>>
      tpu.enqueue_dma source(%arg7 : memref<128x128xf32, #tpu.memory_space<vmem>>) target(%dma_start3A_58 : memref<128x128xf32, #tpu.memory_space<hbm>>) target_semaphore(%run_scoped3A : memref<!tpu.dma_semaphore, #tpu.memory_space<semaphore_mem>>)
      %dma_wait3A_59 = arith.constant 0 : i32
      %dma_wait3A_60 = tpu.memref_slice %arg4[%add3A_46, %dma_wait3A_59] : memref<12288x128xf32, #tpu.memory_space<hbm>> -> memref<128x128xf32, #tpu.memory_space<hbm>>
      %dma_wait3A_61 = arith.constant 0 : i32
      %dma_wait3A_62 = tpu.memref_slice %arg4[%add3A_46, %dma_wait3A_61] : memref<12288x128xf32, #tpu.memory_space<hbm>> -> memref<128x128xf32, #tpu.memory_space<hbm>>
      tpu.wait_dma2 semaphore(%run_scoped3A : memref<!tpu.dma_semaphore, #tpu.memory_space<semaphore_mem>>) src(%arg7 : memref<128x128xf32, #tpu.memory_space<vmem>>) dst(%dma_wait3A_62 : memref<128x128xf32, #tpu.memory_space<hbm>>)
      tpu.yield
    }) : () -> ()
    %dma_wait3A_47 = arith.constant 0 : i32
    %dma_wait3A_48 = tpu.memref_slice %arg5[%add3A_32, %dma_wait3A_47] : memref<96x128xi32, #tpu.memory_space<vmem>> -> memref<1x128xi32, #tpu.memory_space<vmem>>
    %dma_wait3A_49 = tpu.memref_squeeze %dma_wait3A_48 : memref<1x128xi32, #tpu.memory_space<vmem>> -> memref<128xi32, #tpu.memory_space<vmem>>
    %dma_wait3A_50 = arith.constant 0 : i32
    %dma_wait3A_51 = arith.constant 0 : i32
    %dma_wait3A_52 = tpu.memref_slice %arg3[%dma_wait3A_50, %dma_wait3A_51] : memref<16384x128xf32, #tpu.memory_space<hbm>> -> memref<16384x128xf32, #tpu.memory_space<hbm>>
    tpu.wait_indirect_dma semaphore(%arg8 : memref<!tpu.dma_semaphore, #tpu.memory_space<semaphore_mem>>) src(%dma_wait3A_52 : memref<16384x128xf32, #tpu.memory_space<hbm>>) dst(%arg6 : memref<128x128xf32, #tpu.memory_space<vmem>>)
    %add3A_53 = arith.constant 256 : i32
    %add3A_54 = arith.addi %mul3A_4, %add3A_53 : i32
    "tpu.region"() ({
      %run_scoped3A = tpu.sem_alloc : memref<!tpu.dma_semaphore, #tpu.memory_space<semaphore_mem>>
      %dma_start3A_55 = arith.constant 0 : i32
      %dma_start3A_56 = tpu.memref_slice %arg4[%add3A_54, %dma_start3A_55] : memref<12288x128xf32, #tpu.memory_space<hbm>> -> memref<128x128xf32, #tpu.memory_space<hbm>>
      %dma_start3A_57 = arith.constant 0 : i32
      %dma_start3A_58 = tpu.memref_slice %arg4[%add3A_54, %dma_start3A_57] : memref<12288x128xf32, #tpu.memory_space<hbm>> -> memref<128x128xf32, #tpu.memory_space<hbm>>
      tpu.enqueue_dma source(%arg6 : memref<128x128xf32, #tpu.memory_space<vmem>>) target(%dma_start3A_58 : memref<128x128xf32, #tpu.memory_space<hbm>>) target_semaphore(%run_scoped3A : memref<!tpu.dma_semaphore, #tpu.memory_space<semaphore_mem>>)
      %dma_wait3A_59 = arith.constant 0 : i32
      %dma_wait3A_60 = tpu.memref_slice %arg4[%add3A_54, %dma_wait3A_59] : memref<12288x128xf32, #tpu.memory_space<hbm>> -> memref<128x128xf32, #tpu.memory_space<hbm>>
      %dma_wait3A_61 = arith.constant 0 : i32
      %dma_wait3A_62 = tpu.memref_slice %arg4[%add3A_54, %dma_wait3A_61] : memref<12288x128xf32, #tpu.memory_space<hbm>> -> memref<128x128xf32, #tpu.memory_space<hbm>>
      tpu.wait_dma2 semaphore(%run_scoped3A : memref<!tpu.dma_semaphore, #tpu.memory_space<semaphore_mem>>) src(%arg6 : memref<128x128xf32, #tpu.memory_space<vmem>>) dst(%dma_wait3A_62 : memref<128x128xf32, #tpu.memory_space<hbm>>)
      tpu.yield
    }) : () -> ()
    return
  }
}

#map = affine_map<(d0, d1) -> (0, 0)>
module attributes {stable_mosaic.version = 14 : i64} {
  func.func @gather(%arg0: i32, %arg1: i32, %arg2: memref<96x128xi32, #tpu.memory_space<hbm>>, %arg3: memref<16384x128xf32, #tpu.memory_space<hbm>>, %arg4: memref<12288x128xf32, #tpu.memory_space<hbm>>, %arg5: memref<96x128xi32, #tpu.memory_space<vmem>>, %arg6: memref<128x128xf32, #tpu.memory_space<vmem>>, %arg7: memref<128x128xf32, #tpu.memory_space<vmem>>, %arg8: memref<!tpu.dma_semaphore, #tpu.memory_space<semaphore_mem>>, %arg9: memref<!tpu.dma_semaphore, #tpu.memory_space<semaphore_mem>>) attributes {dimension_semantics = [#tpu.dimension_semantics<core_parallel>, #tpu.dimension_semantics<subcore_parallel>], iteration_bounds = array<i64: 2, 16>, scalar_prefetch = 0 : i64, scratch_operands = 5 : i64, tpu.core_type = #tpu.core_type<sc_vector_subcore>, window_params = [{transform_indices = #map}, {transform_indices = #map}, {transform_indices = #map}]} {
    %mul3A = arith.constant 2 : i32
    %mul3A_0 = arith.muli %arg1, %mul3A : i32
    %add3A = arith.addi %mul3A_0, %arg0 : i32
    "tpu.region"() ({
      %run_scoped3A = tpu.sem_alloc : memref<!tpu.dma_semaphore, #tpu.memory_space<semaphore_mem>>
      tpu.enqueue_dma source(%arg2 : memref<96x128xi32, #tpu.memory_space<hbm>>) target(%arg5 : memref<96x128xi32, #tpu.memory_space<vmem>>) target_semaphore(%run_scoped3A : memref<!tpu.dma_semaphore, #tpu.memory_space<semaphore_mem>>)
      tpu.wait_dma2 semaphore(%run_scoped3A : memref<!tpu.dma_semaphore, #tpu.memory_space<semaphore_mem>>) src(%arg2 : memref<96x128xi32, #tpu.memory_space<hbm>>) dst(%arg5 : memref<96x128xi32, #tpu.memory_space<vmem>>)
      tpu.yield
    }) : () -> ()
    %mul3A_1 = arith.constant 3 : i32
    %mul3A_2 = arith.muli %add3A, %mul3A_1 : i32
    %mul3A_3 = arith.constant 128 : i32
    %mul3A_4 = arith.muli %mul3A_2, %mul3A_3 : i32
    %mul3A_5 = arith.constant 3 : i32
    %mul3A_6 = arith.muli %add3A, %mul3A_5 : i32
    %dma_start3A = arith.constant 0 : i32
    %dma_start3A_7 = tpu.memref_slice %arg5[%mul3A_6, %dma_start3A] : memref<96x128xi32, #tpu.memory_space<vmem>> -> memref<1x128xi32, #tpu.memory_space<vmem>>
    %dma_start3A_8 = tpu.memref_squeeze %dma_start3A_7 : memref<1x128xi32, #tpu.memory_space<vmem>> -> memref<128xi32, #tpu.memory_space<vmem>>
    %dma_start3A_9 = arith.constant 0 : i32
    %dma_start3A_10 = arith.constant 0 : i32
    %dma_start3A_11 = tpu.memref_slice %arg3[%dma_start3A_9, %dma_start3A_10] : memref<16384x128xf32, #tpu.memory_space<hbm>> -> memref<16384x128xf32, #tpu.memory_space<hbm>>
    tpu.enqueue_indirect_dma source(%dma_start3A_11 : memref<16384x128xf32, #tpu.memory_space<hbm>>) target(%arg6 : memref<128x128xf32, #tpu.memory_space<vmem>>) offsets(%dma_start3A_8 : memref<128xi32, #tpu.memory_space<vmem>>) semaphore(%arg8 : memref<!tpu.dma_semaphore, #tpu.memory_space<semaphore_mem>>)
    %add3A_12 = arith.constant 0 : i32
    %add3A_13 = arith.addi %mul3A_6, %add3A_12 : i32
    %add3A_14 = arith.constant 1 : i32
    %add3A_15 = arith.addi %add3A_13, %add3A_14 : i32
    %dma_start3A_16 = arith.constant 0 : i32
    %dma_start3A_17 = tpu.memref_slice %arg5[%add3A_15, %dma_start3A_16] : memref<96x128xi32, #tpu.memory_space<vmem>> -> memref<1x128xi32, #tpu.memory_space<vmem>>
    %dma_start3A_18 = tpu.memref_squeeze %dma_start3A_17 : memref<1x128xi32, #tpu.memory_space<vmem>> -> memref<128xi32, #tpu.memory_space<vmem>>
    %dma_start3A_19 = arith.constant 0 : i32
    %dma_start3A_20 = arith.constant 0 : i32
    %dma_start3A_21 = tpu.memref_slice %arg3[%dma_start3A_19, %dma_start3A_20] : memref<16384x128xf32, #tpu.memory_space<hbm>> -> memref<16384x128xf32, #tpu.memory_space<hbm>>
    tpu.enqueue_indirect_dma source(%dma_start3A_21 : memref<16384x128xf32, #tpu.memory_space<hbm>>) target(%arg7 : memref<128x128xf32, #tpu.memory_space<vmem>>) offsets(%dma_start3A_18 : memref<128xi32, #tpu.memory_space<vmem>>) semaphore(%arg9 : memref<!tpu.dma_semaphore, #tpu.memory_space<semaphore_mem>>)
    %dma_wait3A = arith.constant 0 : i32
    %dma_wait3A_22 = tpu.memref_slice %arg5[%mul3A_6, %dma_wait3A] : memref<96x128xi32, #tpu.memory_space<vmem>> -> memref<1x128xi32, #tpu.memory_space<vmem>>
    %dma_wait3A_23 = tpu.memref_squeeze %dma_wait3A_22 : memref<1x128xi32, #tpu.memory_space<vmem>> -> memref<128xi32, #tpu.memory_space<vmem>>
    %dma_wait3A_24 = arith.constant 0 : i32
    %dma_wait3A_25 = arith.constant 0 : i32
    %dma_wait3A_26 = tpu.memref_slice %arg3[%dma_wait3A_24, %dma_wait3A_25] : memref<16384x128xf32, #tpu.memory_space<hbm>> -> memref<16384x128xf32, #tpu.memory_space<hbm>>
    tpu.wait_indirect_dma semaphore(%arg8 : memref<!tpu.dma_semaphore, #tpu.memory_space<semaphore_mem>>) src(%dma_wait3A_26 : memref<16384x128xf32, #tpu.memory_space<hbm>>) dst(%arg6 : memref<128x128xf32, #tpu.memory_space<vmem>>)
    %add3A_27 = arith.constant 0 : i32
    %add3A_28 = arith.addi %mul3A_4, %add3A_27 : i32
    "tpu.region"() ({
      %run_scoped3A = tpu.sem_alloc : memref<!tpu.dma_semaphore, #tpu.memory_space<semaphore_mem>>
      %dma_start3A_55 = arith.constant 0 : i32
      %dma_start3A_56 = tpu.memref_slice %arg4[%add3A_28, %dma_start3A_55] : memref<12288x128xf32, #tpu.memory_space<hbm>> -> memref<128x128xf32, #tpu.memory_space<hbm>>
      %dma_start3A_57 = arith.constant 0 : i32
      %dma_start3A_58 = tpu.memref_slice %arg4[%add3A_28, %dma_start3A_57] : memref<12288x128xf32, #tpu.memory_space<hbm>> -> memref<128x128xf32, #tpu.memory_space<hbm>>
      tpu.enqueue_dma source(%arg6 : memref<128x128xf32, #tpu.memory_space<vmem>>) target(%dma_start3A_58 : memref<128x128xf32, #tpu.memory_space<hbm>>) target_semaphore(%run_scoped3A : memref<!tpu.dma_semaphore, #tpu.memory_space<semaphore_mem>>)
      %dma_wait3A_59 = arith.constant 0 : i32
      %dma_wait3A_60 = tpu.memref_slice %arg4[%add3A_28, %dma_wait3A_59] : memref<12288x128xf32, #tpu.memory_space<hbm>> -> memref<128x128xf32, #tpu.memory_space<hbm>>
      %dma_wait3A_61 = arith.constant 0 : i32
      %dma_wait3A_62 = tpu.memref_slice %arg4[%add3A_28, %dma_wait3A_61] : memref<12288x128xf32, #tpu.memory_space<hbm>> -> memref<128x128xf32, #tpu.memory_space<hbm>>
      tpu.wait_dma2 semaphore(%run_scoped3A : memref<!tpu.dma_semaphore, #tpu.memory_space<semaphore_mem>>) src(%arg6 : memref<128x128xf32, #tpu.memory_space<vmem>>) dst(%dma_wait3A_62 : memref<128x128xf32, #tpu.memory_space<hbm>>)
      tpu.yield
    }) : () -> ()
    %add3A_29 = arith.constant 1 : i32
    %add3A_30 = arith.addi %mul3A_6, %add3A_29 : i32
    %add3A_31 = arith.constant 1 : i32
    %add3A_32 = arith.addi %add3A_30, %add3A_31 : i32
    %dma_start3A_33 = arith.constant 0 : i32
    %dma_start3A_34 = tpu.memref_slice %arg5[%add3A_32, %dma_start3A_33] : memref<96x128xi32, #tpu.memory_space<vmem>> -> memref<1x128xi32, #tpu.memory_space<vmem>>
    %dma_start3A_35 = tpu.memref_squeeze %dma_start3A_34 : memref<1x128xi32, #tpu.memory_space<vmem>> -> memref<128xi32, #tpu.memory_space<vmem>>
    %dma_start3A_36 = arith.constant 0 : i32
    %dma_start3A_37 = arith.constant 0 : i32
    %dma_start3A_38 = tpu.memref_slice %arg3[%dma_start3A_36, %dma_start3A_37] : memref<16384x128xf32, #tpu.memory_space<hbm>> -> memref<16384x128xf32, #tpu.memory_space<hbm>>
    tpu.enqueue_indirect_dma source(%dma_start3A_38 : memref<16384x128xf32, #tpu.memory_space<hbm>>) target(%arg6 : memref<128x128xf32, #tpu.memory_space<vmem>>) offsets(%dma_start3A_35 : memref<128xi32, #tpu.memory_space<vmem>>) semaphore(%arg8 : memref<!tpu.dma_semaphore, #tpu.memory_space<semaphore_mem>>)
    %dma_wait3A_39 = arith.constant 0 : i32
    %dma_wait3A_40 = tpu.memref_slice %arg5[%add3A_15, %dma_wait3A_39] : memref<96x128xi32, #tpu.memory_space<vmem>> -> memref<1x128xi32, #tpu.memory_space<vmem>>
    %dma_wait3A_41 = tpu.memref_squeeze %dma_wait3A_40 : memref<1x128xi32, #tpu.memory_space<vmem>> -> memref<128xi32, #tpu.memory_space<vmem>>
    %dma_wait3A_42 = arith.constant 0 : i32
    %dma_wait3A_43 = arith.constant 0 : i32
    %dma_wait3A_44 = tpu.memref_slice %arg3[%dma_wait3A_42, %dma_wait3A_43] : memref<16384x128xf32, #tpu.memory_space<hbm>> -> memref<16384x128xf32, #tpu.memory_space<hbm>>
    tpu.wait_indirect_dma semaphore(%arg9 : memref<!tpu.dma_semaphore, #tpu.memory_space<semaphore_mem>>) src(%dma_wait3A_44 : memref<16384x128xf32, #tpu.memory_space<hbm>>) dst(%arg7 : memref<128x128xf32, #tpu.memory_space<vmem>>)
    %add3A_45 = arith.constant 128 : i32
    %add3A_46 = arith.addi %mul3A_4, %add3A_45 : i32
    "tpu.region"() ({
      %run_scoped3A = tpu.sem_alloc : memref<!tpu.dma_semaphore, #tpu.memory_space<semaphore_mem>>
      %dma_start3A_55 = arith.constant 0 : i32
      %dma_start3A_56 = tpu.memref_slice %arg4[%add3A_46, %dma_start3A_55] : memref<12288x128xf32, #tpu.memory_space<hbm>> -> memref<128x128xf32, #tpu.memory_space<hbm>>
      %dma_start3A_57 = arith.constant 0 : i32
      %dma_start3A_58 = tpu.memref_slice %arg4[%add3A_46, %dma_start3A_57] : memref<12288x128xf32, #tpu.memory_space<hbm>> -> memref<128x128xf32, #tpu.memory_space<hbm>>
      tpu.enqueue_dma source(%arg7 : memref<128x128xf32, #tpu.memory_space<vmem>>) target(%dma_start3A_58 : memref<128x128xf32, #tpu.memory_space<hbm>>) target_semaphore(%run_scoped3A : memref<!tpu.dma_semaphore, #tpu.memory_space<semaphore_mem>>)
      %dma_wait3A_59 = arith.constant 0 : i32
      %dma_wait3A_60 = tpu.memref_slice %arg4[%add3A_46, %dma_wait3A_59] : memref<12288x128xf32, #tpu.memory_space<hbm>> -> memref<128x128xf32, #tpu.memory_space<hbm>>
      %dma_wait3A_61 = arith.constant 0 : i32
      %dma_wait3A_62 = tpu.memref_slice %arg4[%add3A_46, %dma_wait3A_61] : memref<12288x128xf32, #tpu.memory_space<hbm>> -> memref<128x128xf32, #tpu.memory_space<hbm>>
      tpu.wait_dma2 semaphore(%run_scoped3A : memref<!tpu.dma_semaphore, #tpu.memory_space<semaphore_mem>>) src(%arg7 : memref<128x128xf32, #tpu.memory_space<vmem>>) dst(%dma_wait3A_62 : memref<128x128xf32, #tpu.memory_space<hbm>>)
      tpu.yield
    }) : () -> ()
    %dma_wait3A_47 = arith.constant 0 : i32
    %dma_wait3A_48 = tpu.memref_slice %arg5[%add3A_32, %dma_wait3A_47] : memref<96x128xi32, #tpu.memory_space<vmem>> -> memref<1x128xi32, #tpu.memory_space<vmem>>
    %dma_wait3A_49 = tpu.memref_squeeze %dma_wait3A_48 : memref<1x128xi32, #tpu.memory_space<vmem>> -> memref<128xi32, #tpu.memory_space<vmem>>
    %dma_wait3A_50 = arith.constant 0 : i32
    %dma_wait3A_51 = arith.constant 0 : i32
    %dma_wait3A_52 = tpu.memref_slice %arg3[%dma_wait3A_50, %dma_wait3A_51] : memref<16384x128xf32, #tpu.memory_space<hbm>> -> memref<16384x128xf32, #tpu.memory_space<hbm>>
    tpu.wait_indirect_dma semaphore(%arg8 : memref<!tpu.dma_semaphore, #tpu.memory_space<semaphore_mem>>) src(%dma_wait3A_52 : memref<16384x128xf32, #tpu.memory_space<hbm>>) dst(%arg6 : memref<128x128xf32, #tpu.memory_space<vmem>>)
    %add3A_53 = arith.constant 256 : i32
    %add3A_54 = arith.addi %mul3A_4, %add3A_53 : i32
    "tpu.region"() ({
      %run_scoped3A = tpu.sem_alloc : memref<!tpu.dma_semaphore, #tpu.memory_space<semaphore_mem>>
      %dma_start3A_55 = arith.constant 0 : i32
      %dma_start3A_56 = tpu.memref_slice %arg4[%add3A_54, %dma_start3A_55] : memref<12288x128xf32, #tpu.memory_space<hbm>> -> memref<128x128xf32, #tpu.memory_space<hbm>>
      %dma_start3A_57 = arith.constant 0 : i32
      %dma_start3A_58 = tpu.memref_slice %arg4[%add3A_54, %dma_start3A_57] : memref<12288x128xf32, #tpu.memory_space<hbm>> -> memref<128x128xf32, #tpu.memory_space<hbm>>
      tpu.enqueue_dma source(%arg6 : memref<128x128xf32, #tpu.memory_space<vmem>>) target(%dma_start3A_58 : memref<128x128xf32, #tpu.memory_space<hbm>>) target_semaphore(%run_scoped3A : memref<!tpu.dma_semaphore, #tpu.memory_space<semaphore_mem>>)
      %dma_wait3A_59 = arith.constant 0 : i32
      %dma_wait3A_60 = tpu.memref_slice %arg4[%add3A_54, %dma_wait3A_59] : memref<12288x128xf32, #tpu.memory_space<hbm>> -> memref<128x128xf32, #tpu.memory_space<hbm>>
      %dma_wait3A_61 = arith.constant 0 : i32
      %dma_wait3A_62 = tpu.memref_slice %arg4[%add3A_54, %dma_wait3A_61] : memref<12288x128xf32, #tpu.memory_space<hbm>> -> memref<128x128xf32, #tpu.memory_space<hbm>>
      tpu.wait_dma2 semaphore(%run_scoped3A : memref<!tpu.dma_semaphore, #tpu.memory_space<semaphore_mem>>) src(%arg6 : memref<128x128xf32, #tpu.memory_space<vmem>>) dst(%dma_wait3A_62 : memref<128x128xf32, #tpu.memory_space<hbm>>)
      tpu.yield
    }) : () -> ()
    return
  }
}

#map = affine_map<(d0, d1) -> (0, 0)>
module attributes {stable_mosaic.version = 14 : i64} {
  func.func @ptbuild(%arg0: i32, %arg1: i32, %arg2: memref<512x64xf32, #tpu.memory_space<hbm>>, %arg3: memref<16384x128xf32, #tpu.memory_space<hbm>>, %arg4: memref<8x64xf32, #tpu.memory_space<vmem>>, %arg5: memref<64x64xf32, #tpu.memory_space<vmem>>, %arg6: memref<64x128xf32, #tpu.memory_space<vmem>>) attributes {dimension_semantics = [#tpu.dimension_semantics<core_parallel>, #tpu.dimension_semantics<subcore_parallel>], iteration_bounds = array<i64: 2, 16>, scalar_prefetch = 0 : i64, scratch_operands = 3 : i64, tpu.core_type = #tpu.core_type<sc_vector_subcore>, window_params = [{transform_indices = #map}, {transform_indices = #map}]} {
    %mul3A = arith.constant 2 : i32
    %mul3A_0 = arith.muli %arg1, %mul3A : i32
    %add3A = arith.addi %mul3A_0, %arg0 : i32
    %jit3A = arith.constant 8 : i32
    %div3A = arith.divsi %add3A, %jit3A : i32
    %sign3A = arith.constant 0 : i32
    %sign3A_1 = arith.cmpi sgt, %add3A, %sign3A : i32
    %sign3A_2 = arith.extui %sign3A_1 : i1 to i32
    %sign3A_3 = arith.constant 0 : i32
    %sign3A_4 = arith.cmpi slt, %add3A, %sign3A_3 : i32
    %sign3A_5 = arith.extui %sign3A_4 : i1 to i32
    %sign3A_6 = arith.subi %sign3A_2, %sign3A_5 : i32
    %sign3A_7 = arith.constant 0 : i32
    %sign3A_8 = arith.cmpi sgt, %jit3A, %sign3A_7 : i32
    %sign3A_9 = arith.extui %sign3A_8 : i1 to i32
    %sign3A_10 = arith.constant 0 : i32
    %sign3A_11 = arith.cmpi slt, %jit3A, %sign3A_10 : i32
    %sign3A_12 = arith.extui %sign3A_11 : i1 to i32
    %sign3A_13 = arith.subi %sign3A_9, %sign3A_12 : i32
    %ne3A = arith.cmpi ne, %sign3A_6, %sign3A_13 : i32
    %rem3A = arith.remsi %add3A, %jit3A : i32
    %ne3A_14 = arith.constant 0 : i32
    %ne3A_15 = arith.cmpi ne, %rem3A, %ne3A_14 : i32
    %and3A = arith.andi %ne3A, %ne3A_15 : i1
    %sub3A = arith.constant 1 : i32
    %sub3A_16 = arith.subi %div3A, %sub3A : i32
    %select_n3A = arith.select %and3A, %sub3A_16, %div3A : i32
    %jit3A_17 = arith.constant 8 : i32
    %eq3A = arith.constant 0 : i32
    %eq3A_18 = arith.cmpi eq, %jit3A_17, %eq3A : i32
    %jit3A_19 = arith.constant 1 : i32
    %select_n3A_20 = arith.select %eq3A_18, %jit3A_19, %jit3A_17 : i32
    %rem3A_21 = arith.remsi %add3A, %select_n3A_20 : i32
    %ne3A_22 = arith.constant 0 : i32
    %ne3A_23 = arith.cmpi ne, %rem3A_21, %ne3A_22 : i32
    %lt3A = arith.constant 0 : i32
    %lt3A_24 = arith.cmpi slt, %rem3A_21, %lt3A : i32
    %lt3A_25 = arith.constant 0 : i32
    %lt3A_26 = arith.cmpi slt, %select_n3A_20, %lt3A_25 : i32
    %ne3A_27 = arith.xori %lt3A_24, %lt3A_26 : i1
    %and3A_28 = arith.andi %ne3A_27, %ne3A_23 : i1
    %add3A_29 = arith.addi %rem3A_21, %select_n3A_20 : i32
    %select_n3A_30 = arith.select %and3A_28, %add3A_29, %rem3A_21 : i32
    %mul3A_31 = arith.constant 8 : i32
    %mul3A_32 = arith.muli %select_n3A_30, %mul3A_31 : i32
    %mul3A_33 = arith.constant 2 : i32
    %mul3A_34 = arith.muli %select_n3A, %mul3A_33 : i32
    %mul3A_35 = arith.constant 64 : i32
    %mul3A_36 = arith.muli %mul3A_34, %mul3A_35 : i32
    %add3A_37 = arith.addi %mul3A_36, %mul3A_32 : i32
    "tpu.region"() ({
      %run_scoped3A = tpu.sem_alloc : memref<!tpu.dma_semaphore, #tpu.memory_space<semaphore_mem>>
      %dma_start3A = arith.constant 0 : i32
      %dma_start3A_297 = tpu.memref_slice %arg2[%add3A_37, %dma_start3A] : memref<512x64xf32, #tpu.memory_space<hbm>> -> memref<8x64xf32, #tpu.memory_space<hbm>>
      %dma_start3A_298 = arith.constant 0 : i32
      %dma_start3A_299 = tpu.memref_slice %arg2[%add3A_37, %dma_start3A_298] : memref<512x64xf32, #tpu.memory_space<hbm>> -> memref<8x64xf32, #tpu.memory_space<hbm>>
      tpu.enqueue_dma source(%dma_start3A_299 : memref<8x64xf32, #tpu.memory_space<hbm>>) target(%arg4 : memref<8x64xf32, #tpu.memory_space<vmem>>) target_semaphore(%run_scoped3A : memref<!tpu.dma_semaphore, #tpu.memory_space<semaphore_mem>>)
      %dma_wait3A = arith.constant 0 : i32
      %dma_wait3A_300 = tpu.memref_slice %arg2[%add3A_37, %dma_wait3A] : memref<512x64xf32, #tpu.memory_space<hbm>> -> memref<8x64xf32, #tpu.memory_space<hbm>>
      %dma_wait3A_301 = arith.constant 0 : i32
      %dma_wait3A_302 = tpu.memref_slice %arg2[%add3A_37, %dma_wait3A_301] : memref<512x64xf32, #tpu.memory_space<hbm>> -> memref<8x64xf32, #tpu.memory_space<hbm>>
      tpu.wait_dma2 semaphore(%run_scoped3A : memref<!tpu.dma_semaphore, #tpu.memory_space<semaphore_mem>>) src(%dma_wait3A_302 : memref<8x64xf32, #tpu.memory_space<hbm>>) dst(%arg4 : memref<8x64xf32, #tpu.memory_space<vmem>>)
      tpu.yield
    }) : () -> ()
    %mul3A_38 = arith.constant 2 : i32
    %mul3A_39 = arith.muli %select_n3A, %mul3A_38 : i32
    %mul3A_40 = arith.constant 64 : i32
    %mul3A_41 = arith.muli %mul3A_39, %mul3A_40 : i32
    %add3A_42 = arith.constant 64 : i32
    %add3A_43 = arith.addi %mul3A_41, %add3A_42 : i32
    "tpu.region"() ({
      %run_scoped3A = tpu.sem_alloc : memref<!tpu.dma_semaphore, #tpu.memory_space<semaphore_mem>>
      %dma_start3A = arith.constant 0 : i32
      %dma_start3A_297 = tpu.memref_slice %arg2[%add3A_43, %dma_start3A] : memref<512x64xf32, #tpu.memory_space<hbm>> -> memref<64x64xf32, #tpu.memory_space<hbm>>
      %dma_start3A_298 = arith.constant 0 : i32
      %dma_start3A_299 = tpu.memref_slice %arg2[%add3A_43, %dma_start3A_298] : memref<512x64xf32, #tpu.memory_space<hbm>> -> memref<64x64xf32, #tpu.memory_space<hbm>>
      tpu.enqueue_dma source(%dma_start3A_299 : memref<64x64xf32, #tpu.memory_space<hbm>>) target(%arg5 : memref<64x64xf32, #tpu.memory_space<vmem>>) target_semaphore(%run_scoped3A : memref<!tpu.dma_semaphore, #tpu.memory_space<semaphore_mem>>)
      %dma_wait3A = arith.constant 0 : i32
      %dma_wait3A_300 = tpu.memref_slice %arg2[%add3A_43, %dma_wait3A] : memref<512x64xf32, #tpu.memory_space<hbm>> -> memref<64x64xf32, #tpu.memory_space<hbm>>
      %dma_wait3A_301 = arith.constant 0 : i32
      %dma_wait3A_302 = tpu.memref_slice %arg2[%add3A_43, %dma_wait3A_301] : memref<512x64xf32, #tpu.memory_space<hbm>> -> memref<64x64xf32, #tpu.memory_space<hbm>>
      tpu.wait_dma2 semaphore(%run_scoped3A : memref<!tpu.dma_semaphore, #tpu.memory_space<semaphore_mem>>) src(%dma_wait3A_302 : memref<64x64xf32, #tpu.memory_space<hbm>>) dst(%arg5 : memref<64x64xf32, #tpu.memory_space<vmem>>)
      tpu.yield
    }) : () -> ()
    %scan3A = arith.constant 0 : i32
    %scan3A_44 = arith.constant 0 : i32
    %scan3A_45 = arith.constant 64 : i32
    %scan3A_46 = arith.addi %scan3A_44, %scan3A_45 : i32
    %scan3A_47 = arith.constant 1 : i32
    %scan3A_48 = scf.for %scan3A_297 = %scan3A_44 to %scan3A_46 step %scan3A_47 iter_args(%scan3A_298 = %scan3A) -> (i32)  : i32 {
      %get3A_299 = arith.index_cast %scan3A_297 : i32 to index
      %get3A_300 = arith.constant 0 : index
      %get3A_301 = tpu.vector_load %arg5[%get3A_299, %get3A_300] {strides = array<i32>} : memref<64x64xf32, #tpu.memory_space<vmem>>, vector<1x16xf32>,
      %get3A_302 = vector.shape_cast %get3A_301 : vector<1x16xf32> to vector<16xf32>
      %swap3A = arith.index_cast %scan3A_297 : i32 to index
      %swap3A_303 = arith.constant 64 : index
      %swap3A_304 = tpu.vector_load %arg6[%swap3A, %swap3A_303] {strides = array<i32>} : memref<64x128xf32, #tpu.memory_space<vmem>>, vector<1x16xf32>,
      %swap3A_305 = vector.shape_cast %swap3A_304 : vector<1x16xf32> to vector<16xf32>
      %swap3A_306 = vector.shape_cast %get3A_302 : vector<16xf32> to vector<1x16xf32>
      tpu.vector_store %arg6[%swap3A, %swap3A_303], %swap3A_306 {strides = array<i32>} : memref<64x128xf32, #tpu.memory_space<vmem>>, vector<1x16xf32>,
      %get3A_307 = arith.index_cast %scan3A_297 : i32 to index
      %get3A_308 = arith.constant 16 : index
      %get3A_309 = tpu.vector_load %arg5[%get3A_307, %get3A_308] {strides = array<i32>} : memref<64x64xf32, #tpu.memory_space<vmem>>, vector<1x16xf32>,
      %get3A_310 = vector.shape_cast %get3A_309 : vector<1x16xf32> to vector<16xf32>
      %swap3A_311 = arith.index_cast %scan3A_297 : i32 to index
      %swap3A_312 = arith.constant 80 : index
      %swap3A_313 = tpu.vector_load %arg6[%swap3A_311, %swap3A_312] {strides = array<i32>} : memref<64x128xf32, #tpu.memory_space<vmem>>, vector<1x16xf32>,
      %swap3A_314 = vector.shape_cast %swap3A_313 : vector<1x16xf32> to vector<16xf32>
      %swap3A_315 = vector.shape_cast %get3A_310 : vector<16xf32> to vector<1x16xf32>
      tpu.vector_store %arg6[%swap3A_311, %swap3A_312], %swap3A_315 {strides = array<i32>} : memref<64x128xf32, #tpu.memory_space<vmem>>, vector<1x16xf32>,
      %get3A_316 = arith.index_cast %scan3A_297 : i32 to index
      %get3A_317 = arith.constant 32 : index
      %get3A_318 = tpu.vector_load %arg5[%get3A_316, %get3A_317] {strides = array<i32>} : memref<64x64xf32, #tpu.memory_space<vmem>>, vector<1x16xf32>,
      %get3A_319 = vector.shape_cast %get3A_318 : vector<1x16xf32> to vector<16xf32>
      %swap3A_320 = arith.index_cast %scan3A_297 : i32 to index
      %swap3A_321 = arith.constant 96 : index
      %swap3A_322 = tpu.vector_load %arg6[%swap3A_320, %swap3A_321] {strides = array<i32>} : memref<64x128xf32, #tpu.memory_space<vmem>>, vector<1x16xf32>,
      %swap3A_323 = vector.shape_cast %swap3A_322 : vector<1x16xf32> to vector<16xf32>
      %swap3A_324 = vector.shape_cast %get3A_319 : vector<16xf32> to vector<1x16xf32>
      tpu.vector_store %arg6[%swap3A_320, %swap3A_321], %swap3A_324 {strides = array<i32>} : memref<64x128xf32, #tpu.memory_space<vmem>>, vector<1x16xf32>,
      %get3A_325 = arith.index_cast %scan3A_297 : i32 to index
      %get3A_326 = arith.constant 48 : index
      %get3A_327 = tpu.vector_load %arg5[%get3A_325, %get3A_326] {strides = array<i32>} : memref<64x64xf32, #tpu.memory_space<vmem>>, vector<1x16xf32>,
      %get3A_328 = vector.shape_cast %get3A_327 : vector<1x16xf32> to vector<16xf32>
      %swap3A_329 = arith.index_cast %scan3A_297 : i32 to index
      %swap3A_330 = arith.constant 112 : index
      %swap3A_331 = tpu.vector_load %arg6[%swap3A_329, %swap3A_330] {strides = array<i32>} : memref<64x128xf32, #tpu.memory_space<vmem>>, vector<1x16xf32>,
      %swap3A_332 = vector.shape_cast %swap3A_331 : vector<1x16xf32> to vector<16xf32>
      %swap3A_333 = vector.shape_cast %get3A_328 : vector<16xf32> to vector<1x16xf32>
      tpu.vector_store %arg6[%swap3A_329, %swap3A_330], %swap3A_333 {strides = array<i32>} : memref<64x128xf32, #tpu.memory_space<vmem>>, vector<1x16xf32>,
      %scan3A_334 = arith.constant 0 : i32
      scf.yield %scan3A_334 : i32
    }
    %scan3A_49 = arith.constant 64 : i32
    %get3A = arith.constant 0 : i32
    %get3A_50 = arith.index_cast %get3A : i32 to index
    %get3A_51 = arith.constant 0 : index
    %get3A_52 = tpu.vector_load %arg4[%get3A_50, %get3A_51] {strides = array<i32>} : memref<8x64xf32, #tpu.memory_space<vmem>>, vector<1x16xf32>,
    %get3A_53 = vector.shape_cast %get3A_52 : vector<1x16xf32> to vector<16xf32>
    %get3A_54 = arith.constant 0 : i32
    %get3A_55 = arith.index_cast %get3A_54 : i32 to index
    %get3A_56 = arith.constant 16 : index
    %get3A_57 = tpu.vector_load %arg4[%get3A_55, %get3A_56] {strides = array<i32>} : memref<8x64xf32, #tpu.memory_space<vmem>>, vector<1x16xf32>,
    %get3A_58 = vector.shape_cast %get3A_57 : vector<1x16xf32> to vector<16xf32>
    %get3A_59 = arith.constant 0 : i32
    %get3A_60 = arith.index_cast %get3A_59 : i32 to index
    %get3A_61 = arith.constant 32 : index
    %get3A_62 = tpu.vector_load %arg4[%get3A_60, %get3A_61] {strides = array<i32>} : memref<8x64xf32, #tpu.memory_space<vmem>>, vector<1x16xf32>,
    %get3A_63 = vector.shape_cast %get3A_62 : vector<1x16xf32> to vector<16xf32>
    %get3A_64 = arith.constant 0 : i32
    %get3A_65 = arith.index_cast %get3A_64 : i32 to index
    %get3A_66 = arith.constant 48 : index
    %get3A_67 = tpu.vector_load %arg4[%get3A_65, %get3A_66] {strides = array<i32>} : memref<8x64xf32, #tpu.memory_space<vmem>>, vector<1x16xf32>,
    %get3A_68 = vector.shape_cast %get3A_67 : vector<1x16xf32> to vector<16xf32>
    %scan3A_69 = arith.constant 0 : i32
    %scan3A_70 = arith.constant 0 : i32
    %scan3A_71 = arith.constant 64 : i32
    %scan3A_72 = arith.addi %scan3A_70, %scan3A_71 : i32
    %scan3A_73 = arith.constant 1 : i32
    %scan3A_74 = scf.for %scan3A_297 = %scan3A_70 to %scan3A_72 step %scan3A_73 iter_args(%scan3A_298 = %scan3A_69) -> (i32)  : i32 {
      %swap3A = arith.index_cast %scan3A_297 : i32 to index
      %swap3A_299 = arith.constant 0 : index
      %swap3A_300 = tpu.vector_load %arg6[%swap3A, %swap3A_299] {strides = array<i32>} : memref<64x128xf32, #tpu.memory_space<vmem>>, vector<1x16xf32>,
      %swap3A_301 = vector.shape_cast %swap3A_300 : vector<1x16xf32> to vector<16xf32>
      %swap3A_302 = vector.shape_cast %get3A_53 : vector<16xf32> to vector<1x16xf32>
      tpu.vector_store %arg6[%swap3A, %swap3A_299], %swap3A_302 {strides = array<i32>} : memref<64x128xf32, #tpu.memory_space<vmem>>, vector<1x16xf32>,
      %swap3A_303 = arith.index_cast %scan3A_297 : i32 to index
      %swap3A_304 = arith.constant 16 : index
      %swap3A_305 = tpu.vector_load %arg6[%swap3A_303, %swap3A_304] {strides = array<i32>} : memref<64x128xf32, #tpu.memory_space<vmem>>, vector<1x16xf32>,
      %swap3A_306 = vector.shape_cast %swap3A_305 : vector<1x16xf32> to vector<16xf32>
      %swap3A_307 = vector.shape_cast %get3A_58 : vector<16xf32> to vector<1x16xf32>
      tpu.vector_store %arg6[%swap3A_303, %swap3A_304], %swap3A_307 {strides = array<i32>} : memref<64x128xf32, #tpu.memory_space<vmem>>, vector<1x16xf32>,
      %swap3A_308 = arith.index_cast %scan3A_297 : i32 to index
      %swap3A_309 = arith.constant 32 : index
      %swap3A_310 = tpu.vector_load %arg6[%swap3A_308, %swap3A_309] {strides = array<i32>} : memref<64x128xf32, #tpu.memory_space<vmem>>, vector<1x16xf32>,
      %swap3A_311 = vector.shape_cast %swap3A_310 : vector<1x16xf32> to vector<16xf32>
      %swap3A_312 = vector.shape_cast %get3A_63 : vector<16xf32> to vector<1x16xf32>
      tpu.vector_store %arg6[%swap3A_308, %swap3A_309], %swap3A_312 {strides = array<i32>} : memref<64x128xf32, #tpu.memory_space<vmem>>, vector<1x16xf32>,
      %swap3A_313 = arith.index_cast %scan3A_297 : i32 to index
      %swap3A_314 = arith.constant 48 : index
      %swap3A_315 = tpu.vector_load %arg6[%swap3A_313, %swap3A_314] {strides = array<i32>} : memref<64x128xf32, #tpu.memory_space<vmem>>, vector<1x16xf32>,
      %swap3A_316 = vector.shape_cast %swap3A_315 : vector<1x16xf32> to vector<16xf32>
      %swap3A_317 = vector.shape_cast %get3A_68 : vector<16xf32> to vector<1x16xf32>
      tpu.vector_store %arg6[%swap3A_313, %swap3A_314], %swap3A_317 {strides = array<i32>} : memref<64x128xf32, #tpu.memory_space<vmem>>, vector<1x16xf32>,
      %scan3A_318 = arith.constant 0 : i32
      scf.yield %scan3A_318 : i32
    }
    %scan3A_75 = arith.constant 64 : i32
    %mul3A_76 = arith.constant 512 : i32
    %mul3A_77 = arith.muli %add3A, %mul3A_76 : i32
    %add3A_78 = arith.constant 0 : i32
    %add3A_79 = arith.addi %mul3A_77, %add3A_78 : i32
    "tpu.region"() ({
      %run_scoped3A = tpu.sem_alloc : memref<!tpu.dma_semaphore, #tpu.memory_space<semaphore_mem>>
      %dma_start3A = arith.constant 0 : i32
      %dma_start3A_297 = tpu.memref_slice %arg3[%add3A_79, %dma_start3A] : memref<16384x128xf32, #tpu.memory_space<hbm>> -> memref<64x128xf32, #tpu.memory_space<hbm>>
      %dma_start3A_298 = arith.constant 0 : i32
      %dma_start3A_299 = tpu.memref_slice %arg3[%add3A_79, %dma_start3A_298] : memref<16384x128xf32, #tpu.memory_space<hbm>> -> memref<64x128xf32, #tpu.memory_space<hbm>>
      tpu.enqueue_dma source(%arg6 : memref<64x128xf32, #tpu.memory_space<vmem>>) target(%dma_start3A_299 : memref<64x128xf32, #tpu.memory_space<hbm>>) target_semaphore(%run_scoped3A : memref<!tpu.dma_semaphore, #tpu.memory_space<semaphore_mem>>)
      %dma_wait3A = arith.constant 0 : i32
      %dma_wait3A_300 = tpu.memref_slice %arg3[%add3A_79, %dma_wait3A] : memref<16384x128xf32, #tpu.memory_space<hbm>> -> memref<64x128xf32, #tpu.memory_space<hbm>>
      %dma_wait3A_301 = arith.constant 0 : i32
      %dma_wait3A_302 = tpu.memref_slice %arg3[%add3A_79, %dma_wait3A_301] : memref<16384x128xf32, #tpu.memory_space<hbm>> -> memref<64x128xf32, #tpu.memory_space<hbm>>
      tpu.wait_dma2 semaphore(%run_scoped3A : memref<!tpu.dma_semaphore, #tpu.memory_space<semaphore_mem>>) src(%arg6 : memref<64x128xf32, #tpu.memory_space<vmem>>) dst(%dma_wait3A_302 : memref<64x128xf32, #tpu.memory_space<hbm>>)
      tpu.yield
    }) : () -> ()
    %get3A_80 = arith.constant 1 : i32
    %get3A_81 = arith.index_cast %get3A_80 : i32 to index
    %get3A_82 = arith.constant 0 : index
    %get3A_83 = tpu.vector_load %arg4[%get3A_81, %get3A_82] {strides = array<i32>} : memref<8x64xf32, #tpu.memory_space<vmem>>, vector<1x16xf32>,
    %get3A_84 = vector.shape_cast %get3A_83 : vector<1x16xf32> to vector<16xf32>
    %get3A_85 = arith.constant 1 : i32
    %get3A_86 = arith.index_cast %get3A_85 : i32 to index
    %get3A_87 = arith.constant 16 : index
    %get3A_88 = tpu.vector_load %arg4[%get3A_86, %get3A_87] {strides = array<i32>} : memref<8x64xf32, #tpu.memory_space<vmem>>, vector<1x16xf32>,
    %get3A_89 = vector.shape_cast %get3A_88 : vector<1x16xf32> to vector<16xf32>
    %get3A_90 = arith.constant 1 : i32
    %get3A_91 = arith.index_cast %get3A_90 : i32 to index
    %get3A_92 = arith.constant 32 : index
    %get3A_93 = tpu.vector_load %arg4[%get3A_91, %get3A_92] {strides = array<i32>} : memref<8x64xf32, #tpu.memory_space<vmem>>, vector<1x16xf32>,
    %get3A_94 = vector.shape_cast %get3A_93 : vector<1x16xf32> to vector<16xf32>
    %get3A_95 = arith.constant 1 : i32
    %get3A_96 = arith.index_cast %get3A_95 : i32 to index
    %get3A_97 = arith.constant 48 : index
    %get3A_98 = tpu.vector_load %arg4[%get3A_96, %get3A_97] {strides = array<i32>} : memref<8x64xf32, #tpu.memory_space<vmem>>, vector<1x16xf32>,
    %get3A_99 = vector.shape_cast %get3A_98 : vector<1x16xf32> to vector<16xf32>
    %scan3A_100 = arith.constant 0 : i32
    %scan3A_101 = arith.constant 0 : i32
    %scan3A_102 = arith.constant 64 : i32
    %scan3A_103 = arith.addi %scan3A_101, %scan3A_102 : i32
    %scan3A_104 = arith.constant 1 : i32
    %scan3A_105 = scf.for %scan3A_297 = %scan3A_101 to %scan3A_103 step %scan3A_104 iter_args(%scan3A_298 = %scan3A_100) -> (i32)  : i32 {
      %swap3A = arith.index_cast %scan3A_297 : i32 to index
      %swap3A_299 = arith.constant 0 : index
      %swap3A_300 = tpu.vector_load %arg6[%swap3A, %swap3A_299] {strides = array<i32>} : memref<64x128xf32, #tpu.memory_space<vmem>>, vector<1x16xf32>,
      %swap3A_301 = vector.shape_cast %swap3A_300 : vector<1x16xf32> to vector<16xf32>
      %swap3A_302 = vector.shape_cast %get3A_84 : vector<16xf32> to vector<1x16xf32>
      tpu.vector_store %arg6[%swap3A, %swap3A_299], %swap3A_302 {strides = array<i32>} : memref<64x128xf32, #tpu.memory_space<vmem>>, vector<1x16xf32>,
      %swap3A_303 = arith.index_cast %scan3A_297 : i32 to index
      %swap3A_304 = arith.constant 16 : index
      %swap3A_305 = tpu.vector_load %arg6[%swap3A_303, %swap3A_304] {strides = array<i32>} : memref<64x128xf32, #tpu.memory_space<vmem>>, vector<1x16xf32>,
      %swap3A_306 = vector.shape_cast %swap3A_305 : vector<1x16xf32> to vector<16xf32>
      %swap3A_307 = vector.shape_cast %get3A_89 : vector<16xf32> to vector<1x16xf32>
      tpu.vector_store %arg6[%swap3A_303, %swap3A_304], %swap3A_307 {strides = array<i32>} : memref<64x128xf32, #tpu.memory_space<vmem>>, vector<1x16xf32>,
      %swap3A_308 = arith.index_cast %scan3A_297 : i32 to index
      %swap3A_309 = arith.constant 32 : index
      %swap3A_310 = tpu.vector_load %arg6[%swap3A_308, %swap3A_309] {strides = array<i32>} : memref<64x128xf32, #tpu.memory_space<vmem>>, vector<1x16xf32>,
      %swap3A_311 = vector.shape_cast %swap3A_310 : vector<1x16xf32> to vector<16xf32>
      %swap3A_312 = vector.shape_cast %get3A_94 : vector<16xf32> to vector<1x16xf32>
      tpu.vector_store %arg6[%swap3A_308, %swap3A_309], %swap3A_312 {strides = array<i32>} : memref<64x128xf32, #tpu.memory_space<vmem>>, vector<1x16xf32>,
      %swap3A_313 = arith.index_cast %scan3A_297 : i32 to index
      %swap3A_314 = arith.constant 48 : index
      %swap3A_315 = tpu.vector_load %arg6[%swap3A_313, %swap3A_314] {strides = array<i32>} : memref<64x128xf32, #tpu.memory_space<vmem>>, vector<1x16xf32>,
      %swap3A_316 = vector.shape_cast %swap3A_315 : vector<1x16xf32> to vector<16xf32>
      %swap3A_317 = vector.shape_cast %get3A_99 : vector<16xf32> to vector<1x16xf32>
      tpu.vector_store %arg6[%swap3A_313, %swap3A_314], %swap3A_317 {strides = array<i32>} : memref<64x128xf32, #tpu.memory_space<vmem>>, vector<1x16xf32>,
      %scan3A_318 = arith.constant 0 : i32
      scf.yield %scan3A_318 : i32
    }
    %scan3A_106 = arith.constant 64 : i32
    %mul3A_107 = arith.constant 512 : i32
    %mul3A_108 = arith.muli %add3A, %mul3A_107 : i32
    %add3A_109 = arith.constant 64 : i32
    %add3A_110 = arith.addi %mul3A_108, %add3A_109 : i32
    "tpu.region"() ({
      %run_scoped3A = tpu.sem_alloc : memref<!tpu.dma_semaphore, #tpu.memory_space<semaphore_mem>>
      %dma_start3A = arith.constant 0 : i32
      %dma_start3A_297 = tpu.memref_slice %arg3[%add3A_110, %dma_start3A] : memref<16384x128xf32, #tpu.memory_space<hbm>> -> memref<64x128xf32, #tpu.memory_space<hbm>>
      %dma_start3A_298 = arith.constant 0 : i32
      %dma_start3A_299 = tpu.memref_slice %arg3[%add3A_110, %dma_start3A_298] : memref<16384x128xf32, #tpu.memory_space<hbm>> -> memref<64x128xf32, #tpu.memory_space<hbm>>
      tpu.enqueue_dma source(%arg6 : memref<64x128xf32, #tpu.memory_space<vmem>>) target(%dma_start3A_299 : memref<64x128xf32, #tpu.memory_space<hbm>>) target_semaphore(%run_scoped3A : memref<!tpu.dma_semaphore, #tpu.memory_space<semaphore_mem>>)
      %dma_wait3A = arith.constant 0 : i32
      %dma_wait3A_300 = tpu.memref_slice %arg3[%add3A_110, %dma_wait3A] : memref<16384x128xf32, #tpu.memory_space<hbm>> -> memref<64x128xf32, #tpu.memory_space<hbm>>
      %dma_wait3A_301 = arith.constant 0 : i32
      %dma_wait3A_302 = tpu.memref_slice %arg3[%add3A_110, %dma_wait3A_301] : memref<16384x128xf32, #tpu.memory_space<hbm>> -> memref<64x128xf32, #tpu.memory_space<hbm>>
      tpu.wait_dma2 semaphore(%run_scoped3A : memref<!tpu.dma_semaphore, #tpu.memory_space<semaphore_mem>>) src(%arg6 : memref<64x128xf32, #tpu.memory_space<vmem>>) dst(%dma_wait3A_302 : memref<64x128xf32, #tpu.memory_space<hbm>>)
      tpu.yield
    }) : () -> ()
    %get3A_111 = arith.constant 2 : i32
    %get3A_112 = arith.index_cast %get3A_111 : i32 to index
    %get3A_113 = arith.constant 0 : index
    %get3A_114 = tpu.vector_load %arg4[%get3A_112, %get3A_113] {strides = array<i32>} : memref<8x64xf32, #tpu.memory_space<vmem>>, vector<1x16xf32>,
    %get3A_115 = vector.shape_cast %get3A_114 : vector<1x16xf32> to vector<16xf32>
    %get3A_116 = arith.constant 2 : i32
    %get3A_117 = arith.index_cast %get3A_116 : i32 to index
    %get3A_118 = arith.constant 16 : index
    %get3A_119 = tpu.vector_load %arg4[%get3A_117, %get3A_118] {strides = array<i32>} : memref<8x64xf32, #tpu.memory_space<vmem>>, vector<1x16xf32>,
    %get3A_120 = vector.shape_cast %get3A_119 : vector<1x16xf32> to vector<16xf32>
    %get3A_121 = arith.constant 2 : i32
    %get3A_122 = arith.index_cast %get3A_121 : i32 to index
    %get3A_123 = arith.constant 32 : index
    %get3A_124 = tpu.vector_load %arg4[%get3A_122, %get3A_123] {strides = array<i32>} : memref<8x64xf32, #tpu.memory_space<vmem>>, vector<1x16xf32>,
    %get3A_125 = vector.shape_cast %get3A_124 : vector<1x16xf32> to vector<16xf32>
    %get3A_126 = arith.constant 2 : i32
    %get3A_127 = arith.index_cast %get3A_126 : i32 to index
    %get3A_128 = arith.constant 48 : index
    %get3A_129 = tpu.vector_load %arg4[%get3A_127, %get3A_128] {strides = array<i32>} : memref<8x64xf32, #tpu.memory_space<vmem>>, vector<1x16xf32>,
    %get3A_130 = vector.shape_cast %get3A_129 : vector<1x16xf32> to vector<16xf32>
    %scan3A_131 = arith.constant 0 : i32
    %scan3A_132 = arith.constant 0 : i32
    %scan3A_133 = arith.constant 64 : i32
    %scan3A_134 = arith.addi %scan3A_132, %scan3A_133 : i32
    %scan3A_135 = arith.constant 1 : i32
    %scan3A_136 = scf.for %scan3A_297 = %scan3A_132 to %scan3A_134 step %scan3A_135 iter_args(%scan3A_298 = %scan3A_131) -> (i32)  : i32 {
      %swap3A = arith.index_cast %scan3A_297 : i32 to index
      %swap3A_299 = arith.constant 0 : index
      %swap3A_300 = tpu.vector_load %arg6[%swap3A, %swap3A_299] {strides = array<i32>} : memref<64x128xf32, #tpu.memory_space<vmem>>, vector<1x16xf32>,
      %swap3A_301 = vector.shape_cast %swap3A_300 : vector<1x16xf32> to vector<16xf32>
      %swap3A_302 = vector.shape_cast %get3A_115 : vector<16xf32> to vector<1x16xf32>
      tpu.vector_store %arg6[%swap3A, %swap3A_299], %swap3A_302 {strides = array<i32>} : memref<64x128xf32, #tpu.memory_space<vmem>>, vector<1x16xf32>,
      %swap3A_303 = arith.index_cast %scan3A_297 : i32 to index
      %swap3A_304 = arith.constant 16 : index
      %swap3A_305 = tpu.vector_load %arg6[%swap3A_303, %swap3A_304] {strides = array<i32>} : memref<64x128xf32, #tpu.memory_space<vmem>>, vector<1x16xf32>,
      %swap3A_306 = vector.shape_cast %swap3A_305 : vector<1x16xf32> to vector<16xf32>
      %swap3A_307 = vector.shape_cast %get3A_120 : vector<16xf32> to vector<1x16xf32>
      tpu.vector_store %arg6[%swap3A_303, %swap3A_304], %swap3A_307 {strides = array<i32>} : memref<64x128xf32, #tpu.memory_space<vmem>>, vector<1x16xf32>,
      %swap3A_308 = arith.index_cast %scan3A_297 : i32 to index
      %swap3A_309 = arith.constant 32 : index
      %swap3A_310 = tpu.vector_load %arg6[%swap3A_308, %swap3A_309] {strides = array<i32>} : memref<64x128xf32, #tpu.memory_space<vmem>>, vector<1x16xf32>,
      %swap3A_311 = vector.shape_cast %swap3A_310 : vector<1x16xf32> to vector<16xf32>
      %swap3A_312 = vector.shape_cast %get3A_125 : vector<16xf32> to vector<1x16xf32>
      tpu.vector_store %arg6[%swap3A_308, %swap3A_309], %swap3A_312 {strides = array<i32>} : memref<64x128xf32, #tpu.memory_space<vmem>>, vector<1x16xf32>,
      %swap3A_313 = arith.index_cast %scan3A_297 : i32 to index
      %swap3A_314 = arith.constant 48 : index
      %swap3A_315 = tpu.vector_load %arg6[%swap3A_313, %swap3A_314] {strides = array<i32>} : memref<64x128xf32, #tpu.memory_space<vmem>>, vector<1x16xf32>,
      %swap3A_316 = vector.shape_cast %swap3A_315 : vector<1x16xf32> to vector<16xf32>
      %swap3A_317 = vector.shape_cast %get3A_130 : vector<16xf32> to vector<1x16xf32>
      tpu.vector_store %arg6[%swap3A_313, %swap3A_314], %swap3A_317 {strides = array<i32>} : memref<64x128xf32, #tpu.memory_space<vmem>>, vector<1x16xf32>,
      %scan3A_318 = arith.constant 0 : i32
      scf.yield %scan3A_318 : i32
    }
    %scan3A_137 = arith.constant 64 : i32
    %mul3A_138 = arith.constant 512 : i32
    %mul3A_139 = arith.muli %add3A, %mul3A_138 : i32
    %add3A_140 = arith.constant 128 : i32
    %add3A_141 = arith.addi %mul3A_139, %add3A_140 : i32
    "tpu.region"() ({
      %run_scoped3A = tpu.sem_alloc : memref<!tpu.dma_semaphore, #tpu.memory_space<semaphore_mem>>
      %dma_start3A = arith.constant 0 : i32
      %dma_start3A_297 = tpu.memref_slice %arg3[%add3A_141, %dma_start3A] : memref<16384x128xf32, #tpu.memory_space<hbm>> -> memref<64x128xf32, #tpu.memory_space<hbm>>
      %dma_start3A_298 = arith.constant 0 : i32
      %dma_start3A_299 = tpu.memref_slice %arg3[%add3A_141, %dma_start3A_298] : memref<16384x128xf32, #tpu.memory_space<hbm>> -> memref<64x128xf32, #tpu.memory_space<hbm>>
      tpu.enqueue_dma source(%arg6 : memref<64x128xf32, #tpu.memory_space<vmem>>) target(%dma_start3A_299 : memref<64x128xf32, #tpu.memory_space<hbm>>) target_semaphore(%run_scoped3A : memref<!tpu.dma_semaphore, #tpu.memory_space<semaphore_mem>>)
      %dma_wait3A = arith.constant 0 : i32
      %dma_wait3A_300 = tpu.memref_slice %arg3[%add3A_141, %dma_wait3A] : memref<16384x128xf32, #tpu.memory_space<hbm>> -> memref<64x128xf32, #tpu.memory_space<hbm>>
      %dma_wait3A_301 = arith.constant 0 : i32
      %dma_wait3A_302 = tpu.memref_slice %arg3[%add3A_141, %dma_wait3A_301] : memref<16384x128xf32, #tpu.memory_space<hbm>> -> memref<64x128xf32, #tpu.memory_space<hbm>>
      tpu.wait_dma2 semaphore(%run_scoped3A : memref<!tpu.dma_semaphore, #tpu.memory_space<semaphore_mem>>) src(%arg6 : memref<64x128xf32, #tpu.memory_space<vmem>>) dst(%dma_wait3A_302 : memref<64x128xf32, #tpu.memory_space<hbm>>)
      tpu.yield
    }) : () -> ()
    %get3A_142 = arith.constant 3 : i32
    %get3A_143 = arith.index_cast %get3A_142 : i32 to index
    %get3A_144 = arith.constant 0 : index
    %get3A_145 = tpu.vector_load %arg4[%get3A_143, %get3A_144] {strides = array<i32>} : memref<8x64xf32, #tpu.memory_space<vmem>>, vector<1x16xf32>,
    %get3A_146 = vector.shape_cast %get3A_145 : vector<1x16xf32> to vector<16xf32>
    %get3A_147 = arith.constant 3 : i32
    %get3A_148 = arith.index_cast %get3A_147 : i32 to index
    %get3A_149 = arith.constant 16 : index
    %get3A_150 = tpu.vector_load %arg4[%get3A_148, %get3A_149] {strides = array<i32>} : memref<8x64xf32, #tpu.memory_space<vmem>>, vector<1x16xf32>,
    %get3A_151 = vector.shape_cast %get3A_150 : vector<1x16xf32> to vector<16xf32>
    %get3A_152 = arith.constant 3 : i32
    %get3A_153 = arith.index_cast %get3A_152 : i32 to index
    %get3A_154 = arith.constant 32 : index
    %get3A_155 = tpu.vector_load %arg4[%get3A_153, %get3A_154] {strides = array<i32>} : memref<8x64xf32, #tpu.memory_space<vmem>>, vector<1x16xf32>,
    %get3A_156 = vector.shape_cast %get3A_155 : vector<1x16xf32> to vector<16xf32>
    %get3A_157 = arith.constant 3 : i32
    %get3A_158 = arith.index_cast %get3A_157 : i32 to index
    %get3A_159 = arith.constant 48 : index
    %get3A_160 = tpu.vector_load %arg4[%get3A_158, %get3A_159] {strides = array<i32>} : memref<8x64xf32, #tpu.memory_space<vmem>>, vector<1x16xf32>,
    %get3A_161 = vector.shape_cast %get3A_160 : vector<1x16xf32> to vector<16xf32>
    %scan3A_162 = arith.constant 0 : i32
    %scan3A_163 = arith.constant 0 : i32
    %scan3A_164 = arith.constant 64 : i32
    %scan3A_165 = arith.addi %scan3A_163, %scan3A_164 : i32
    %scan3A_166 = arith.constant 1 : i32
    %scan3A_167 = scf.for %scan3A_297 = %scan3A_163 to %scan3A_165 step %scan3A_166 iter_args(%scan3A_298 = %scan3A_162) -> (i32)  : i32 {
      %swap3A = arith.index_cast %scan3A_297 : i32 to index
      %swap3A_299 = arith.constant 0 : index
      %swap3A_300 = tpu.vector_load %arg6[%swap3A, %swap3A_299] {strides = array<i32>} : memref<64x128xf32, #tpu.memory_space<vmem>>, vector<1x16xf32>,
      %swap3A_301 = vector.shape_cast %swap3A_300 : vector<1x16xf32> to vector<16xf32>
      %swap3A_302 = vector.shape_cast %get3A_146 : vector<16xf32> to vector<1x16xf32>
      tpu.vector_store %arg6[%swap3A, %swap3A_299], %swap3A_302 {strides = array<i32>} : memref<64x128xf32, #tpu.memory_space<vmem>>, vector<1x16xf32>,
      %swap3A_303 = arith.index_cast %scan3A_297 : i32 to index
      %swap3A_304 = arith.constant 16 : index
      %swap3A_305 = tpu.vector_load %arg6[%swap3A_303, %swap3A_304] {strides = array<i32>} : memref<64x128xf32, #tpu.memory_space<vmem>>, vector<1x16xf32>,
      %swap3A_306 = vector.shape_cast %swap3A_305 : vector<1x16xf32> to vector<16xf32>
      %swap3A_307 = vector.shape_cast %get3A_151 : vector<16xf32> to vector<1x16xf32>
      tpu.vector_store %arg6[%swap3A_303, %swap3A_304], %swap3A_307 {strides = array<i32>} : memref<64x128xf32, #tpu.memory_space<vmem>>, vector<1x16xf32>,
      %swap3A_308 = arith.index_cast %scan3A_297 : i32 to index
      %swap3A_309 = arith.constant 32 : index
      %swap3A_310 = tpu.vector_load %arg6[%swap3A_308, %swap3A_309] {strides = array<i32>} : memref<64x128xf32, #tpu.memory_space<vmem>>, vector<1x16xf32>,
      %swap3A_311 = vector.shape_cast %swap3A_310 : vector<1x16xf32> to vector<16xf32>
      %swap3A_312 = vector.shape_cast %get3A_156 : vector<16xf32> to vector<1x16xf32>
      tpu.vector_store %arg6[%swap3A_308, %swap3A_309], %swap3A_312 {strides = array<i32>} : memref<64x128xf32, #tpu.memory_space<vmem>>, vector<1x16xf32>,
      %swap3A_313 = arith.index_cast %scan3A_297 : i32 to index
      %swap3A_314 = arith.constant 48 : index
      %swap3A_315 = tpu.vector_load %arg6[%swap3A_313, %swap3A_314] {strides = array<i32>} : memref<64x128xf32, #tpu.memory_space<vmem>>, vector<1x16xf32>,
      %swap3A_316 = vector.shape_cast %swap3A_315 : vector<1x16xf32> to vector<16xf32>
      %swap3A_317 = vector.shape_cast %get3A_161 : vector<16xf32> to vector<1x16xf32>
      tpu.vector_store %arg6[%swap3A_313, %swap3A_314], %swap3A_317 {strides = array<i32>} : memref<64x128xf32, #tpu.memory_space<vmem>>, vector<1x16xf32>,
      %scan3A_318 = arith.constant 0 : i32
      scf.yield %scan3A_318 : i32
    }
    %scan3A_168 = arith.constant 64 : i32
    %mul3A_169 = arith.constant 512 : i32
    %mul3A_170 = arith.muli %add3A, %mul3A_169 : i32
    %add3A_171 = arith.constant 192 : i32
    %add3A_172 = arith.addi %mul3A_170, %add3A_171 : i32
    "tpu.region"() ({
      %run_scoped3A = tpu.sem_alloc : memref<!tpu.dma_semaphore, #tpu.memory_space<semaphore_mem>>
      %dma_start3A = arith.constant 0 : i32
      %dma_start3A_297 = tpu.memref_slice %arg3[%add3A_172, %dma_start3A] : memref<16384x128xf32, #tpu.memory_space<hbm>> -> memref<64x128xf32, #tpu.memory_space<hbm>>
      %dma_start3A_298 = arith.constant 0 : i32
      %dma_start3A_299 = tpu.memref_slice %arg3[%add3A_172, %dma_start3A_298] : memref<16384x128xf32, #tpu.memory_space<hbm>> -> memref<64x128xf32, #tpu.memory_space<hbm>>
      tpu.enqueue_dma source(%arg6 : memref<64x128xf32, #tpu.memory_space<vmem>>) target(%dma_start3A_299 : memref<64x128xf32, #tpu.memory_space<hbm>>) target_semaphore(%run_scoped3A : memref<!tpu.dma_semaphore, #tpu.memory_space<semaphore_mem>>)
      %dma_wait3A = arith.constant 0 : i32
      %dma_wait3A_300 = tpu.memref_slice %arg3[%add3A_172, %dma_wait3A] : memref<16384x128xf32, #tpu.memory_space<hbm>> -> memref<64x128xf32, #tpu.memory_space<hbm>>
      %dma_wait3A_301 = arith.constant 0 : i32
      %dma_wait3A_302 = tpu.memref_slice %arg3[%add3A_172, %dma_wait3A_301] : memref<16384x128xf32, #tpu.memory_space<hbm>> -> memref<64x128xf32, #tpu.memory_space<hbm>>
      tpu.wait_dma2 semaphore(%run_scoped3A : memref<!tpu.dma_semaphore, #tpu.memory_space<semaphore_mem>>) src(%arg6 : memref<64x128xf32, #tpu.memory_space<vmem>>) dst(%dma_wait3A_302 : memref<64x128xf32, #tpu.memory_space<hbm>>)
      tpu.yield
    }) : () -> ()
    %get3A_173 = arith.constant 4 : i32
    %get3A_174 = arith.index_cast %get3A_173 : i32 to index
    %get3A_175 = arith.constant 0 : index
    %get3A_176 = tpu.vector_load %arg4[%get3A_174, %get3A_175] {strides = array<i32>} : memref<8x64xf32, #tpu.memory_space<vmem>>, vector<1x16xf32>,
    %get3A_177 = vector.shape_cast %get3A_176 : vector<1x16xf32> to vector<16xf32>
    %get3A_178 = arith.constant 4 : i32
    %get3A_179 = arith.index_cast %get3A_178 : i32 to index
    %get3A_180 = arith.constant 16 : index
    %get3A_181 = tpu.vector_load %arg4[%get3A_179, %get3A_180] {strides = array<i32>} : memref<8x64xf32, #tpu.memory_space<vmem>>, vector<1x16xf32>,
    %get3A_182 = vector.shape_cast %get3A_181 : vector<1x16xf32> to vector<16xf32>
    %get3A_183 = arith.constant 4 : i32
    %get3A_184 = arith.index_cast %get3A_183 : i32 to index
    %get3A_185 = arith.constant 32 : index
    %get3A_186 = tpu.vector_load %arg4[%get3A_184, %get3A_185] {strides = array<i32>} : memref<8x64xf32, #tpu.memory_space<vmem>>, vector<1x16xf32>,
    %get3A_187 = vector.shape_cast %get3A_186 : vector<1x16xf32> to vector<16xf32>
    %get3A_188 = arith.constant 4 : i32
    %get3A_189 = arith.index_cast %get3A_188 : i32 to index
    %get3A_190 = arith.constant 48 : index
    %get3A_191 = tpu.vector_load %arg4[%get3A_189, %get3A_190] {strides = array<i32>} : memref<8x64xf32, #tpu.memory_space<vmem>>, vector<1x16xf32>,
    %get3A_192 = vector.shape_cast %get3A_191 : vector<1x16xf32> to vector<16xf32>
    %scan3A_193 = arith.constant 0 : i32
    %scan3A_194 = arith.constant 0 : i32
    %scan3A_195 = arith.constant 64 : i32
    %scan3A_196 = arith.addi %scan3A_194, %scan3A_195 : i32
    %scan3A_197 = arith.constant 1 : i32
    %scan3A_198 = scf.for %scan3A_297 = %scan3A_194 to %scan3A_196 step %scan3A_197 iter_args(%scan3A_298 = %scan3A_193) -> (i32)  : i32 {
      %swap3A = arith.index_cast %scan3A_297 : i32 to index
      %swap3A_299 = arith.constant 0 : index
      %swap3A_300 = tpu.vector_load %arg6[%swap3A, %swap3A_299] {strides = array<i32>} : memref<64x128xf32, #tpu.memory_space<vmem>>, vector<1x16xf32>,
      %swap3A_301 = vector.shape_cast %swap3A_300 : vector<1x16xf32> to vector<16xf32>
      %swap3A_302 = vector.shape_cast %get3A_177 : vector<16xf32> to vector<1x16xf32>
      tpu.vector_store %arg6[%swap3A, %swap3A_299], %swap3A_302 {strides = array<i32>} : memref<64x128xf32, #tpu.memory_space<vmem>>, vector<1x16xf32>,
      %swap3A_303 = arith.index_cast %scan3A_297 : i32 to index
      %swap3A_304 = arith.constant 16 : index
      %swap3A_305 = tpu.vector_load %arg6[%swap3A_303, %swap3A_304] {strides = array<i32>} : memref<64x128xf32, #tpu.memory_space<vmem>>, vector<1x16xf32>,
      %swap3A_306 = vector.shape_cast %swap3A_305 : vector<1x16xf32> to vector<16xf32>
      %swap3A_307 = vector.shape_cast %get3A_182 : vector<16xf32> to vector<1x16xf32>
      tpu.vector_store %arg6[%swap3A_303, %swap3A_304], %swap3A_307 {strides = array<i32>} : memref<64x128xf32, #tpu.memory_space<vmem>>, vector<1x16xf32>,
      %swap3A_308 = arith.index_cast %scan3A_297 : i32 to index
      %swap3A_309 = arith.constant 32 : index
      %swap3A_310 = tpu.vector_load %arg6[%swap3A_308, %swap3A_309] {strides = array<i32>} : memref<64x128xf32, #tpu.memory_space<vmem>>, vector<1x16xf32>,
      %swap3A_311 = vector.shape_cast %swap3A_310 : vector<1x16xf32> to vector<16xf32>
      %swap3A_312 = vector.shape_cast %get3A_187 : vector<16xf32> to vector<1x16xf32>
      tpu.vector_store %arg6[%swap3A_308, %swap3A_309], %swap3A_312 {strides = array<i32>} : memref<64x128xf32, #tpu.memory_space<vmem>>, vector<1x16xf32>,
      %swap3A_313 = arith.index_cast %scan3A_297 : i32 to index
      %swap3A_314 = arith.constant 48 : index
      %swap3A_315 = tpu.vector_load %arg6[%swap3A_313, %swap3A_314] {strides = array<i32>} : memref<64x128xf32, #tpu.memory_space<vmem>>, vector<1x16xf32>,
      %swap3A_316 = vector.shape_cast %swap3A_315 : vector<1x16xf32> to vector<16xf32>
      %swap3A_317 = vector.shape_cast %get3A_192 : vector<16xf32> to vector<1x16xf32>
      tpu.vector_store %arg6[%swap3A_313, %swap3A_314], %swap3A_317 {strides = array<i32>} : memref<64x128xf32, #tpu.memory_space<vmem>>, vector<1x16xf32>,
      %scan3A_318 = arith.constant 0 : i32
      scf.yield %scan3A_318 : i32
    }
    %scan3A_199 = arith.constant 64 : i32
    %mul3A_200 = arith.constant 512 : i32
    %mul3A_201 = arith.muli %add3A, %mul3A_200 : i32
    %add3A_202 = arith.constant 256 : i32
    %add3A_203 = arith.addi %mul3A_201, %add3A_202 : i32
    "tpu.region"() ({
      %run_scoped3A = tpu.sem_alloc : memref<!tpu.dma_semaphore, #tpu.memory_space<semaphore_mem>>
      %dma_start3A = arith.constant 0 : i32
      %dma_start3A_297 = tpu.memref_slice %arg3[%add3A_203, %dma_start3A] : memref<16384x128xf32, #tpu.memory_space<hbm>> -> memref<64x128xf32, #tpu.memory_space<hbm>>
      %dma_start3A_298 = arith.constant 0 : i32
      %dma_start3A_299 = tpu.memref_slice %arg3[%add3A_203, %dma_start3A_298] : memref<16384x128xf32, #tpu.memory_space<hbm>> -> memref<64x128xf32, #tpu.memory_space<hbm>>
      tpu.enqueue_dma source(%arg6 : memref<64x128xf32, #tpu.memory_space<vmem>>) target(%dma_start3A_299 : memref<64x128xf32, #tpu.memory_space<hbm>>) target_semaphore(%run_scoped3A : memref<!tpu.dma_semaphore, #tpu.memory_space<semaphore_mem>>)
      %dma_wait3A = arith.constant 0 : i32
      %dma_wait3A_300 = tpu.memref_slice %arg3[%add3A_203, %dma_wait3A] : memref<16384x128xf32, #tpu.memory_space<hbm>> -> memref<64x128xf32, #tpu.memory_space<hbm>>
      %dma_wait3A_301 = arith.constant 0 : i32
      %dma_wait3A_302 = tpu.memref_slice %arg3[%add3A_203, %dma_wait3A_301] : memref<16384x128xf32, #tpu.memory_space<hbm>> -> memref<64x128xf32, #tpu.memory_space<hbm>>
      tpu.wait_dma2 semaphore(%run_scoped3A : memref<!tpu.dma_semaphore, #tpu.memory_space<semaphore_mem>>) src(%arg6 : memref<64x128xf32, #tpu.memory_space<vmem>>) dst(%dma_wait3A_302 : memref<64x128xf32, #tpu.memory_space<hbm>>)
      tpu.yield
    }) : () -> ()
    %get3A_204 = arith.constant 5 : i32
    %get3A_205 = arith.index_cast %get3A_204 : i32 to index
    %get3A_206 = arith.constant 0 : index
    %get3A_207 = tpu.vector_load %arg4[%get3A_205, %get3A_206] {strides = array<i32>} : memref<8x64xf32, #tpu.memory_space<vmem>>, vector<1x16xf32>,
    %get3A_208 = vector.shape_cast %get3A_207 : vector<1x16xf32> to vector<16xf32>
    %get3A_209 = arith.constant 5 : i32
    %get3A_210 = arith.index_cast %get3A_209 : i32 to index
    %get3A_211 = arith.constant 16 : index
    %get3A_212 = tpu.vector_load %arg4[%get3A_210, %get3A_211] {strides = array<i32>} : memref<8x64xf32, #tpu.memory_space<vmem>>, vector<1x16xf32>,
    %get3A_213 = vector.shape_cast %get3A_212 : vector<1x16xf32> to vector<16xf32>
    %get3A_214 = arith.constant 5 : i32
    %get3A_215 = arith.index_cast %get3A_214 : i32 to index
    %get3A_216 = arith.constant 32 : index
    %get3A_217 = tpu.vector_load %arg4[%get3A_215, %get3A_216] {strides = array<i32>} : memref<8x64xf32, #tpu.memory_space<vmem>>, vector<1x16xf32>,
    %get3A_218 = vector.shape_cast %get3A_217 : vector<1x16xf32> to vector<16xf32>
    %get3A_219 = arith.constant 5 : i32
    %get3A_220 = arith.index_cast %get3A_219 : i32 to index
    %get3A_221 = arith.constant 48 : index
    %get3A_222 = tpu.vector_load %arg4[%get3A_220, %get3A_221] {strides = array<i32>} : memref<8x64xf32, #tpu.memory_space<vmem>>, vector<1x16xf32>,
    %get3A_223 = vector.shape_cast %get3A_222 : vector<1x16xf32> to vector<16xf32>
    %scan3A_224 = arith.constant 0 : i32
    %scan3A_225 = arith.constant 0 : i32
    %scan3A_226 = arith.constant 64 : i32
    %scan3A_227 = arith.addi %scan3A_225, %scan3A_226 : i32
    %scan3A_228 = arith.constant 1 : i32
    %scan3A_229 = scf.for %scan3A_297 = %scan3A_225 to %scan3A_227 step %scan3A_228 iter_args(%scan3A_298 = %scan3A_224) -> (i32)  : i32 {
      %swap3A = arith.index_cast %scan3A_297 : i32 to index
      %swap3A_299 = arith.constant 0 : index
      %swap3A_300 = tpu.vector_load %arg6[%swap3A, %swap3A_299] {strides = array<i32>} : memref<64x128xf32, #tpu.memory_space<vmem>>, vector<1x16xf32>,
      %swap3A_301 = vector.shape_cast %swap3A_300 : vector<1x16xf32> to vector<16xf32>
      %swap3A_302 = vector.shape_cast %get3A_208 : vector<16xf32> to vector<1x16xf32>
      tpu.vector_store %arg6[%swap3A, %swap3A_299], %swap3A_302 {strides = array<i32>} : memref<64x128xf32, #tpu.memory_space<vmem>>, vector<1x16xf32>,
      %swap3A_303 = arith.index_cast %scan3A_297 : i32 to index
      %swap3A_304 = arith.constant 16 : index
      %swap3A_305 = tpu.vector_load %arg6[%swap3A_303, %swap3A_304] {strides = array<i32>} : memref<64x128xf32, #tpu.memory_space<vmem>>, vector<1x16xf32>,
      %swap3A_306 = vector.shape_cast %swap3A_305 : vector<1x16xf32> to vector<16xf32>
      %swap3A_307 = vector.shape_cast %get3A_213 : vector<16xf32> to vector<1x16xf32>
      tpu.vector_store %arg6[%swap3A_303, %swap3A_304], %swap3A_307 {strides = array<i32>} : memref<64x128xf32, #tpu.memory_space<vmem>>, vector<1x16xf32>,
      %swap3A_308 = arith.index_cast %scan3A_297 : i32 to index
      %swap3A_309 = arith.constant 32 : index
      %swap3A_310 = tpu.vector_load %arg6[%swap3A_308, %swap3A_309] {strides = array<i32>} : memref<64x128xf32, #tpu.memory_space<vmem>>, vector<1x16xf32>,
      %swap3A_311 = vector.shape_cast %swap3A_310 : vector<1x16xf32> to vector<16xf32>
      %swap3A_312 = vector.shape_cast %get3A_218 : vector<16xf32> to vector<1x16xf32>
      tpu.vector_store %arg6[%swap3A_308, %swap3A_309], %swap3A_312 {strides = array<i32>} : memref<64x128xf32, #tpu.memory_space<vmem>>, vector<1x16xf32>,
      %swap3A_313 = arith.index_cast %scan3A_297 : i32 to index
      %swap3A_314 = arith.constant 48 : index
      %swap3A_315 = tpu.vector_load %arg6[%swap3A_313, %swap3A_314] {strides = array<i32>} : memref<64x128xf32, #tpu.memory_space<vmem>>, vector<1x16xf32>,
      %swap3A_316 = vector.shape_cast %swap3A_315 : vector<1x16xf32> to vector<16xf32>
      %swap3A_317 = vector.shape_cast %get3A_223 : vector<16xf32> to vector<1x16xf32>
      tpu.vector_store %arg6[%swap3A_313, %swap3A_314], %swap3A_317 {strides = array<i32>} : memref<64x128xf32, #tpu.memory_space<vmem>>, vector<1x16xf32>,
      %scan3A_318 = arith.constant 0 : i32
      scf.yield %scan3A_318 : i32
    }
    %scan3A_230 = arith.constant 64 : i32
    %mul3A_231 = arith.constant 512 : i32
    %mul3A_232 = arith.muli %add3A, %mul3A_231 : i32
    %add3A_233 = arith.constant 320 : i32
    %add3A_234 = arith.addi %mul3A_232, %add3A_233 : i32
    "tpu.region"() ({
      %run_scoped3A = tpu.sem_alloc : memref<!tpu.dma_semaphore, #tpu.memory_space<semaphore_mem>>
      %dma_start3A = arith.constant 0 : i32
      %dma_start3A_297 = tpu.memref_slice %arg3[%add3A_234, %dma_start3A] : memref<16384x128xf32, #tpu.memory_space<hbm>> -> memref<64x128xf32, #tpu.memory_space<hbm>>
      %dma_start3A_298 = arith.constant 0 : i32
      %dma_start3A_299 = tpu.memref_slice %arg3[%add3A_234, %dma_start3A_298] : memref<16384x128xf32, #tpu.memory_space<hbm>> -> memref<64x128xf32, #tpu.memory_space<hbm>>
      tpu.enqueue_dma source(%arg6 : memref<64x128xf32, #tpu.memory_space<vmem>>) target(%dma_start3A_299 : memref<64x128xf32, #tpu.memory_space<hbm>>) target_semaphore(%run_scoped3A : memref<!tpu.dma_semaphore, #tpu.memory_space<semaphore_mem>>)
      %dma_wait3A = arith.constant 0 : i32
      %dma_wait3A_300 = tpu.memref_slice %arg3[%add3A_234, %dma_wait3A] : memref<16384x128xf32, #tpu.memory_space<hbm>> -> memref<64x128xf32, #tpu.memory_space<hbm>>
      %dma_wait3A_301 = arith.constant 0 : i32
      %dma_wait3A_302 = tpu.memref_slice %arg3[%add3A_234, %dma_wait3A_301] : memref<16384x128xf32, #tpu.memory_space<hbm>> -> memref<64x128xf32, #tpu.memory_space<hbm>>
      tpu.wait_dma2 semaphore(%run_scoped3A : memref<!tpu.dma_semaphore, #tpu.memory_space<semaphore_mem>>) src(%arg6 : memref<64x128xf32, #tpu.memory_space<vmem>>) dst(%dma_wait3A_302 : memref<64x128xf32, #tpu.memory_space<hbm>>)
      tpu.yield
    }) : () -> ()
    %get3A_235 = arith.constant 6 : i32
    %get3A_236 = arith.index_cast %get3A_235 : i32 to index
    %get3A_237 = arith.constant 0 : index
    %get3A_238 = tpu.vector_load %arg4[%get3A_236, %get3A_237] {strides = array<i32>} : memref<8x64xf32, #tpu.memory_space<vmem>>, vector<1x16xf32>,
    %get3A_239 = vector.shape_cast %get3A_238 : vector<1x16xf32> to vector<16xf32>
    %get3A_240 = arith.constant 6 : i32
    %get3A_241 = arith.index_cast %get3A_240 : i32 to index
    %get3A_242 = arith.constant 16 : index
    %get3A_243 = tpu.vector_load %arg4[%get3A_241, %get3A_242] {strides = array<i32>} : memref<8x64xf32, #tpu.memory_space<vmem>>, vector<1x16xf32>,
    %get3A_244 = vector.shape_cast %get3A_243 : vector<1x16xf32> to vector<16xf32>
    %get3A_245 = arith.constant 6 : i32
    %get3A_246 = arith.index_cast %get3A_245 : i32 to index
    %get3A_247 = arith.constant 32 : index
    %get3A_248 = tpu.vector_load %arg4[%get3A_246, %get3A_247] {strides = array<i32>} : memref<8x64xf32, #tpu.memory_space<vmem>>, vector<1x16xf32>,
    %get3A_249 = vector.shape_cast %get3A_248 : vector<1x16xf32> to vector<16xf32>
    %get3A_250 = arith.constant 6 : i32
    %get3A_251 = arith.index_cast %get3A_250 : i32 to index
    %get3A_252 = arith.constant 48 : index
    %get3A_253 = tpu.vector_load %arg4[%get3A_251, %get3A_252] {strides = array<i32>} : memref<8x64xf32, #tpu.memory_space<vmem>>, vector<1x16xf32>,
    %get3A_254 = vector.shape_cast %get3A_253 : vector<1x16xf32> to vector<16xf32>
    %scan3A_255 = arith.constant 0 : i32
    %scan3A_256 = arith.constant 0 : i32
    %scan3A_257 = arith.constant 64 : i32
    %scan3A_258 = arith.addi %scan3A_256, %scan3A_257 : i32
    %scan3A_259 = arith.constant 1 : i32
    %scan3A_260 = scf.for %scan3A_297 = %scan3A_256 to %scan3A_258 step %scan3A_259 iter_args(%scan3A_298 = %scan3A_255) -> (i32)  : i32 {
      %swap3A = arith.index_cast %scan3A_297 : i32 to index
      %swap3A_299 = arith.constant 0 : index
      %swap3A_300 = tpu.vector_load %arg6[%swap3A, %swap3A_299] {strides = array<i32>} : memref<64x128xf32, #tpu.memory_space<vmem>>, vector<1x16xf32>,
      %swap3A_301 = vector.shape_cast %swap3A_300 : vector<1x16xf32> to vector<16xf32>
      %swap3A_302 = vector.shape_cast %get3A_239 : vector<16xf32> to vector<1x16xf32>
      tpu.vector_store %arg6[%swap3A, %swap3A_299], %swap3A_302 {strides = array<i32>} : memref<64x128xf32, #tpu.memory_space<vmem>>, vector<1x16xf32>,
      %swap3A_303 = arith.index_cast %scan3A_297 : i32 to index
      %swap3A_304 = arith.constant 16 : index
      %swap3A_305 = tpu.vector_load %arg6[%swap3A_303, %swap3A_304] {strides = array<i32>} : memref<64x128xf32, #tpu.memory_space<vmem>>, vector<1x16xf32>,
      %swap3A_306 = vector.shape_cast %swap3A_305 : vector<1x16xf32> to vector<16xf32>
      %swap3A_307 = vector.shape_cast %get3A_244 : vector<16xf32> to vector<1x16xf32>
      tpu.vector_store %arg6[%swap3A_303, %swap3A_304], %swap3A_307 {strides = array<i32>} : memref<64x128xf32, #tpu.memory_space<vmem>>, vector<1x16xf32>,
      %swap3A_308 = arith.index_cast %scan3A_297 : i32 to index
      %swap3A_309 = arith.constant 32 : index
      %swap3A_310 = tpu.vector_load %arg6[%swap3A_308, %swap3A_309] {strides = array<i32>} : memref<64x128xf32, #tpu.memory_space<vmem>>, vector<1x16xf32>,
      %swap3A_311 = vector.shape_cast %swap3A_310 : vector<1x16xf32> to vector<16xf32>
      %swap3A_312 = vector.shape_cast %get3A_249 : vector<16xf32> to vector<1x16xf32>
      tpu.vector_store %arg6[%swap3A_308, %swap3A_309], %swap3A_312 {strides = array<i32>} : memref<64x128xf32, #tpu.memory_space<vmem>>, vector<1x16xf32>,
      %swap3A_313 = arith.index_cast %scan3A_297 : i32 to index
      %swap3A_314 = arith.constant 48 : index
      %swap3A_315 = tpu.vector_load %arg6[%swap3A_313, %swap3A_314] {strides = array<i32>} : memref<64x128xf32, #tpu.memory_space<vmem>>, vector<1x16xf32>,
      %swap3A_316 = vector.shape_cast %swap3A_315 : vector<1x16xf32> to vector<16xf32>
      %swap3A_317 = vector.shape_cast %get3A_254 : vector<16xf32> to vector<1x16xf32>
      tpu.vector_store %arg6[%swap3A_313, %swap3A_314], %swap3A_317 {strides = array<i32>} : memref<64x128xf32, #tpu.memory_space<vmem>>, vector<1x16xf32>,
      %scan3A_318 = arith.constant 0 : i32
      scf.yield %scan3A_318 : i32
    }
    %scan3A_261 = arith.constant 64 : i32
    %mul3A_262 = arith.constant 512 : i32
    %mul3A_263 = arith.muli %add3A, %mul3A_262 : i32
    %add3A_264 = arith.constant 384 : i32
    %add3A_265 = arith.addi %mul3A_263, %add3A_264 : i32
    "tpu.region"() ({
      %run_scoped3A = tpu.sem_alloc : memref<!tpu.dma_semaphore, #tpu.memory_space<semaphore_mem>>
      %dma_start3A = arith.constant 0 : i32
      %dma_start3A_297 = tpu.memref_slice %arg3[%add3A_265, %dma_start3A] : memref<16384x128xf32, #tpu.memory_space<hbm>> -> memref<64x128xf32, #tpu.memory_space<hbm>>
      %dma_start3A_298 = arith.constant 0 : i32
      %dma_start3A_299 = tpu.memref_slice %arg3[%add3A_265, %dma_start3A_298] : memref<16384x128xf32, #tpu.memory_space<hbm>> -> memref<64x128xf32, #tpu.memory_space<hbm>>
      tpu.enqueue_dma source(%arg6 : memref<64x128xf32, #tpu.memory_space<vmem>>) target(%dma_start3A_299 : memref<64x128xf32, #tpu.memory_space<hbm>>) target_semaphore(%run_scoped3A : memref<!tpu.dma_semaphore, #tpu.memory_space<semaphore_mem>>)
      %dma_wait3A = arith.constant 0 : i32
      %dma_wait3A_300 = tpu.memref_slice %arg3[%add3A_265, %dma_wait3A] : memref<16384x128xf32, #tpu.memory_space<hbm>> -> memref<64x128xf32, #tpu.memory_space<hbm>>
      %dma_wait3A_301 = arith.constant 0 : i32
      %dma_wait3A_302 = tpu.memref_slice %arg3[%add3A_265, %dma_wait3A_301] : memref<16384x128xf32, #tpu.memory_space<hbm>> -> memref<64x128xf32, #tpu.memory_space<hbm>>
      tpu.wait_dma2 semaphore(%run_scoped3A : memref<!tpu.dma_semaphore, #tpu.memory_space<semaphore_mem>>) src(%arg6 : memref<64x128xf32, #tpu.memory_space<vmem>>) dst(%dma_wait3A_302 : memref<64x128xf32, #tpu.memory_space<hbm>>)
      tpu.yield
    }) : () -> ()
    %get3A_266 = arith.constant 7 : i32
    %get3A_267 = arith.index_cast %get3A_266 : i32 to index
    %get3A_268 = arith.constant 0 : index
    %get3A_269 = tpu.vector_load %arg4[%get3A_267, %get3A_268] {strides = array<i32>} : memref<8x64xf32, #tpu.memory_space<vmem>>, vector<1x16xf32>,
    %get3A_270 = vector.shape_cast %get3A_269 : vector<1x16xf32> to vector<16xf32>
    %get3A_271 = arith.constant 7 : i32
    %get3A_272 = arith.index_cast %get3A_271 : i32 to index
    %get3A_273 = arith.constant 16 : index
    %get3A_274 = tpu.vector_load %arg4[%get3A_272, %get3A_273] {strides = array<i32>} : memref<8x64xf32, #tpu.memory_space<vmem>>, vector<1x16xf32>,
    %get3A_275 = vector.shape_cast %get3A_274 : vector<1x16xf32> to vector<16xf32>
    %get3A_276 = arith.constant 7 : i32
    %get3A_277 = arith.index_cast %get3A_276 : i32 to index
    %get3A_278 = arith.constant 32 : index
    %get3A_279 = tpu.vector_load %arg4[%get3A_277, %get3A_278] {strides = array<i32>} : memref<8x64xf32, #tpu.memory_space<vmem>>, vector<1x16xf32>,
    %get3A_280 = vector.shape_cast %get3A_279 : vector<1x16xf32> to vector<16xf32>
    %get3A_281 = arith.constant 7 : i32
    %get3A_282 = arith.index_cast %get3A_281 : i32 to index
    %get3A_283 = arith.constant 48 : index
    %get3A_284 = tpu.vector_load %arg4[%get3A_282, %get3A_283] {strides = array<i32>} : memref<8x64xf32, #tpu.memory_space<vmem>>, vector<1x16xf32>,
    %get3A_285 = vector.shape_cast %get3A_284 : vector<1x16xf32> to vector<16xf32>
    %scan3A_286 = arith.constant 0 : i32
    %scan3A_287 = arith.constant 0 : i32
    %scan3A_288 = arith.constant 64 : i32
    %scan3A_289 = arith.addi %scan3A_287, %scan3A_288 : i32
    %scan3A_290 = arith.constant 1 : i32
    %scan3A_291 = scf.for %scan3A_297 = %scan3A_287 to %scan3A_289 step %scan3A_290 iter_args(%scan3A_298 = %scan3A_286) -> (i32)  : i32 {
      %swap3A = arith.index_cast %scan3A_297 : i32 to index
      %swap3A_299 = arith.constant 0 : index
      %swap3A_300 = tpu.vector_load %arg6[%swap3A, %swap3A_299] {strides = array<i32>} : memref<64x128xf32, #tpu.memory_space<vmem>>, vector<1x16xf32>,
      %swap3A_301 = vector.shape_cast %swap3A_300 : vector<1x16xf32> to vector<16xf32>
      %swap3A_302 = vector.shape_cast %get3A_270 : vector<16xf32> to vector<1x16xf32>
      tpu.vector_store %arg6[%swap3A, %swap3A_299], %swap3A_302 {strides = array<i32>} : memref<64x128xf32, #tpu.memory_space<vmem>>, vector<1x16xf32>,
      %swap3A_303 = arith.index_cast %scan3A_297 : i32 to index
      %swap3A_304 = arith.constant 16 : index
      %swap3A_305 = tpu.vector_load %arg6[%swap3A_303, %swap3A_304] {strides = array<i32>} : memref<64x128xf32, #tpu.memory_space<vmem>>, vector<1x16xf32>,
      %swap3A_306 = vector.shape_cast %swap3A_305 : vector<1x16xf32> to vector<16xf32>
      %swap3A_307 = vector.shape_cast %get3A_275 : vector<16xf32> to vector<1x16xf32>
      tpu.vector_store %arg6[%swap3A_303, %swap3A_304], %swap3A_307 {strides = array<i32>} : memref<64x128xf32, #tpu.memory_space<vmem>>, vector<1x16xf32>,
      %swap3A_308 = arith.index_cast %scan3A_297 : i32 to index
      %swap3A_309 = arith.constant 32 : index
      %swap3A_310 = tpu.vector_load %arg6[%swap3A_308, %swap3A_309] {strides = array<i32>} : memref<64x128xf32, #tpu.memory_space<vmem>>, vector<1x16xf32>,
      %swap3A_311 = vector.shape_cast %swap3A_310 : vector<1x16xf32> to vector<16xf32>
      %swap3A_312 = vector.shape_cast %get3A_280 : vector<16xf32> to vector<1x16xf32>
      tpu.vector_store %arg6[%swap3A_308, %swap3A_309], %swap3A_312 {strides = array<i32>} : memref<64x128xf32, #tpu.memory_space<vmem>>, vector<1x16xf32>,
      %swap3A_313 = arith.index_cast %scan3A_297 : i32 to index
      %swap3A_314 = arith.constant 48 : index
      %swap3A_315 = tpu.vector_load %arg6[%swap3A_313, %swap3A_314] {strides = array<i32>} : memref<64x128xf32, #tpu.memory_space<vmem>>, vector<1x16xf32>,
      %swap3A_316 = vector.shape_cast %swap3A_315 : vector<1x16xf32> to vector<16xf32>
      %swap3A_317 = vector.shape_cast %get3A_285 : vector<16xf32> to vector<1x16xf32>
      tpu.vector_store %arg6[%swap3A_313, %swap3A_314], %swap3A_317 {strides = array<i32>} : memref<64x128xf32, #tpu.memory_space<vmem>>, vector<1x16xf32>,
      %scan3A_318 = arith.constant 0 : i32
      scf.yield %scan3A_318 : i32
    }
    %scan3A_292 = arith.constant 64 : i32
    %mul3A_293 = arith.constant 512 : i32
    %mul3A_294 = arith.muli %add3A, %mul3A_293 : i32
    %add3A_295 = arith.constant 448 : i32
    %add3A_296 = arith.addi %mul3A_294, %add3A_295 : i32
    "tpu.region"() ({
      %run_scoped3A = tpu.sem_alloc : memref<!tpu.dma_semaphore, #tpu.memory_space<semaphore_mem>>
      %dma_start3A = arith.constant 0 : i32
      %dma_start3A_297 = tpu.memref_slice %arg3[%add3A_296, %dma_start3A] : memref<16384x128xf32, #tpu.memory_space<hbm>> -> memref<64x128xf32, #tpu.memory_space<hbm>>
      %dma_start3A_298 = arith.constant 0 : i32
      %dma_start3A_299 = tpu.memref_slice %arg3[%add3A_296, %dma_start3A_298] : memref<16384x128xf32, #tpu.memory_space<hbm>> -> memref<64x128xf32, #tpu.memory_space<hbm>>
      tpu.enqueue_dma source(%arg6 : memref<64x128xf32, #tpu.memory_space<vmem>>) target(%dma_start3A_299 : memref<64x128xf32, #tpu.memory_space<hbm>>) target_semaphore(%run_scoped3A : memref<!tpu.dma_semaphore, #tpu.memory_space<semaphore_mem>>)
      %dma_wait3A = arith.constant 0 : i32
      %dma_wait3A_300 = tpu.memref_slice %arg3[%add3A_296, %dma_wait3A] : memref<16384x128xf32, #tpu.memory_space<hbm>> -> memref<64x128xf32, #tpu.memory_space<hbm>>
      %dma_wait3A_301 = arith.constant 0 : i32
      %dma_wait3A_302 = tpu.memref_slice %arg3[%add3A_296, %dma_wait3A_301] : memref<16384x128xf32, #tpu.memory_space<hbm>> -> memref<64x128xf32, #tpu.memory_space<hbm>>
      tpu.wait_dma2 semaphore(%run_scoped3A : memref<!tpu.dma_semaphore, #tpu.memory_space<semaphore_mem>>) src(%arg6 : memref<64x128xf32, #tpu.memory_space<vmem>>) dst(%dma_wait3A_302 : memref<64x128xf32, #tpu.memory_space<hbm>>)
      tpu.yield
    }) : () -> ()
    return
  }
}

#map = affine_map<(d0, d1) -> (0, 0)>
module attributes {stable_mosaic.version = 14 : i64} {
  func.func @gather(%arg0: i32, %arg1: i32, %arg2: memref<96x128xi32, #tpu.memory_space<hbm>>, %arg3: memref<16384x128xf32, #tpu.memory_space<hbm>>, %arg4: memref<12288x128xf32, #tpu.memory_space<hbm>>, %arg5: memref<96x128xi32, #tpu.memory_space<vmem>>, %arg6: memref<128x128xf32, #tpu.memory_space<vmem>>, %arg7: memref<128x128xf32, #tpu.memory_space<vmem>>, %arg8: memref<!tpu.dma_semaphore, #tpu.memory_space<semaphore_mem>>, %arg9: memref<!tpu.dma_semaphore, #tpu.memory_space<semaphore_mem>>) attributes {dimension_semantics = [#tpu.dimension_semantics<core_parallel>, #tpu.dimension_semantics<subcore_parallel>], iteration_bounds = array<i64: 2, 16>, scalar_prefetch = 0 : i64, scratch_operands = 5 : i64, tpu.core_type = #tpu.core_type<sc_vector_subcore>, window_params = [{transform_indices = #map}, {transform_indices = #map}, {transform_indices = #map}]} {
    %mul3A = arith.constant 2 : i32
    %mul3A_0 = arith.muli %arg1, %mul3A : i32
    %add3A = arith.addi %mul3A_0, %arg0 : i32
    "tpu.region"() ({
      %run_scoped3A = tpu.sem_alloc : memref<!tpu.dma_semaphore, #tpu.memory_space<semaphore_mem>>
      tpu.enqueue_dma source(%arg2 : memref<96x128xi32, #tpu.memory_space<hbm>>) target(%arg5 : memref<96x128xi32, #tpu.memory_space<vmem>>) target_semaphore(%run_scoped3A : memref<!tpu.dma_semaphore, #tpu.memory_space<semaphore_mem>>)
      tpu.wait_dma2 semaphore(%run_scoped3A : memref<!tpu.dma_semaphore, #tpu.memory_space<semaphore_mem>>) src(%arg2 : memref<96x128xi32, #tpu.memory_space<hbm>>) dst(%arg5 : memref<96x128xi32, #tpu.memory_space<vmem>>)
      tpu.yield
    }) : () -> ()
    %mul3A_1 = arith.constant 3 : i32
    %mul3A_2 = arith.muli %add3A, %mul3A_1 : i32
    %mul3A_3 = arith.constant 128 : i32
    %mul3A_4 = arith.muli %mul3A_2, %mul3A_3 : i32
    %mul3A_5 = arith.constant 3 : i32
    %mul3A_6 = arith.muli %add3A, %mul3A_5 : i32
    %dma_start3A = arith.constant 0 : i32
    %dma_start3A_7 = tpu.memref_slice %arg5[%mul3A_6, %dma_start3A] : memref<96x128xi32, #tpu.memory_space<vmem>> -> memref<1x128xi32, #tpu.memory_space<vmem>>
    %dma_start3A_8 = tpu.memref_squeeze %dma_start3A_7 : memref<1x128xi32, #tpu.memory_space<vmem>> -> memref<128xi32, #tpu.memory_space<vmem>>
    %dma_start3A_9 = arith.constant 0 : i32
    %dma_start3A_10 = arith.constant 0 : i32
    %dma_start3A_11 = tpu.memref_slice %arg3[%dma_start3A_9, %dma_start3A_10] : memref<16384x128xf32, #tpu.memory_space<hbm>> -> memref<16384x128xf32, #tpu.memory_space<hbm>>
    tpu.enqueue_indirect_dma source(%dma_start3A_11 : memref<16384x128xf32, #tpu.memory_space<hbm>>) target(%arg6 : memref<128x128xf32, #tpu.memory_space<vmem>>) offsets(%dma_start3A_8 : memref<128xi32, #tpu.memory_space<vmem>>) semaphore(%arg8 : memref<!tpu.dma_semaphore, #tpu.memory_space<semaphore_mem>>)
    %add3A_12 = arith.constant 0 : i32
    %add3A_13 = arith.addi %mul3A_6, %add3A_12 : i32
    %add3A_14 = arith.constant 1 : i32
    %add3A_15 = arith.addi %add3A_13, %add3A_14 : i32
    %dma_start3A_16 = arith.constant 0 : i32
    %dma_start3A_17 = tpu.memref_slice %arg5[%add3A_15, %dma_start3A_16] : memref<96x128xi32, #tpu.memory_space<vmem>> -> memref<1x128xi32, #tpu.memory_space<vmem>>
    %dma_start3A_18 = tpu.memref_squeeze %dma_start3A_17 : memref<1x128xi32, #tpu.memory_space<vmem>> -> memref<128xi32, #tpu.memory_space<vmem>>
    %dma_start3A_19 = arith.constant 0 : i32
    %dma_start3A_20 = arith.constant 0 : i32
    %dma_start3A_21 = tpu.memref_slice %arg3[%dma_start3A_19, %dma_start3A_20] : memref<16384x128xf32, #tpu.memory_space<hbm>> -> memref<16384x128xf32, #tpu.memory_space<hbm>>
    tpu.enqueue_indirect_dma source(%dma_start3A_21 : memref<16384x128xf32, #tpu.memory_space<hbm>>) target(%arg7 : memref<128x128xf32, #tpu.memory_space<vmem>>) offsets(%dma_start3A_18 : memref<128xi32, #tpu.memory_space<vmem>>) semaphore(%arg9 : memref<!tpu.dma_semaphore, #tpu.memory_space<semaphore_mem>>)
    %dma_wait3A = arith.constant 0 : i32
    %dma_wait3A_22 = tpu.memref_slice %arg5[%mul3A_6, %dma_wait3A] : memref<96x128xi32, #tpu.memory_space<vmem>> -> memref<1x128xi32, #tpu.memory_space<vmem>>
    %dma_wait3A_23 = tpu.memref_squeeze %dma_wait3A_22 : memref<1x128xi32, #tpu.memory_space<vmem>> -> memref<128xi32, #tpu.memory_space<vmem>>
    %dma_wait3A_24 = arith.constant 0 : i32
    %dma_wait3A_25 = arith.constant 0 : i32
    %dma_wait3A_26 = tpu.memref_slice %arg3[%dma_wait3A_24, %dma_wait3A_25] : memref<16384x128xf32, #tpu.memory_space<hbm>> -> memref<16384x128xf32, #tpu.memory_space<hbm>>
    tpu.wait_indirect_dma semaphore(%arg8 : memref<!tpu.dma_semaphore, #tpu.memory_space<semaphore_mem>>) src(%dma_wait3A_26 : memref<16384x128xf32, #tpu.memory_space<hbm>>) dst(%arg6 : memref<128x128xf32, #tpu.memory_space<vmem>>)
    %add3A_27 = arith.constant 0 : i32
    %add3A_28 = arith.addi %mul3A_4, %add3A_27 : i32
    "tpu.region"() ({
      %run_scoped3A = tpu.sem_alloc : memref<!tpu.dma_semaphore, #tpu.memory_space<semaphore_mem>>
      %dma_start3A_55 = arith.constant 0 : i32
      %dma_start3A_56 = tpu.memref_slice %arg4[%add3A_28, %dma_start3A_55] : memref<12288x128xf32, #tpu.memory_space<hbm>> -> memref<128x128xf32, #tpu.memory_space<hbm>>
      %dma_start3A_57 = arith.constant 0 : i32
      %dma_start3A_58 = tpu.memref_slice %arg4[%add3A_28, %dma_start3A_57] : memref<12288x128xf32, #tpu.memory_space<hbm>> -> memref<128x128xf32, #tpu.memory_space<hbm>>
      tpu.enqueue_dma source(%arg6 : memref<128x128xf32, #tpu.memory_space<vmem>>) target(%dma_start3A_58 : memref<128x128xf32, #tpu.memory_space<hbm>>) target_semaphore(%run_scoped3A : memref<!tpu.dma_semaphore, #tpu.memory_space<semaphore_mem>>)
      %dma_wait3A_59 = arith.constant 0 : i32
      %dma_wait3A_60 = tpu.memref_slice %arg4[%add3A_28, %dma_wait3A_59] : memref<12288x128xf32, #tpu.memory_space<hbm>> -> memref<128x128xf32, #tpu.memory_space<hbm>>
      %dma_wait3A_61 = arith.constant 0 : i32
      %dma_wait3A_62 = tpu.memref_slice %arg4[%add3A_28, %dma_wait3A_61] : memref<12288x128xf32, #tpu.memory_space<hbm>> -> memref<128x128xf32, #tpu.memory_space<hbm>>
      tpu.wait_dma2 semaphore(%run_scoped3A : memref<!tpu.dma_semaphore, #tpu.memory_space<semaphore_mem>>) src(%arg6 : memref<128x128xf32, #tpu.memory_space<vmem>>) dst(%dma_wait3A_62 : memref<128x128xf32, #tpu.memory_space<hbm>>)
      tpu.yield
    }) : () -> ()
    %add3A_29 = arith.constant 1 : i32
    %add3A_30 = arith.addi %mul3A_6, %add3A_29 : i32
    %add3A_31 = arith.constant 1 : i32
    %add3A_32 = arith.addi %add3A_30, %add3A_31 : i32
    %dma_start3A_33 = arith.constant 0 : i32
    %dma_start3A_34 = tpu.memref_slice %arg5[%add3A_32, %dma_start3A_33] : memref<96x128xi32, #tpu.memory_space<vmem>> -> memref<1x128xi32, #tpu.memory_space<vmem>>
    %dma_start3A_35 = tpu.memref_squeeze %dma_start3A_34 : memref<1x128xi32, #tpu.memory_space<vmem>> -> memref<128xi32, #tpu.memory_space<vmem>>
    %dma_start3A_36 = arith.constant 0 : i32
    %dma_start3A_37 = arith.constant 0 : i32
    %dma_start3A_38 = tpu.memref_slice %arg3[%dma_start3A_36, %dma_start3A_37] : memref<16384x128xf32, #tpu.memory_space<hbm>> -> memref<16384x128xf32, #tpu.memory_space<hbm>>
    tpu.enqueue_indirect_dma source(%dma_start3A_38 : memref<16384x128xf32, #tpu.memory_space<hbm>>) target(%arg6 : memref<128x128xf32, #tpu.memory_space<vmem>>) offsets(%dma_start3A_35 : memref<128xi32, #tpu.memory_space<vmem>>) semaphore(%arg8 : memref<!tpu.dma_semaphore, #tpu.memory_space<semaphore_mem>>)
    %dma_wait3A_39 = arith.constant 0 : i32
    %dma_wait3A_40 = tpu.memref_slice %arg5[%add3A_15, %dma_wait3A_39] : memref<96x128xi32, #tpu.memory_space<vmem>> -> memref<1x128xi32, #tpu.memory_space<vmem>>
    %dma_wait3A_41 = tpu.memref_squeeze %dma_wait3A_40 : memref<1x128xi32, #tpu.memory_space<vmem>> -> memref<128xi32, #tpu.memory_space<vmem>>
    %dma_wait3A_42 = arith.constant 0 : i32
    %dma_wait3A_43 = arith.constant 0 : i32
    %dma_wait3A_44 = tpu.memref_slice %arg3[%dma_wait3A_42, %dma_wait3A_43] : memref<16384x128xf32, #tpu.memory_space<hbm>> -> memref<16384x128xf32, #tpu.memory_space<hbm>>
    tpu.wait_indirect_dma semaphore(%arg9 : memref<!tpu.dma_semaphore, #tpu.memory_space<semaphore_mem>>) src(%dma_wait3A_44 : memref<16384x128xf32, #tpu.memory_space<hbm>>) dst(%arg7 : memref<128x128xf32, #tpu.memory_space<vmem>>)
    %add3A_45 = arith.constant 128 : i32
    %add3A_46 = arith.addi %mul3A_4, %add3A_45 : i32
    "tpu.region"() ({
      %run_scoped3A = tpu.sem_alloc : memref<!tpu.dma_semaphore, #tpu.memory_space<semaphore_mem>>
      %dma_start3A_55 = arith.constant 0 : i32
      %dma_start3A_56 = tpu.memref_slice %arg4[%add3A_46, %dma_start3A_55] : memref<12288x128xf32, #tpu.memory_space<hbm>> -> memref<128x128xf32, #tpu.memory_space<hbm>>
      %dma_start3A_57 = arith.constant 0 : i32
      %dma_start3A_58 = tpu.memref_slice %arg4[%add3A_46, %dma_start3A_57] : memref<12288x128xf32, #tpu.memory_space<hbm>> -> memref<128x128xf32, #tpu.memory_space<hbm>>
      tpu.enqueue_dma source(%arg7 : memref<128x128xf32, #tpu.memory_space<vmem>>) target(%dma_start3A_58 : memref<128x128xf32, #tpu.memory_space<hbm>>) target_semaphore(%run_scoped3A : memref<!tpu.dma_semaphore, #tpu.memory_space<semaphore_mem>>)
      %dma_wait3A_59 = arith.constant 0 : i32
      %dma_wait3A_60 = tpu.memref_slice %arg4[%add3A_46, %dma_wait3A_59] : memref<12288x128xf32, #tpu.memory_space<hbm>> -> memref<128x128xf32, #tpu.memory_space<hbm>>
      %dma_wait3A_61 = arith.constant 0 : i32
      %dma_wait3A_62 = tpu.memref_slice %arg4[%add3A_46, %dma_wait3A_61] : memref<12288x128xf32, #tpu.memory_space<hbm>> -> memref<128x128xf32, #tpu.memory_space<hbm>>
      tpu.wait_dma2 semaphore(%run_scoped3A : memref<!tpu.dma_semaphore, #tpu.memory_space<semaphore_mem>>) src(%arg7 : memref<128x128xf32, #tpu.memory_space<vmem>>) dst(%dma_wait3A_62 : memref<128x128xf32, #tpu.memory_space<hbm>>)
      tpu.yield
    }) : () -> ()
    %dma_wait3A_47 = arith.constant 0 : i32
    %dma_wait3A_48 = tpu.memref_slice %arg5[%add3A_32, %dma_wait3A_47] : memref<96x128xi32, #tpu.memory_space<vmem>> -> memref<1x128xi32, #tpu.memory_space<vmem>>
    %dma_wait3A_49 = tpu.memref_squeeze %dma_wait3A_48 : memref<1x128xi32, #tpu.memory_space<vmem>> -> memref<128xi32, #tpu.memory_space<vmem>>
    %dma_wait3A_50 = arith.constant 0 : i32
    %dma_wait3A_51 = arith.constant 0 : i32
    %dma_wait3A_52 = tpu.memref_slice %arg3[%dma_wait3A_50, %dma_wait3A_51] : memref<16384x128xf32, #tpu.memory_space<hbm>> -> memref<16384x128xf32, #tpu.memory_space<hbm>>
    tpu.wait_indirect_dma semaphore(%arg8 : memref<!tpu.dma_semaphore, #tpu.memory_space<semaphore_mem>>) src(%dma_wait3A_52 : memref<16384x128xf32, #tpu.memory_space<hbm>>) dst(%arg6 : memref<128x128xf32, #tpu.memory_space<vmem>>)
    %add3A_53 = arith.constant 256 : i32
    %add3A_54 = arith.addi %mul3A_4, %add3A_53 : i32
    "tpu.region"() ({
      %run_scoped3A = tpu.sem_alloc : memref<!tpu.dma_semaphore, #tpu.memory_space<semaphore_mem>>
      %dma_start3A_55 = arith.constant 0 : i32
      %dma_start3A_56 = tpu.memref_slice %arg4[%add3A_54, %dma_start3A_55] : memref<12288x128xf32, #tpu.memory_space<hbm>> -> memref<128x128xf32, #tpu.memory_space<hbm>>
      %dma_start3A_57 = arith.constant 0 : i32
      %dma_start3A_58 = tpu.memref_slice %arg4[%add3A_54, %dma_start3A_57] : memref<12288x128xf32, #tpu.memory_space<hbm>> -> memref<128x128xf32, #tpu.memory_space<hbm>>
      tpu.enqueue_dma source(%arg6 : memref<128x128xf32, #tpu.memory_space<vmem>>) target(%dma_start3A_58 : memref<128x128xf32, #tpu.memory_space<hbm>>) target_semaphore(%run_scoped3A : memref<!tpu.dma_semaphore, #tpu.memory_space<semaphore_mem>>)
      %dma_wait3A_59 = arith.constant 0 : i32
      %dma_wait3A_60 = tpu.memref_slice %arg4[%add3A_54, %dma_wait3A_59] : memref<12288x128xf32, #tpu.memory_space<hbm>> -> memref<128x128xf32, #tpu.memory_space<hbm>>
      %dma_wait3A_61 = arith.constant 0 : i32
      %dma_wait3A_62 = tpu.memref_slice %arg4[%add3A_54, %dma_wait3A_61] : memref<12288x128xf32, #tpu.memory_space<hbm>> -> memref<128x128xf32, #tpu.memory_space<hbm>>
      tpu.wait_dma2 semaphore(%run_scoped3A : memref<!tpu.dma_semaphore, #tpu.memory_space<semaphore_mem>>) src(%arg6 : memref<128x128xf32, #tpu.memory_space<vmem>>) dst(%dma_wait3A_62 : memref<128x128xf32, #tpu.memory_space<hbm>>)
      tpu.yield
    }) : () -> ()
    return
  }
}

module attributes {stable_mosaic.version = 14 : i64} {
  func.func @_logits_argmax_body(%arg0: i32, %arg1: memref<1024x768xf32, #tpu.memory_space<vmem>>, %arg2: memref<768x32xf32, #tpu.memory_space<vmem>>, %arg3: memref<1x32xf32, #tpu.memory_space<vmem>>, %arg4: memref<32x512xf32, #tpu.memory_space<vmem>>, %arg5: memref<1x512xf32, #tpu.memory_space<vmem>>, %arg6: memref<512x8xbf16, #tpu.memory_space<vmem>>, %arg7: memref<32x128xi32, #tpu.memory_space<vmem>>) attributes {dimension_semantics = [#tpu.dimension_semantics<arbitrary>], iteration_bounds = array<i64: 3>, scalar_prefetch = 0 : i64, scratch_operands = 0 : i64, tpu.core_type = #tpu.core_type<tc>, window_params = [{transform_indices = @transform_0, window_bounds = array<i64: 1024, 768>}, {pipeline_mode = #tpu.pipeline_mode<synchronous>, transform_indices = @transform_1, window_bounds = array<i64: 768, 32>}, {pipeline_mode = #tpu.pipeline_mode<synchronous>, transform_indices = @transform_2, window_bounds = array<i64: 1, 32>}, {pipeline_mode = #tpu.pipeline_mode<synchronous>, transform_indices = @transform_3, window_bounds = array<i64: 32, 512>}, {pipeline_mode = #tpu.pipeline_mode<synchronous>, transform_indices = @transform_4, window_bounds = array<i64: 1, 512>}, {pipeline_mode = #tpu.pipeline_mode<synchronous>, transform_indices = @transform_5, window_bounds = array<i64: 512, 8>}, {transform_indices = @transform_6, window_bounds = array<i64: 32, 128>}]} {
    %get3A = arith.constant 0 : index
    %get3A_0 = arith.constant 0 : index
    %get3A_1 = vector.load %arg1[%get3A, %get3A_0] : memref<1024x768xf32, #tpu.memory_space<vmem>>, vector<1024x768xf32>
    %get3A_2 = arith.constant 0 : index
    %get3A_3 = arith.constant 0 : index
    %get3A_4 = vector.load %arg2[%get3A_2, %get3A_3] : memref<768x32xf32, #tpu.memory_space<vmem>>, vector<768x32xf32>
    %dot_general3A = arith.constant dense<0.000000e+00> : vector<1024x32xf32>
    %dot_general3A_5 = tpu.matmul %get3A_1, %get3A_4, %dot_general3A {dimension_numbers = #tpu.dot_dimension_numbers<[1], [0], [0], [1], [0, 0, 1, 1], [], []>, transpose_lhs_hint = false} : vector<1024x768xf32>, vector<768x32xf32>, vector<1024x32xf32> -> vector<1024x32xf32>
    %get3A_6 = arith.constant 0 : index
    %get3A_7 = arith.constant 0 : index
    %get3A_8 = vector.load %arg3[%get3A_6, %get3A_7] : memref<1x32xf32, #tpu.memory_space<vmem>>, vector<1x32xf32>
    %add3A = vector.broadcast %get3A_8 : vector<1x32xf32> to vector<1024x32xf32>
    %add3A_9 = arith.addf %dot_general3A_5, %add3A : vector<1024x32xf32>
    %get3A_10 = arith.constant 0 : index
    %get3A_11 = arith.constant 0 : index
    %get3A_12 = vector.load %arg4[%get3A_10, %get3A_11] : memref<32x512xf32, #tpu.memory_space<vmem>>, vector<32x512xf32>
    %dot_general3A_13 = arith.constant dense<0.000000e+00> : vector<1024x512xf32>
    %dot_general3A_14 = tpu.matmul %add3A_9, %get3A_12, %dot_general3A_13 {dimension_numbers = #tpu.dot_dimension_numbers<[1], [0], [0], [1], [0, 0, 1, 1], [], []>, transpose_lhs_hint = false} : vector<1024x32xf32>, vector<32x512xf32>, vector<1024x512xf32> -> vector<1024x512xf32>
    %get3A_15 = arith.constant 0 : index
    %get3A_16 = arith.constant 0 : index
    %get3A_17 = vector.load %arg5[%get3A_15, %get3A_16] : memref<1x512xf32, #tpu.memory_space<vmem>>, vector<1x512xf32>
    %add3A_18 = vector.broadcast %get3A_17 : vector<1x512xf32> to vector<1024x512xf32>
    %add3A_19 = arith.addf %dot_general3A_14, %add3A_18 : vector<1024x512xf32>
    %slice3A = vector.extract_strided_slice %add3A_19 {offsets = [0, 0], sizes = [1024, 64], strides = [1, 1]} : vector<1024x512xf32> to vector<1024x64xf32>
    %reduce_max3A = arith.constant dense<0xFF800000> : vector<1024xf32>
    %reduce_max3A_20 = vector.multi_reduction <maximumf>, %slice3A, %reduce_max3A [1] : vector<1024x64xf32> to vector<1024xf32>
    %broadcast_in_dim3A = vector.shape_cast %reduce_max3A_20 : vector<1024xf32> to vector<1024x1xf32>
    %broadcast_in_dim3A_21 = vector.shape_cast %broadcast_in_dim3A : vector<1024x1xf32> to vector<1024x1xf32>
    %broadcast_in_dim3A_22 = vector.broadcast %broadcast_in_dim3A_21 : vector<1024x1xf32> to vector<1024x64xf32>
    %slice3A_23 = vector.extract_strided_slice %add3A_19 {offsets = [0, 64], sizes = [1024, 64], strides = [1, 1]} : vector<1024x512xf32> to vector<1024x64xf32>
    %reduce_max3A_24 = arith.constant dense<0xFF800000> : vector<1024xf32>
    %reduce_max3A_25 = vector.multi_reduction <maximumf>, %slice3A_23, %reduce_max3A_24 [1] : vector<1024x64xf32> to vector<1024xf32>
    %broadcast_in_dim3A_26 = vector.shape_cast %reduce_max3A_25 : vector<1024xf32> to vector<1024x1xf32>
    %broadcast_in_dim3A_27 = vector.shape_cast %broadcast_in_dim3A_26 : vector<1024x1xf32> to vector<1024x1xf32>
    %broadcast_in_dim3A_28 = vector.broadcast %broadcast_in_dim3A_27 : vector<1024x1xf32> to vector<1024x64xf32>
    %slice3A_29 = vector.extract_strided_slice %add3A_19 {offsets = [0, 128], sizes = [1024, 64], strides = [1, 1]} : vector<1024x512xf32> to vector<1024x64xf32>
    %reduce_max3A_30 = arith.constant dense<0xFF800000> : vector<1024xf32>
    %reduce_max3A_31 = vector.multi_reduction <maximumf>, %slice3A_29, %reduce_max3A_30 [1] : vector<1024x64xf32> to vector<1024xf32>
    %broadcast_in_dim3A_32 = vector.shape_cast %reduce_max3A_31 : vector<1024xf32> to vector<1024x1xf32>
    %broadcast_in_dim3A_33 = vector.shape_cast %broadcast_in_dim3A_32 : vector<1024x1xf32> to vector<1024x1xf32>
    %broadcast_in_dim3A_34 = vector.broadcast %broadcast_in_dim3A_33 : vector<1024x1xf32> to vector<1024x64xf32>
    %slice3A_35 = vector.extract_strided_slice %add3A_19 {offsets = [0, 192], sizes = [1024, 64], strides = [1, 1]} : vector<1024x512xf32> to vector<1024x64xf32>
    %reduce_max3A_36 = arith.constant dense<0xFF800000> : vector<1024xf32>
    %reduce_max3A_37 = vector.multi_reduction <maximumf>, %slice3A_35, %reduce_max3A_36 [1] : vector<1024x64xf32> to vector<1024xf32>
    %broadcast_in_dim3A_38 = vector.shape_cast %reduce_max3A_37 : vector<1024xf32> to vector<1024x1xf32>
    %broadcast_in_dim3A_39 = vector.shape_cast %broadcast_in_dim3A_38 : vector<1024x1xf32> to vector<1024x1xf32>
    %broadcast_in_dim3A_40 = vector.broadcast %broadcast_in_dim3A_39 : vector<1024x1xf32> to vector<1024x64xf32>
    %slice3A_41 = vector.extract_strided_slice %add3A_19 {offsets = [0, 256], sizes = [1024, 64], strides = [1, 1]} : vector<1024x512xf32> to vector<1024x64xf32>
    %reduce_max3A_42 = arith.constant dense<0xFF800000> : vector<1024xf32>
    %reduce_max3A_43 = vector.multi_reduction <maximumf>, %slice3A_41, %reduce_max3A_42 [1] : vector<1024x64xf32> to vector<1024xf32>
    %broadcast_in_dim3A_44 = vector.shape_cast %reduce_max3A_43 : vector<1024xf32> to vector<1024x1xf32>
    %broadcast_in_dim3A_45 = vector.shape_cast %broadcast_in_dim3A_44 : vector<1024x1xf32> to vector<1024x1xf32>
    %broadcast_in_dim3A_46 = vector.broadcast %broadcast_in_dim3A_45 : vector<1024x1xf32> to vector<1024x64xf32>
    %slice3A_47 = vector.extract_strided_slice %add3A_19 {offsets = [0, 320], sizes = [1024, 64], strides = [1, 1]} : vector<1024x512xf32> to vector<1024x64xf32>
    %reduce_max3A_48 = arith.constant dense<0xFF800000> : vector<1024xf32>
    %reduce_max3A_49 = vector.multi_reduction <maximumf>, %slice3A_47, %reduce_max3A_48 [1] : vector<1024x64xf32> to vector<1024xf32>
    %broadcast_in_dim3A_50 = vector.shape_cast %reduce_max3A_49 : vector<1024xf32> to vector<1024x1xf32>
    %broadcast_in_dim3A_51 = vector.shape_cast %broadcast_in_dim3A_50 : vector<1024x1xf32> to vector<1024x1xf32>
    %broadcast_in_dim3A_52 = vector.broadcast %broadcast_in_dim3A_51 : vector<1024x1xf32> to vector<1024x64xf32>
    %slice3A_53 = vector.extract_strided_slice %add3A_19 {offsets = [0, 384], sizes = [1024, 64], strides = [1, 1]} : vector<1024x512xf32> to vector<1024x64xf32>
    %reduce_max3A_54 = arith.constant dense<0xFF800000> : vector<1024xf32>
    %reduce_max3A_55 = vector.multi_reduction <maximumf>, %slice3A_53, %reduce_max3A_54 [1] : vector<1024x64xf32> to vector<1024xf32>
    %broadcast_in_dim3A_56 = vector.shape_cast %reduce_max3A_55 : vector<1024xf32> to vector<1024x1xf32>
    %broadcast_in_dim3A_57 = vector.shape_cast %broadcast_in_dim3A_56 : vector<1024x1xf32> to vector<1024x1xf32>
    %broadcast_in_dim3A_58 = vector.broadcast %broadcast_in_dim3A_57 : vector<1024x1xf32> to vector<1024x64xf32>
    %slice3A_59 = vector.extract_strided_slice %add3A_19 {offsets = [0, 448], sizes = [1024, 64], strides = [1, 1]} : vector<1024x512xf32> to vector<1024x64xf32>
    %reduce_max3A_60 = arith.constant dense<0xFF800000> : vector<1024xf32>
    %reduce_max3A_61 = vector.multi_reduction <maximumf>, %slice3A_59, %reduce_max3A_60 [1] : vector<1024x64xf32> to vector<1024xf32>
    %broadcast_in_dim3A_62 = vector.shape_cast %reduce_max3A_61 : vector<1024xf32> to vector<1024x1xf32>
    %broadcast_in_dim3A_63 = vector.shape_cast %broadcast_in_dim3A_62 : vector<1024x1xf32> to vector<1024x1xf32>
    %broadcast_in_dim3A_64 = vector.broadcast %broadcast_in_dim3A_63 : vector<1024x1xf32> to vector<1024x64xf32>
    %concatenate3A = tpu.concatenate %broadcast_in_dim3A_22, %broadcast_in_dim3A_28, %broadcast_in_dim3A_34, %broadcast_in_dim3A_40, %broadcast_in_dim3A_46, %broadcast_in_dim3A_52, %broadcast_in_dim3A_58, %broadcast_in_dim3A_64 in 1 : vector<1024x64xf32>, vector<1024x64xf32>, vector<1024x64xf32>, vector<1024x64xf32>, vector<1024x64xf32>, vector<1024x64xf32>, vector<1024x64xf32>, vector<1024x64xf32> -> vector<1024x512xf32>
    %eq3A = arith.cmpf oeq, %add3A_19, %concatenate3A : vector<1024x512xf32>
    %convert_element_type3A = arith.extui %eq3A : vector<1024x512xi1> to vector<1024x512xi32>
    %convert_element_type3A_65 = arith.sitofp %convert_element_type3A : vector<1024x512xi32> to vector<1024x512xf32>
    %convert_element_type3A_66 = arith.truncf %convert_element_type3A_65 : vector<1024x512xf32> to vector<1024x512xbf16>
    %get3A_67 = arith.constant 0 : index
    %get3A_68 = arith.constant 0 : index
    %get3A_69 = vector.load %arg6[%get3A_67, %get3A_68] : memref<512x8xbf16, #tpu.memory_space<vmem>>, vector<512x8xbf16>
    %dot_general3A_70 = arith.constant dense<0.000000e+00> : vector<1024x8xf32>
    %dot_general3A_71 = tpu.matmul %convert_element_type3A_66, %get3A_69, %dot_general3A_70 {dimension_numbers = #tpu.dot_dimension_numbers<[1], [0], [0], [1], [0, 0, 1, 1], [], []>, transpose_lhs_hint = false} : vector<1024x512xbf16>, vector<512x8xbf16>, vector<1024x8xf32> -> vector<1024x8xf32>
    %bitcast_convert_type3A = tpu.bitcast %dot_general3A_71 : vector<1024x8xf32> -> vector<1024x8xi32>
    %shift_right_arithmetic3A = arith.constant 23 : i32
    %shift_right_arithmetic3A_72 = vector.broadcast %shift_right_arithmetic3A : i32 to vector<1024x8xi32>
    %shift_right_arithmetic3A_73 = arith.shrsi %bitcast_convert_type3A, %shift_right_arithmetic3A_72 : vector<1024x8xi32>
    %sub3A = arith.constant 190 : i32
    %sub3A_74 = vector.broadcast %sub3A : i32 to vector<1024x8xi32>
    %sub3A_75 = arith.subi %sub3A_74, %shift_right_arithmetic3A_73 : vector<1024x8xi32>
    %jit3A = arith.constant 0 : i32
    %jit3A_76 = arith.constant 63 : i32
    %max3A = vector.broadcast %jit3A : i32 to vector<1024x8xi32>
    %max3A_77 = arith.maxsi %max3A, %sub3A_75 : vector<1024x8xi32>
    %min3A = vector.broadcast %jit3A_76 : i32 to vector<1024x8xi32>
    %min3A_78 = arith.minsi %min3A, %max3A_77 : vector<1024x8xi32>
    %slice3A_79 = vector.extract_strided_slice %min3A_78 {offsets = [0, 0], sizes = [1024, 1], strides = [1, 1]} : vector<1024x8xi32> to vector<1024x1xi32>
    %squeeze3A = vector.shape_cast %slice3A_79 : vector<1024x1xi32> to vector<1024xi32>
    %mul3A = arith.constant 64 : i32
    %mul3A_80 = vector.broadcast %mul3A : i32 to vector<1024xi32>
    %mul3A_81 = arith.muli %squeeze3A, %mul3A_80 : vector<1024xi32>
    %slice3A_82 = vector.extract_strided_slice %min3A_78 {offsets = [0, 1], sizes = [1024, 1], strides = [1, 1]} : vector<1024x8xi32> to vector<1024x1xi32>
    %squeeze3A_83 = vector.shape_cast %slice3A_82 : vector<1024x1xi32> to vector<1024xi32>
    %add3A_84 = arith.addi %mul3A_81, %squeeze3A_83 : vector<1024xi32>
    %add3A_85 = arith.constant 0 : i32
    %add3A_86 = vector.broadcast %add3A_85 : i32 to vector<1024xi32>
    %add3A_87 = arith.addi %add3A_84, %add3A_86 : vector<1024xi32>
    %reshape3A = vector.shape_cast %add3A_87 : vector<1024xi32> to vector<8x128xi32>
    %slice3A_88 = vector.extract_strided_slice %min3A_78 {offsets = [0, 2], sizes = [1024, 1], strides = [1, 1]} : vector<1024x8xi32> to vector<1024x1xi32>
    %squeeze3A_89 = vector.shape_cast %slice3A_88 : vector<1024x1xi32> to vector<1024xi32>
    %mul3A_90 = arith.constant 64 : i32
    %mul3A_91 = vector.broadcast %mul3A_90 : i32 to vector<1024xi32>
    %mul3A_92 = arith.muli %squeeze3A_89, %mul3A_91 : vector<1024xi32>
    %slice3A_93 = vector.extract_strided_slice %min3A_78 {offsets = [0, 3], sizes = [1024, 1], strides = [1, 1]} : vector<1024x8xi32> to vector<1024x1xi32>
    %squeeze3A_94 = vector.shape_cast %slice3A_93 : vector<1024x1xi32> to vector<1024xi32>
    %add3A_95 = arith.addi %mul3A_92, %squeeze3A_94 : vector<1024xi32>
    %add3A_96 = arith.constant 4096 : i32
    %add3A_97 = vector.broadcast %add3A_96 : i32 to vector<1024xi32>
    %add3A_98 = arith.addi %add3A_95, %add3A_97 : vector<1024xi32>
    %reshape3A_99 = vector.shape_cast %add3A_98 : vector<1024xi32> to vector<8x128xi32>
    %slice3A_100 = vector.extract_strided_slice %min3A_78 {offsets = [0, 4], sizes = [1024, 1], strides = [1, 1]} : vector<1024x8xi32> to vector<1024x1xi32>
    %squeeze3A_101 = vector.shape_cast %slice3A_100 : vector<1024x1xi32> to vector<1024xi32>
    %mul3A_102 = arith.constant 64 : i32
    %mul3A_103 = vector.broadcast %mul3A_102 : i32 to vector<1024xi32>
    %mul3A_104 = arith.muli %squeeze3A_101, %mul3A_103 : vector<1024xi32>
    %slice3A_105 = vector.extract_strided_slice %min3A_78 {offsets = [0, 5], sizes = [1024, 1], strides = [1, 1]} : vector<1024x8xi32> to vector<1024x1xi32>
    %squeeze3A_106 = vector.shape_cast %slice3A_105 : vector<1024x1xi32> to vector<1024xi32>
    %add3A_107 = arith.addi %mul3A_104, %squeeze3A_106 : vector<1024xi32>
    %add3A_108 = arith.constant 8192 : i32
    %add3A_109 = vector.broadcast %add3A_108 : i32 to vector<1024xi32>
    %add3A_110 = arith.addi %add3A_107, %add3A_109 : vector<1024xi32>
    %reshape3A_111 = vector.shape_cast %add3A_110 : vector<1024xi32> to vector<8x128xi32>
    %slice3A_112 = vector.extract_strided_slice %min3A_78 {offsets = [0, 6], sizes = [1024, 1], strides = [1, 1]} : vector<1024x8xi32> to vector<1024x1xi32>
    %squeeze3A_113 = vector.shape_cast %slice3A_112 : vector<1024x1xi32> to vector<1024xi32>
    %mul3A_114 = arith.constant 64 : i32
    %mul3A_115 = vector.broadcast %mul3A_114 : i32 to vector<1024xi32>
    %mul3A_116 = arith.muli %squeeze3A_113, %mul3A_115 : vector<1024xi32>
    %slice3A_117 = vector.extract_strided_slice %min3A_78 {offsets = [0, 7], sizes = [1024, 1], strides = [1, 1]} : vector<1024x8xi32> to vector<1024x1xi32>
    %squeeze3A_118 = vector.shape_cast %slice3A_117 : vector<1024x1xi32> to vector<1024xi32>
    %add3A_119 = arith.addi %mul3A_116, %squeeze3A_118 : vector<1024xi32>
    %add3A_120 = arith.constant 12288 : i32
    %add3A_121 = vector.broadcast %add3A_120 : i32 to vector<1024xi32>
    %add3A_122 = arith.addi %add3A_119, %add3A_121 : vector<1024xi32>
    %reshape3A_123 = vector.shape_cast %add3A_122 : vector<1024xi32> to vector<8x128xi32>
    %concatenate3A_124 = tpu.concatenate %reshape3A, %reshape3A_99, %reshape3A_111, %reshape3A_123 in 0 : vector<8x128xi32>, vector<8x128xi32>, vector<8x128xi32>, vector<8x128xi32> -> vector<32x128xi32>
    %swap3A = arith.constant 0 : index
    %swap3A_125 = arith.constant 0 : index
    %swap3A_126 = vector.load %arg7[%swap3A, %swap3A_125] : memref<32x128xi32, #tpu.memory_space<vmem>>, vector<32x128xi32>
    tpu.vector_store %arg7[%swap3A, %swap3A_125], %concatenate3A_124 {strides = array<i32>} : memref<32x128xi32, #tpu.memory_space<vmem>>, vector<32x128xi32>,
    return
  }
  func.func @transform_0(%arg0: i32) -> (i32, i32) {
    %add3A = arith.constant 3 : i32
    %add3A_0 = arith.addi %arg0, %add3A : i32
    %c0_i32 = arith.constant 0 : i32
    %c0_i32_1 = arith.constant 0 : i32
    return %add3A_0, %c0_i32 : i32, i32
  }
  func.func @transform_1(%arg0: i32) -> (i32, i32) {
    %c0_i32 = arith.constant 0 : i32
    %c0_i32_0 = arith.constant 0 : i32
    %c0_i32_1 = arith.constant 0 : i32
    return %c0_i32, %c0_i32_0 : i32, i32
  }
  func.func @transform_2(%arg0: i32) -> (i32, i32) {
    %c0_i32 = arith.constant 0 : i32
    %c0_i32_0 = arith.constant 0 : i32
    %c0_i32_1 = arith.constant 0 : i32
    return %c0_i32, %c0_i32_0 : i32, i32
  }
  func.func @transform_3(%arg0: i32) -> (i32, i32) {
    %c0_i32 = arith.constant 0 : i32
    %c0_i32_0 = arith.constant 0 : i32
    %c0_i32_1 = arith.constant 0 : i32
    return %c0_i32, %c0_i32_0 : i32, i32
  }
  func.func @transform_4(%arg0: i32) -> (i32, i32) {
    %c0_i32 = arith.constant 0 : i32
    %c0_i32_0 = arith.constant 0 : i32
    %c0_i32_1 = arith.constant 0 : i32
    return %c0_i32, %c0_i32_0 : i32, i32
  }
  func.func @transform_5(%arg0: i32) -> (i32, i32) {
    %c0_i32 = arith.constant 0 : i32
    %c0_i32_0 = arith.constant 0 : i32
    %c0_i32_1 = arith.constant 0 : i32
    return %c0_i32, %c0_i32_0 : i32, i32
  }
  func.func @transform_6(%arg0: i32) -> (i32, i32) {
    %c0_i32 = arith.constant 0 : i32
    %c0_i32_0 = arith.constant 0 : i32
    return %arg0, %c0_i32 : i32, i32
  }
}

module attributes {stable_mosaic.version = 14 : i64} {
  func.func @_logits_argmax_body(%arg0: i32, %arg1: memref<1024x768xf32, #tpu.memory_space<vmem>>, %arg2: memref<768x32xf32, #tpu.memory_space<vmem>>, %arg3: memref<1x32xf32, #tpu.memory_space<vmem>>, %arg4: memref<32x512xf32, #tpu.memory_space<vmem>>, %arg5: memref<1x512xf32, #tpu.memory_space<vmem>>, %arg6: memref<512x8xbf16, #tpu.memory_space<vmem>>, %arg7: memref<32x128xi32, #tpu.memory_space<vmem>>) attributes {dimension_semantics = [#tpu.dimension_semantics<arbitrary>], iteration_bounds = array<i64: 3>, scalar_prefetch = 0 : i64, scratch_operands = 0 : i64, tpu.core_type = #tpu.core_type<tc>, window_params = [{transform_indices = @transform_0, window_bounds = array<i64: 1024, 768>}, {pipeline_mode = #tpu.pipeline_mode<synchronous>, transform_indices = @transform_1, window_bounds = array<i64: 768, 32>}, {pipeline_mode = #tpu.pipeline_mode<synchronous>, transform_indices = @transform_2, window_bounds = array<i64: 1, 32>}, {pipeline_mode = #tpu.pipeline_mode<synchronous>, transform_indices = @transform_3, window_bounds = array<i64: 32, 512>}, {pipeline_mode = #tpu.pipeline_mode<synchronous>, transform_indices = @transform_4, window_bounds = array<i64: 1, 512>}, {pipeline_mode = #tpu.pipeline_mode<synchronous>, transform_indices = @transform_5, window_bounds = array<i64: 512, 8>}, {transform_indices = @transform_6, window_bounds = array<i64: 32, 128>}]} {
    %get3A = arith.constant 0 : index
    %get3A_0 = arith.constant 0 : index
    %get3A_1 = vector.load %arg1[%get3A, %get3A_0] : memref<1024x768xf32, #tpu.memory_space<vmem>>, vector<1024x768xf32>
    %get3A_2 = arith.constant 0 : index
    %get3A_3 = arith.constant 0 : index
    %get3A_4 = vector.load %arg2[%get3A_2, %get3A_3] : memref<768x32xf32, #tpu.memory_space<vmem>>, vector<768x32xf32>
    %dot_general3A = arith.constant dense<0.000000e+00> : vector<1024x32xf32>
    %dot_general3A_5 = tpu.matmul %get3A_1, %get3A_4, %dot_general3A {dimension_numbers = #tpu.dot_dimension_numbers<[1], [0], [0], [1], [0, 0, 1, 1], [], []>, transpose_lhs_hint = false} : vector<1024x768xf32>, vector<768x32xf32>, vector<1024x32xf32> -> vector<1024x32xf32>
    %get3A_6 = arith.constant 0 : index
    %get3A_7 = arith.constant 0 : index
    %get3A_8 = vector.load %arg3[%get3A_6, %get3A_7] : memref<1x32xf32, #tpu.memory_space<vmem>>, vector<1x32xf32>
    %add3A = vector.broadcast %get3A_8 : vector<1x32xf32> to vector<1024x32xf32>
    %add3A_9 = arith.addf %dot_general3A_5, %add3A : vector<1024x32xf32>
    %get3A_10 = arith.constant 0 : index
    %get3A_11 = arith.constant 0 : index
    %get3A_12 = vector.load %arg4[%get3A_10, %get3A_11] : memref<32x512xf32, #tpu.memory_space<vmem>>, vector<32x512xf32>
    %dot_general3A_13 = arith.constant dense<0.000000e+00> : vector<1024x512xf32>
    %dot_general3A_14 = tpu.matmul %add3A_9, %get3A_12, %dot_general3A_13 {dimension_numbers = #tpu.dot_dimension_numbers<[1], [0], [0], [1], [0, 0, 1, 1], [], []>, transpose_lhs_hint = false} : vector<1024x32xf32>, vector<32x512xf32>, vector<1024x512xf32> -> vector<1024x512xf32>
    %get3A_15 = arith.constant 0 : index
    %get3A_16 = arith.constant 0 : index
    %get3A_17 = vector.load %arg5[%get3A_15, %get3A_16] : memref<1x512xf32, #tpu.memory_space<vmem>>, vector<1x512xf32>
    %add3A_18 = vector.broadcast %get3A_17 : vector<1x512xf32> to vector<1024x512xf32>
    %add3A_19 = arith.addf %dot_general3A_14, %add3A_18 : vector<1024x512xf32>
    %slice3A = vector.extract_strided_slice %add3A_19 {offsets = [0, 0], sizes = [1024, 64], strides = [1, 1]} : vector<1024x512xf32> to vector<1024x64xf32>
    %reduce_max3A = arith.constant dense<0xFF800000> : vector<1024xf32>
    %reduce_max3A_20 = vector.multi_reduction <maximumf>, %slice3A, %reduce_max3A [1] : vector<1024x64xf32> to vector<1024xf32>
    %broadcast_in_dim3A = vector.shape_cast %reduce_max3A_20 : vector<1024xf32> to vector<1024x1xf32>
    %broadcast_in_dim3A_21 = vector.shape_cast %broadcast_in_dim3A : vector<1024x1xf32> to vector<1024x1xf32>
    %broadcast_in_dim3A_22 = vector.broadcast %broadcast_in_dim3A_21 : vector<1024x1xf32> to vector<1024x64xf32>
    %slice3A_23 = vector.extract_strided_slice %add3A_19 {offsets = [0, 64], sizes = [1024, 64], strides = [1, 1]} : vector<1024x512xf32> to vector<1024x64xf32>
    %reduce_max3A_24 = arith.constant dense<0xFF800000> : vector<1024xf32>
    %reduce_max3A_25 = vector.multi_reduction <maximumf>, %slice3A_23, %reduce_max3A_24 [1] : vector<1024x64xf32> to vector<1024xf32>
    %broadcast_in_dim3A_26 = vector.shape_cast %reduce_max3A_25 : vector<1024xf32> to vector<1024x1xf32>
    %broadcast_in_dim3A_27 = vector.shape_cast %broadcast_in_dim3A_26 : vector<1024x1xf32> to vector<1024x1xf32>
    %broadcast_in_dim3A_28 = vector.broadcast %broadcast_in_dim3A_27 : vector<1024x1xf32> to vector<1024x64xf32>
    %slice3A_29 = vector.extract_strided_slice %add3A_19 {offsets = [0, 128], sizes = [1024, 64], strides = [1, 1]} : vector<1024x512xf32> to vector<1024x64xf32>
    %reduce_max3A_30 = arith.constant dense<0xFF800000> : vector<1024xf32>
    %reduce_max3A_31 = vector.multi_reduction <maximumf>, %slice3A_29, %reduce_max3A_30 [1] : vector<1024x64xf32> to vector<1024xf32>
    %broadcast_in_dim3A_32 = vector.shape_cast %reduce_max3A_31 : vector<1024xf32> to vector<1024x1xf32>
    %broadcast_in_dim3A_33 = vector.shape_cast %broadcast_in_dim3A_32 : vector<1024x1xf32> to vector<1024x1xf32>
    %broadcast_in_dim3A_34 = vector.broadcast %broadcast_in_dim3A_33 : vector<1024x1xf32> to vector<1024x64xf32>
    %slice3A_35 = vector.extract_strided_slice %add3A_19 {offsets = [0, 192], sizes = [1024, 64], strides = [1, 1]} : vector<1024x512xf32> to vector<1024x64xf32>
    %reduce_max3A_36 = arith.constant dense<0xFF800000> : vector<1024xf32>
    %reduce_max3A_37 = vector.multi_reduction <maximumf>, %slice3A_35, %reduce_max3A_36 [1] : vector<1024x64xf32> to vector<1024xf32>
    %broadcast_in_dim3A_38 = vector.shape_cast %reduce_max3A_37 : vector<1024xf32> to vector<1024x1xf32>
    %broadcast_in_dim3A_39 = vector.shape_cast %broadcast_in_dim3A_38 : vector<1024x1xf32> to vector<1024x1xf32>
    %broadcast_in_dim3A_40 = vector.broadcast %broadcast_in_dim3A_39 : vector<1024x1xf32> to vector<1024x64xf32>
    %slice3A_41 = vector.extract_strided_slice %add3A_19 {offsets = [0, 256], sizes = [1024, 64], strides = [1, 1]} : vector<1024x512xf32> to vector<1024x64xf32>
    %reduce_max3A_42 = arith.constant dense<0xFF800000> : vector<1024xf32>
    %reduce_max3A_43 = vector.multi_reduction <maximumf>, %slice3A_41, %reduce_max3A_42 [1] : vector<1024x64xf32> to vector<1024xf32>
    %broadcast_in_dim3A_44 = vector.shape_cast %reduce_max3A_43 : vector<1024xf32> to vector<1024x1xf32>
    %broadcast_in_dim3A_45 = vector.shape_cast %broadcast_in_dim3A_44 : vector<1024x1xf32> to vector<1024x1xf32>
    %broadcast_in_dim3A_46 = vector.broadcast %broadcast_in_dim3A_45 : vector<1024x1xf32> to vector<1024x64xf32>
    %slice3A_47 = vector.extract_strided_slice %add3A_19 {offsets = [0, 320], sizes = [1024, 64], strides = [1, 1]} : vector<1024x512xf32> to vector<1024x64xf32>
    %reduce_max3A_48 = arith.constant dense<0xFF800000> : vector<1024xf32>
    %reduce_max3A_49 = vector.multi_reduction <maximumf>, %slice3A_47, %reduce_max3A_48 [1] : vector<1024x64xf32> to vector<1024xf32>
    %broadcast_in_dim3A_50 = vector.shape_cast %reduce_max3A_49 : vector<1024xf32> to vector<1024x1xf32>
    %broadcast_in_dim3A_51 = vector.shape_cast %broadcast_in_dim3A_50 : vector<1024x1xf32> to vector<1024x1xf32>
    %broadcast_in_dim3A_52 = vector.broadcast %broadcast_in_dim3A_51 : vector<1024x1xf32> to vector<1024x64xf32>
    %slice3A_53 = vector.extract_strided_slice %add3A_19 {offsets = [0, 384], sizes = [1024, 64], strides = [1, 1]} : vector<1024x512xf32> to vector<1024x64xf32>
    %reduce_max3A_54 = arith.constant dense<0xFF800000> : vector<1024xf32>
    %reduce_max3A_55 = vector.multi_reduction <maximumf>, %slice3A_53, %reduce_max3A_54 [1] : vector<1024x64xf32> to vector<1024xf32>
    %broadcast_in_dim3A_56 = vector.shape_cast %reduce_max3A_55 : vector<1024xf32> to vector<1024x1xf32>
    %broadcast_in_dim3A_57 = vector.shape_cast %broadcast_in_dim3A_56 : vector<1024x1xf32> to vector<1024x1xf32>
    %broadcast_in_dim3A_58 = vector.broadcast %broadcast_in_dim3A_57 : vector<1024x1xf32> to vector<1024x64xf32>
    %slice3A_59 = vector.extract_strided_slice %add3A_19 {offsets = [0, 448], sizes = [1024, 64], strides = [1, 1]} : vector<1024x512xf32> to vector<1024x64xf32>
    %reduce_max3A_60 = arith.constant dense<0xFF800000> : vector<1024xf32>
    %reduce_max3A_61 = vector.multi_reduction <maximumf>, %slice3A_59, %reduce_max3A_60 [1] : vector<1024x64xf32> to vector<1024xf32>
    %broadcast_in_dim3A_62 = vector.shape_cast %reduce_max3A_61 : vector<1024xf32> to vector<1024x1xf32>
    %broadcast_in_dim3A_63 = vector.shape_cast %broadcast_in_dim3A_62 : vector<1024x1xf32> to vector<1024x1xf32>
    %broadcast_in_dim3A_64 = vector.broadcast %broadcast_in_dim3A_63 : vector<1024x1xf32> to vector<1024x64xf32>
    %concatenate3A = tpu.concatenate %broadcast_in_dim3A_22, %broadcast_in_dim3A_28, %broadcast_in_dim3A_34, %broadcast_in_dim3A_40, %broadcast_in_dim3A_46, %broadcast_in_dim3A_52, %broadcast_in_dim3A_58, %broadcast_in_dim3A_64 in 1 : vector<1024x64xf32>, vector<1024x64xf32>, vector<1024x64xf32>, vector<1024x64xf32>, vector<1024x64xf32>, vector<1024x64xf32>, vector<1024x64xf32>, vector<1024x64xf32> -> vector<1024x512xf32>
    %eq3A = arith.cmpf oeq, %add3A_19, %concatenate3A : vector<1024x512xf32>
    %convert_element_type3A = arith.extui %eq3A : vector<1024x512xi1> to vector<1024x512xi32>
    %convert_element_type3A_65 = arith.sitofp %convert_element_type3A : vector<1024x512xi32> to vector<1024x512xf32>
    %convert_element_type3A_66 = arith.truncf %convert_element_type3A_65 : vector<1024x512xf32> to vector<1024x512xbf16>
    %get3A_67 = arith.constant 0 : index
    %get3A_68 = arith.constant 0 : index
    %get3A_69 = vector.load %arg6[%get3A_67, %get3A_68] : memref<512x8xbf16, #tpu.memory_space<vmem>>, vector<512x8xbf16>
    %dot_general3A_70 = arith.constant dense<0.000000e+00> : vector<1024x8xf32>
    %dot_general3A_71 = tpu.matmul %convert_element_type3A_66, %get3A_69, %dot_general3A_70 {dimension_numbers = #tpu.dot_dimension_numbers<[1], [0], [0], [1], [0, 0, 1, 1], [], []>, transpose_lhs_hint = false} : vector<1024x512xbf16>, vector<512x8xbf16>, vector<1024x8xf32> -> vector<1024x8xf32>
    %bitcast_convert_type3A = tpu.bitcast %dot_general3A_71 : vector<1024x8xf32> -> vector<1024x8xi32>
    %shift_right_arithmetic3A = arith.constant 23 : i32
    %shift_right_arithmetic3A_72 = vector.broadcast %shift_right_arithmetic3A : i32 to vector<1024x8xi32>
    %shift_right_arithmetic3A_73 = arith.shrsi %bitcast_convert_type3A, %shift_right_arithmetic3A_72 : vector<1024x8xi32>
    %sub3A = arith.constant 190 : i32
    %sub3A_74 = vector.broadcast %sub3A : i32 to vector<1024x8xi32>
    %sub3A_75 = arith.subi %sub3A_74, %shift_right_arithmetic3A_73 : vector<1024x8xi32>
    %jit3A = arith.constant 0 : i32
    %jit3A_76 = arith.constant 63 : i32
    %max3A = vector.broadcast %jit3A : i32 to vector<1024x8xi32>
    %max3A_77 = arith.maxsi %max3A, %sub3A_75 : vector<1024x8xi32>
    %min3A = vector.broadcast %jit3A_76 : i32 to vector<1024x8xi32>
    %min3A_78 = arith.minsi %min3A, %max3A_77 : vector<1024x8xi32>
    %slice3A_79 = vector.extract_strided_slice %min3A_78 {offsets = [0, 0], sizes = [1024, 1], strides = [1, 1]} : vector<1024x8xi32> to vector<1024x1xi32>
    %squeeze3A = vector.shape_cast %slice3A_79 : vector<1024x1xi32> to vector<1024xi32>
    %mul3A = arith.constant 64 : i32
    %mul3A_80 = vector.broadcast %mul3A : i32 to vector<1024xi32>
    %mul3A_81 = arith.muli %squeeze3A, %mul3A_80 : vector<1024xi32>
    %slice3A_82 = vector.extract_strided_slice %min3A_78 {offsets = [0, 1], sizes = [1024, 1], strides = [1, 1]} : vector<1024x8xi32> to vector<1024x1xi32>
    %squeeze3A_83 = vector.shape_cast %slice3A_82 : vector<1024x1xi32> to vector<1024xi32>
    %add3A_84 = arith.addi %mul3A_81, %squeeze3A_83 : vector<1024xi32>
    %add3A_85 = arith.constant 0 : i32
    %add3A_86 = vector.broadcast %add3A_85 : i32 to vector<1024xi32>
    %add3A_87 = arith.addi %add3A_84, %add3A_86 : vector<1024xi32>
    %reshape3A = vector.shape_cast %add3A_87 : vector<1024xi32> to vector<8x128xi32>
    %slice3A_88 = vector.extract_strided_slice %min3A_78 {offsets = [0, 2], sizes = [1024, 1], strides = [1, 1]} : vector<1024x8xi32> to vector<1024x1xi32>
    %squeeze3A_89 = vector.shape_cast %slice3A_88 : vector<1024x1xi32> to vector<1024xi32>
    %mul3A_90 = arith.constant 64 : i32
    %mul3A_91 = vector.broadcast %mul3A_90 : i32 to vector<1024xi32>
    %mul3A_92 = arith.muli %squeeze3A_89, %mul3A_91 : vector<1024xi32>
    %slice3A_93 = vector.extract_strided_slice %min3A_78 {offsets = [0, 3], sizes = [1024, 1], strides = [1, 1]} : vector<1024x8xi32> to vector<1024x1xi32>
    %squeeze3A_94 = vector.shape_cast %slice3A_93 : vector<1024x1xi32> to vector<1024xi32>
    %add3A_95 = arith.addi %mul3A_92, %squeeze3A_94 : vector<1024xi32>
    %add3A_96 = arith.constant 4096 : i32
    %add3A_97 = vector.broadcast %add3A_96 : i32 to vector<1024xi32>
    %add3A_98 = arith.addi %add3A_95, %add3A_97 : vector<1024xi32>
    %reshape3A_99 = vector.shape_cast %add3A_98 : vector<1024xi32> to vector<8x128xi32>
    %slice3A_100 = vector.extract_strided_slice %min3A_78 {offsets = [0, 4], sizes = [1024, 1], strides = [1, 1]} : vector<1024x8xi32> to vector<1024x1xi32>
    %squeeze3A_101 = vector.shape_cast %slice3A_100 : vector<1024x1xi32> to vector<1024xi32>
    %mul3A_102 = arith.constant 64 : i32
    %mul3A_103 = vector.broadcast %mul3A_102 : i32 to vector<1024xi32>
    %mul3A_104 = arith.muli %squeeze3A_101, %mul3A_103 : vector<1024xi32>
    %slice3A_105 = vector.extract_strided_slice %min3A_78 {offsets = [0, 5], sizes = [1024, 1], strides = [1, 1]} : vector<1024x8xi32> to vector<1024x1xi32>
    %squeeze3A_106 = vector.shape_cast %slice3A_105 : vector<1024x1xi32> to vector<1024xi32>
    %add3A_107 = arith.addi %mul3A_104, %squeeze3A_106 : vector<1024xi32>
    %add3A_108 = arith.constant 8192 : i32
    %add3A_109 = vector.broadcast %add3A_108 : i32 to vector<1024xi32>
    %add3A_110 = arith.addi %add3A_107, %add3A_109 : vector<1024xi32>
    %reshape3A_111 = vector.shape_cast %add3A_110 : vector<1024xi32> to vector<8x128xi32>
    %slice3A_112 = vector.extract_strided_slice %min3A_78 {offsets = [0, 6], sizes = [1024, 1], strides = [1, 1]} : vector<1024x8xi32> to vector<1024x1xi32>
    %squeeze3A_113 = vector.shape_cast %slice3A_112 : vector<1024x1xi32> to vector<1024xi32>
    %mul3A_114 = arith.constant 64 : i32
    %mul3A_115 = vector.broadcast %mul3A_114 : i32 to vector<1024xi32>
    %mul3A_116 = arith.muli %squeeze3A_113, %mul3A_115 : vector<1024xi32>
    %slice3A_117 = vector.extract_strided_slice %min3A_78 {offsets = [0, 7], sizes = [1024, 1], strides = [1, 1]} : vector<1024x8xi32> to vector<1024x1xi32>
    %squeeze3A_118 = vector.shape_cast %slice3A_117 : vector<1024x1xi32> to vector<1024xi32>
    %add3A_119 = arith.addi %mul3A_116, %squeeze3A_118 : vector<1024xi32>
    %add3A_120 = arith.constant 12288 : i32
    %add3A_121 = vector.broadcast %add3A_120 : i32 to vector<1024xi32>
    %add3A_122 = arith.addi %add3A_119, %add3A_121 : vector<1024xi32>
    %reshape3A_123 = vector.shape_cast %add3A_122 : vector<1024xi32> to vector<8x128xi32>
    %concatenate3A_124 = tpu.concatenate %reshape3A, %reshape3A_99, %reshape3A_111, %reshape3A_123 in 0 : vector<8x128xi32>, vector<8x128xi32>, vector<8x128xi32>, vector<8x128xi32> -> vector<32x128xi32>
    %swap3A = arith.constant 0 : index
    %swap3A_125 = arith.constant 0 : index
    %swap3A_126 = vector.load %arg7[%swap3A, %swap3A_125] : memref<32x128xi32, #tpu.memory_space<vmem>>, vector<32x128xi32>
    tpu.vector_store %arg7[%swap3A, %swap3A_125], %concatenate3A_124 {strides = array<i32>} : memref<32x128xi32, #tpu.memory_space<vmem>>, vector<32x128xi32>,
    return
  }
  func.func @transform_0(%arg0: i32) -> (i32, i32) {
    %add3A = arith.constant 0 : i32
    %add3A_0 = arith.addi %arg0, %add3A : i32
    %c0_i32 = arith.constant 0 : i32
    %c0_i32_1 = arith.constant 0 : i32
    return %add3A_0, %c0_i32 : i32, i32
  }
  func.func @transform_1(%arg0: i32) -> (i32, i32) {
    %c0_i32 = arith.constant 0 : i32
    %c0_i32_0 = arith.constant 0 : i32
    %c0_i32_1 = arith.constant 0 : i32
    return %c0_i32, %c0_i32_0 : i32, i32
  }
  func.func @transform_2(%arg0: i32) -> (i32, i32) {
    %c0_i32 = arith.constant 0 : i32
    %c0_i32_0 = arith.constant 0 : i32
    %c0_i32_1 = arith.constant 0 : i32
    return %c0_i32, %c0_i32_0 : i32, i32
  }
  func.func @transform_3(%arg0: i32) -> (i32, i32) {
    %c0_i32 = arith.constant 0 : i32
    %c0_i32_0 = arith.constant 0 : i32
    %c0_i32_1 = arith.constant 0 : i32
    return %c0_i32, %c0_i32_0 : i32, i32
  }
  func.func @transform_4(%arg0: i32) -> (i32, i32) {
    %c0_i32 = arith.constant 0 : i32
    %c0_i32_0 = arith.constant 0 : i32
    %c0_i32_1 = arith.constant 0 : i32
    return %c0_i32, %c0_i32_0 : i32, i32
  }
  func.func @transform_5(%arg0: i32) -> (i32, i32) {
    %c0_i32 = arith.constant 0 : i32
    %c0_i32_0 = arith.constant 0 : i32
    %c0_i32_1 = arith.constant 0 : i32
    return %c0_i32, %c0_i32_0 : i32, i32
  }
  func.func @transform_6(%arg0: i32) -> (i32, i32) {
    %c0_i32 = arith.constant 0 : i32
    %c0_i32_0 = arith.constant 0 : i32
    return %arg0, %c0_i32 : i32, i32
  }
}

module attributes {stable_mosaic.version = 14 : i64} {
  func.func @_logits_argmax_body(%arg0: i32, %arg1: memref<1024x768xf32, #tpu.memory_space<vmem>>, %arg2: memref<768x32xf32, #tpu.memory_space<vmem>>, %arg3: memref<1x32xf32, #tpu.memory_space<vmem>>, %arg4: memref<32x512xf32, #tpu.memory_space<vmem>>, %arg5: memref<1x512xf32, #tpu.memory_space<vmem>>, %arg6: memref<512x8xbf16, #tpu.memory_space<vmem>>, %arg7: memref<32x128xi32, #tpu.memory_space<vmem>>) attributes {dimension_semantics = [#tpu.dimension_semantics<arbitrary>], iteration_bounds = array<i64: 3>, scalar_prefetch = 0 : i64, scratch_operands = 0 : i64, tpu.core_type = #tpu.core_type<tc>, window_params = [{transform_indices = @transform_0, window_bounds = array<i64: 1024, 768>}, {pipeline_mode = #tpu.pipeline_mode<synchronous>, transform_indices = @transform_1, window_bounds = array<i64: 768, 32>}, {pipeline_mode = #tpu.pipeline_mode<synchronous>, transform_indices = @transform_2, window_bounds = array<i64: 1, 32>}, {pipeline_mode = #tpu.pipeline_mode<synchronous>, transform_indices = @transform_3, window_bounds = array<i64: 32, 512>}, {pipeline_mode = #tpu.pipeline_mode<synchronous>, transform_indices = @transform_4, window_bounds = array<i64: 1, 512>}, {pipeline_mode = #tpu.pipeline_mode<synchronous>, transform_indices = @transform_5, window_bounds = array<i64: 512, 8>}, {transform_indices = @transform_6, window_bounds = array<i64: 32, 128>}]} {
    %get3A = arith.constant 0 : index
    %get3A_0 = arith.constant 0 : index
    %get3A_1 = vector.load %arg1[%get3A, %get3A_0] : memref<1024x768xf32, #tpu.memory_space<vmem>>, vector<1024x768xf32>
    %get3A_2 = arith.constant 0 : index
    %get3A_3 = arith.constant 0 : index
    %get3A_4 = vector.load %arg2[%get3A_2, %get3A_3] : memref<768x32xf32, #tpu.memory_space<vmem>>, vector<768x32xf32>
    %dot_general3A = arith.constant dense<0.000000e+00> : vector<1024x32xf32>
    %dot_general3A_5 = tpu.matmul %get3A_1, %get3A_4, %dot_general3A {dimension_numbers = #tpu.dot_dimension_numbers<[1], [0], [0], [1], [0, 0, 1, 1], [], []>, transpose_lhs_hint = false} : vector<1024x768xf32>, vector<768x32xf32>, vector<1024x32xf32> -> vector<1024x32xf32>
    %get3A_6 = arith.constant 0 : index
    %get3A_7 = arith.constant 0 : index
    %get3A_8 = vector.load %arg3[%get3A_6, %get3A_7] : memref<1x32xf32, #tpu.memory_space<vmem>>, vector<1x32xf32>
    %add3A = vector.broadcast %get3A_8 : vector<1x32xf32> to vector<1024x32xf32>
    %add3A_9 = arith.addf %dot_general3A_5, %add3A : vector<1024x32xf32>
    %get3A_10 = arith.constant 0 : index
    %get3A_11 = arith.constant 0 : index
    %get3A_12 = vector.load %arg4[%get3A_10, %get3A_11] : memref<32x512xf32, #tpu.memory_space<vmem>>, vector<32x512xf32>
    %dot_general3A_13 = arith.constant dense<0.000000e+00> : vector<1024x512xf32>
    %dot_general3A_14 = tpu.matmul %add3A_9, %get3A_12, %dot_general3A_13 {dimension_numbers = #tpu.dot_dimension_numbers<[1], [0], [0], [1], [0, 0, 1, 1], [], []>, transpose_lhs_hint = false} : vector<1024x32xf32>, vector<32x512xf32>, vector<1024x512xf32> -> vector<1024x512xf32>
    %get3A_15 = arith.constant 0 : index
    %get3A_16 = arith.constant 0 : index
    %get3A_17 = vector.load %arg5[%get3A_15, %get3A_16] : memref<1x512xf32, #tpu.memory_space<vmem>>, vector<1x512xf32>
    %add3A_18 = vector.broadcast %get3A_17 : vector<1x512xf32> to vector<1024x512xf32>
    %add3A_19 = arith.addf %dot_general3A_14, %add3A_18 : vector<1024x512xf32>
    %slice3A = vector.extract_strided_slice %add3A_19 {offsets = [0, 0], sizes = [1024, 64], strides = [1, 1]} : vector<1024x512xf32> to vector<1024x64xf32>
    %reduce_max3A = arith.constant dense<0xFF800000> : vector<1024xf32>
    %reduce_max3A_20 = vector.multi_reduction <maximumf>, %slice3A, %reduce_max3A [1] : vector<1024x64xf32> to vector<1024xf32>
    %broadcast_in_dim3A = vector.shape_cast %reduce_max3A_20 : vector<1024xf32> to vector<1024x1xf32>
    %broadcast_in_dim3A_21 = vector.shape_cast %broadcast_in_dim3A : vector<1024x1xf32> to vector<1024x1xf32>
    %broadcast_in_dim3A_22 = vector.broadcast %broadcast_in_dim3A_21 : vector<1024x1xf32> to vector<1024x64xf32>
    %slice3A_23 = vector.extract_strided_slice %add3A_19 {offsets = [0, 64], sizes = [1024, 64], strides = [1, 1]} : vector<1024x512xf32> to vector<1024x64xf32>
    %reduce_max3A_24 = arith.constant dense<0xFF800000> : vector<1024xf32>
    %reduce_max3A_25 = vector.multi_reduction <maximumf>, %slice3A_23, %reduce_max3A_24 [1] : vector<1024x64xf32> to vector<1024xf32>
    %broadcast_in_dim3A_26 = vector.shape_cast %reduce_max3A_25 : vector<1024xf32> to vector<1024x1xf32>
    %broadcast_in_dim3A_27 = vector.shape_cast %broadcast_in_dim3A_26 : vector<1024x1xf32> to vector<1024x1xf32>
    %broadcast_in_dim3A_28 = vector.broadcast %broadcast_in_dim3A_27 : vector<1024x1xf32> to vector<1024x64xf32>
    %slice3A_29 = vector.extract_strided_slice %add3A_19 {offsets = [0, 128], sizes = [1024, 64], strides = [1, 1]} : vector<1024x512xf32> to vector<1024x64xf32>
    %reduce_max3A_30 = arith.constant dense<0xFF800000> : vector<1024xf32>
    %reduce_max3A_31 = vector.multi_reduction <maximumf>, %slice3A_29, %reduce_max3A_30 [1] : vector<1024x64xf32> to vector<1024xf32>
    %broadcast_in_dim3A_32 = vector.shape_cast %reduce_max3A_31 : vector<1024xf32> to vector<1024x1xf32>
    %broadcast_in_dim3A_33 = vector.shape_cast %broadcast_in_dim3A_32 : vector<1024x1xf32> to vector<1024x1xf32>
    %broadcast_in_dim3A_34 = vector.broadcast %broadcast_in_dim3A_33 : vector<1024x1xf32> to vector<1024x64xf32>
    %slice3A_35 = vector.extract_strided_slice %add3A_19 {offsets = [0, 192], sizes = [1024, 64], strides = [1, 1]} : vector<1024x512xf32> to vector<1024x64xf32>
    %reduce_max3A_36 = arith.constant dense<0xFF800000> : vector<1024xf32>
    %reduce_max3A_37 = vector.multi_reduction <maximumf>, %slice3A_35, %reduce_max3A_36 [1] : vector<1024x64xf32> to vector<1024xf32>
    %broadcast_in_dim3A_38 = vector.shape_cast %reduce_max3A_37 : vector<1024xf32> to vector<1024x1xf32>
    %broadcast_in_dim3A_39 = vector.shape_cast %broadcast_in_dim3A_38 : vector<1024x1xf32> to vector<1024x1xf32>
    %broadcast_in_dim3A_40 = vector.broadcast %broadcast_in_dim3A_39 : vector<1024x1xf32> to vector<1024x64xf32>
    %slice3A_41 = vector.extract_strided_slice %add3A_19 {offsets = [0, 256], sizes = [1024, 64], strides = [1, 1]} : vector<1024x512xf32> to vector<1024x64xf32>
    %reduce_max3A_42 = arith.constant dense<0xFF800000> : vector<1024xf32>
    %reduce_max3A_43 = vector.multi_reduction <maximumf>, %slice3A_41, %reduce_max3A_42 [1] : vector<1024x64xf32> to vector<1024xf32>
    %broadcast_in_dim3A_44 = vector.shape_cast %reduce_max3A_43 : vector<1024xf32> to vector<1024x1xf32>
    %broadcast_in_dim3A_45 = vector.shape_cast %broadcast_in_dim3A_44 : vector<1024x1xf32> to vector<1024x1xf32>
    %broadcast_in_dim3A_46 = vector.broadcast %broadcast_in_dim3A_45 : vector<1024x1xf32> to vector<1024x64xf32>
    %slice3A_47 = vector.extract_strided_slice %add3A_19 {offsets = [0, 320], sizes = [1024, 64], strides = [1, 1]} : vector<1024x512xf32> to vector<1024x64xf32>
    %reduce_max3A_48 = arith.constant dense<0xFF800000> : vector<1024xf32>
    %reduce_max3A_49 = vector.multi_reduction <maximumf>, %slice3A_47, %reduce_max3A_48 [1] : vector<1024x64xf32> to vector<1024xf32>
    %broadcast_in_dim3A_50 = vector.shape_cast %reduce_max3A_49 : vector<1024xf32> to vector<1024x1xf32>
    %broadcast_in_dim3A_51 = vector.shape_cast %broadcast_in_dim3A_50 : vector<1024x1xf32> to vector<1024x1xf32>
    %broadcast_in_dim3A_52 = vector.broadcast %broadcast_in_dim3A_51 : vector<1024x1xf32> to vector<1024x64xf32>
    %slice3A_53 = vector.extract_strided_slice %add3A_19 {offsets = [0, 384], sizes = [1024, 64], strides = [1, 1]} : vector<1024x512xf32> to vector<1024x64xf32>
    %reduce_max3A_54 = arith.constant dense<0xFF800000> : vector<1024xf32>
    %reduce_max3A_55 = vector.multi_reduction <maximumf>, %slice3A_53, %reduce_max3A_54 [1] : vector<1024x64xf32> to vector<1024xf32>
    %broadcast_in_dim3A_56 = vector.shape_cast %reduce_max3A_55 : vector<1024xf32> to vector<1024x1xf32>
    %broadcast_in_dim3A_57 = vector.shape_cast %broadcast_in_dim3A_56 : vector<1024x1xf32> to vector<1024x1xf32>
    %broadcast_in_dim3A_58 = vector.broadcast %broadcast_in_dim3A_57 : vector<1024x1xf32> to vector<1024x64xf32>
    %slice3A_59 = vector.extract_strided_slice %add3A_19 {offsets = [0, 448], sizes = [1024, 64], strides = [1, 1]} : vector<1024x512xf32> to vector<1024x64xf32>
    %reduce_max3A_60 = arith.constant dense<0xFF800000> : vector<1024xf32>
    %reduce_max3A_61 = vector.multi_reduction <maximumf>, %slice3A_59, %reduce_max3A_60 [1] : vector<1024x64xf32> to vector<1024xf32>
    %broadcast_in_dim3A_62 = vector.shape_cast %reduce_max3A_61 : vector<1024xf32> to vector<1024x1xf32>
    %broadcast_in_dim3A_63 = vector.shape_cast %broadcast_in_dim3A_62 : vector<1024x1xf32> to vector<1024x1xf32>
    %broadcast_in_dim3A_64 = vector.broadcast %broadcast_in_dim3A_63 : vector<1024x1xf32> to vector<1024x64xf32>
    %concatenate3A = tpu.concatenate %broadcast_in_dim3A_22, %broadcast_in_dim3A_28, %broadcast_in_dim3A_34, %broadcast_in_dim3A_40, %broadcast_in_dim3A_46, %broadcast_in_dim3A_52, %broadcast_in_dim3A_58, %broadcast_in_dim3A_64 in 1 : vector<1024x64xf32>, vector<1024x64xf32>, vector<1024x64xf32>, vector<1024x64xf32>, vector<1024x64xf32>, vector<1024x64xf32>, vector<1024x64xf32>, vector<1024x64xf32> -> vector<1024x512xf32>
    %eq3A = arith.cmpf oeq, %add3A_19, %concatenate3A : vector<1024x512xf32>
    %convert_element_type3A = arith.extui %eq3A : vector<1024x512xi1> to vector<1024x512xi32>
    %convert_element_type3A_65 = arith.sitofp %convert_element_type3A : vector<1024x512xi32> to vector<1024x512xf32>
    %convert_element_type3A_66 = arith.truncf %convert_element_type3A_65 : vector<1024x512xf32> to vector<1024x512xbf16>
    %get3A_67 = arith.constant 0 : index
    %get3A_68 = arith.constant 0 : index
    %get3A_69 = vector.load %arg6[%get3A_67, %get3A_68] : memref<512x8xbf16, #tpu.memory_space<vmem>>, vector<512x8xbf16>
    %dot_general3A_70 = arith.constant dense<0.000000e+00> : vector<1024x8xf32>
    %dot_general3A_71 = tpu.matmul %convert_element_type3A_66, %get3A_69, %dot_general3A_70 {dimension_numbers = #tpu.dot_dimension_numbers<[1], [0], [0], [1], [0, 0, 1, 1], [], []>, transpose_lhs_hint = false} : vector<1024x512xbf16>, vector<512x8xbf16>, vector<1024x8xf32> -> vector<1024x8xf32>
    %bitcast_convert_type3A = tpu.bitcast %dot_general3A_71 : vector<1024x8xf32> -> vector<1024x8xi32>
    %shift_right_arithmetic3A = arith.constant 23 : i32
    %shift_right_arithmetic3A_72 = vector.broadcast %shift_right_arithmetic3A : i32 to vector<1024x8xi32>
    %shift_right_arithmetic3A_73 = arith.shrsi %bitcast_convert_type3A, %shift_right_arithmetic3A_72 : vector<1024x8xi32>
    %sub3A = arith.constant 190 : i32
    %sub3A_74 = vector.broadcast %sub3A : i32 to vector<1024x8xi32>
    %sub3A_75 = arith.subi %sub3A_74, %shift_right_arithmetic3A_73 : vector<1024x8xi32>
    %jit3A = arith.constant 0 : i32
    %jit3A_76 = arith.constant 63 : i32
    %max3A = vector.broadcast %jit3A : i32 to vector<1024x8xi32>
    %max3A_77 = arith.maxsi %max3A, %sub3A_75 : vector<1024x8xi32>
    %min3A = vector.broadcast %jit3A_76 : i32 to vector<1024x8xi32>
    %min3A_78 = arith.minsi %min3A, %max3A_77 : vector<1024x8xi32>
    %slice3A_79 = vector.extract_strided_slice %min3A_78 {offsets = [0, 0], sizes = [1024, 1], strides = [1, 1]} : vector<1024x8xi32> to vector<1024x1xi32>
    %squeeze3A = vector.shape_cast %slice3A_79 : vector<1024x1xi32> to vector<1024xi32>
    %mul3A = arith.constant 64 : i32
    %mul3A_80 = vector.broadcast %mul3A : i32 to vector<1024xi32>
    %mul3A_81 = arith.muli %squeeze3A, %mul3A_80 : vector<1024xi32>
    %slice3A_82 = vector.extract_strided_slice %min3A_78 {offsets = [0, 1], sizes = [1024, 1], strides = [1, 1]} : vector<1024x8xi32> to vector<1024x1xi32>
    %squeeze3A_83 = vector.shape_cast %slice3A_82 : vector<1024x1xi32> to vector<1024xi32>
    %add3A_84 = arith.addi %mul3A_81, %squeeze3A_83 : vector<1024xi32>
    %add3A_85 = arith.constant 0 : i32
    %add3A_86 = vector.broadcast %add3A_85 : i32 to vector<1024xi32>
    %add3A_87 = arith.addi %add3A_84, %add3A_86 : vector<1024xi32>
    %reshape3A = vector.shape_cast %add3A_87 : vector<1024xi32> to vector<8x128xi32>
    %slice3A_88 = vector.extract_strided_slice %min3A_78 {offsets = [0, 2], sizes = [1024, 1], strides = [1, 1]} : vector<1024x8xi32> to vector<1024x1xi32>
    %squeeze3A_89 = vector.shape_cast %slice3A_88 : vector<1024x1xi32> to vector<1024xi32>
    %mul3A_90 = arith.constant 64 : i32
    %mul3A_91 = vector.broadcast %mul3A_90 : i32 to vector<1024xi32>
    %mul3A_92 = arith.muli %squeeze3A_89, %mul3A_91 : vector<1024xi32>
    %slice3A_93 = vector.extract_strided_slice %min3A_78 {offsets = [0, 3], sizes = [1024, 1], strides = [1, 1]} : vector<1024x8xi32> to vector<1024x1xi32>
    %squeeze3A_94 = vector.shape_cast %slice3A_93 : vector<1024x1xi32> to vector<1024xi32>
    %add3A_95 = arith.addi %mul3A_92, %squeeze3A_94 : vector<1024xi32>
    %add3A_96 = arith.constant 4096 : i32
    %add3A_97 = vector.broadcast %add3A_96 : i32 to vector<1024xi32>
    %add3A_98 = arith.addi %add3A_95, %add3A_97 : vector<1024xi32>
    %reshape3A_99 = vector.shape_cast %add3A_98 : vector<1024xi32> to vector<8x128xi32>
    %slice3A_100 = vector.extract_strided_slice %min3A_78 {offsets = [0, 4], sizes = [1024, 1], strides = [1, 1]} : vector<1024x8xi32> to vector<1024x1xi32>
    %squeeze3A_101 = vector.shape_cast %slice3A_100 : vector<1024x1xi32> to vector<1024xi32>
    %mul3A_102 = arith.constant 64 : i32
    %mul3A_103 = vector.broadcast %mul3A_102 : i32 to vector<1024xi32>
    %mul3A_104 = arith.muli %squeeze3A_101, %mul3A_103 : vector<1024xi32>
    %slice3A_105 = vector.extract_strided_slice %min3A_78 {offsets = [0, 5], sizes = [1024, 1], strides = [1, 1]} : vector<1024x8xi32> to vector<1024x1xi32>
    %squeeze3A_106 = vector.shape_cast %slice3A_105 : vector<1024x1xi32> to vector<1024xi32>
    %add3A_107 = arith.addi %mul3A_104, %squeeze3A_106 : vector<1024xi32>
    %add3A_108 = arith.constant 8192 : i32
    %add3A_109 = vector.broadcast %add3A_108 : i32 to vector<1024xi32>
    %add3A_110 = arith.addi %add3A_107, %add3A_109 : vector<1024xi32>
    %reshape3A_111 = vector.shape_cast %add3A_110 : vector<1024xi32> to vector<8x128xi32>
    %slice3A_112 = vector.extract_strided_slice %min3A_78 {offsets = [0, 6], sizes = [1024, 1], strides = [1, 1]} : vector<1024x8xi32> to vector<1024x1xi32>
    %squeeze3A_113 = vector.shape_cast %slice3A_112 : vector<1024x1xi32> to vector<1024xi32>
    %mul3A_114 = arith.constant 64 : i32
    %mul3A_115 = vector.broadcast %mul3A_114 : i32 to vector<1024xi32>
    %mul3A_116 = arith.muli %squeeze3A_113, %mul3A_115 : vector<1024xi32>
    %slice3A_117 = vector.extract_strided_slice %min3A_78 {offsets = [0, 7], sizes = [1024, 1], strides = [1, 1]} : vector<1024x8xi32> to vector<1024x1xi32>
    %squeeze3A_118 = vector.shape_cast %slice3A_117 : vector<1024x1xi32> to vector<1024xi32>
    %add3A_119 = arith.addi %mul3A_116, %squeeze3A_118 : vector<1024xi32>
    %add3A_120 = arith.constant 12288 : i32
    %add3A_121 = vector.broadcast %add3A_120 : i32 to vector<1024xi32>
    %add3A_122 = arith.addi %add3A_119, %add3A_121 : vector<1024xi32>
    %reshape3A_123 = vector.shape_cast %add3A_122 : vector<1024xi32> to vector<8x128xi32>
    %concatenate3A_124 = tpu.concatenate %reshape3A, %reshape3A_99, %reshape3A_111, %reshape3A_123 in 0 : vector<8x128xi32>, vector<8x128xi32>, vector<8x128xi32>, vector<8x128xi32> -> vector<32x128xi32>
    %swap3A = arith.constant 0 : index
    %swap3A_125 = arith.constant 0 : index
    %swap3A_126 = vector.load %arg7[%swap3A, %swap3A_125] : memref<32x128xi32, #tpu.memory_space<vmem>>, vector<32x128xi32>
    tpu.vector_store %arg7[%swap3A, %swap3A_125], %concatenate3A_124 {strides = array<i32>} : memref<32x128xi32, #tpu.memory_space<vmem>>, vector<32x128xi32>,
    return
  }
  func.func @transform_0(%arg0: i32) -> (i32, i32) {
    %add3A = arith.constant 6 : i32
    %add3A_0 = arith.addi %arg0, %add3A : i32
    %c0_i32 = arith.constant 0 : i32
    %c0_i32_1 = arith.constant 0 : i32
    return %add3A_0, %c0_i32 : i32, i32
  }
  func.func @transform_1(%arg0: i32) -> (i32, i32) {
    %c0_i32 = arith.constant 0 : i32
    %c0_i32_0 = arith.constant 0 : i32
    %c0_i32_1 = arith.constant 0 : i32
    return %c0_i32, %c0_i32_0 : i32, i32
  }
  func.func @transform_2(%arg0: i32) -> (i32, i32) {
    %c0_i32 = arith.constant 0 : i32
    %c0_i32_0 = arith.constant 0 : i32
    %c0_i32_1 = arith.constant 0 : i32
    return %c0_i32, %c0_i32_0 : i32, i32
  }
  func.func @transform_3(%arg0: i32) -> (i32, i32) {
    %c0_i32 = arith.constant 0 : i32
    %c0_i32_0 = arith.constant 0 : i32
    %c0_i32_1 = arith.constant 0 : i32
    return %c0_i32, %c0_i32_0 : i32, i32
  }
  func.func @transform_4(%arg0: i32) -> (i32, i32) {
    %c0_i32 = arith.constant 0 : i32
    %c0_i32_0 = arith.constant 0 : i32
    %c0_i32_1 = arith.constant 0 : i32
    return %c0_i32, %c0_i32_0 : i32, i32
  }
  func.func @transform_5(%arg0: i32) -> (i32, i32) {
    %c0_i32 = arith.constant 0 : i32
    %c0_i32_0 = arith.constant 0 : i32
    %c0_i32_1 = arith.constant 0 : i32
    return %c0_i32, %c0_i32_0 : i32, i32
  }
  func.func @transform_6(%arg0: i32) -> (i32, i32) {
    %c0_i32 = arith.constant 0 : i32
    %c0_i32_0 = arith.constant 0 : i32
    return %arg0, %c0_i32 : i32, i32
  }
}

module attributes {stable_mosaic.version = 14 : i64} {
  func.func @_postproject_body(%arg0: i32, %arg1: memref<4096x128xf32, #tpu.memory_space<vmem>>, %arg2: memref<512x768xf32, #tpu.memory_space<vmem>>, %arg3: memref<1x768xf32, #tpu.memory_space<vmem>>, %arg4: memref<1024x768xf32, #tpu.memory_space<vmem>>) attributes {dimension_semantics = [#tpu.dimension_semantics<arbitrary>], iteration_bounds = array<i64: 3>, scalar_prefetch = 0 : i64, scratch_operands = 0 : i64, tpu.core_type = #tpu.core_type<tc>, window_params = [{transform_indices = @transform_0, window_bounds = array<i64: 4096, 128>}, {pipeline_mode = #tpu.pipeline_mode<synchronous>, transform_indices = @transform_1, window_bounds = array<i64: 512, 768>}, {pipeline_mode = #tpu.pipeline_mode<synchronous>, transform_indices = @transform_2, window_bounds = array<i64: 1, 768>}, {transform_indices = @transform_3, window_bounds = array<i64: 1024, 768>}]} {
    %get3A = arith.constant 0 : index
    %get3A_0 = arith.constant 0 : index
    %get3A_1 = vector.load %arg1[%get3A, %get3A_0] : memref<4096x128xf32, #tpu.memory_space<vmem>>, vector<4096x128xf32>
    %reshape3A = vector.shape_cast %get3A_1 : vector<4096x128xf32> to vector<4x1024x128xf32>
    %slice3A = vector.extract_strided_slice %reshape3A {offsets = [0, 0, 0], sizes = [1, 1024, 128], strides = [1, 1, 1]} : vector<4x1024x128xf32> to vector<1x1024x128xf32>
    %squeeze3A = vector.shape_cast %slice3A : vector<1x1024x128xf32> to vector<1024x128xf32>
    %convert_element_type3A = arith.truncf %squeeze3A : vector<1024x128xf32> to vector<1024x128xbf16>
    %get3A_2 = arith.constant 0 : index
    %get3A_3 = arith.constant 0 : index
    %get3A_4 = vector.load %arg2[%get3A_2, %get3A_3] : memref<512x768xf32, #tpu.memory_space<vmem>>, vector<128x768xf32>
    %convert_element_type3A_5 = arith.truncf %get3A_4 : vector<128x768xf32> to vector<128x768xbf16>
    %dot_general3A = arith.constant dense<0.000000e+00> : vector<1024x768xf32>
    %dot_general3A_6 = tpu.matmul %convert_element_type3A, %convert_element_type3A_5, %dot_general3A {dimension_numbers = #tpu.dot_dimension_numbers<[1], [0], [0], [1], [0, 0, 1, 1], [], []>, transpose_lhs_hint = false} : vector<1024x128xbf16>, vector<128x768xbf16>, vector<1024x768xf32> -> vector<1024x768xf32>
    %slice3A_7 = vector.extract_strided_slice %reshape3A {offsets = [1, 0, 0], sizes = [1, 1024, 128], strides = [1, 1, 1]} : vector<4x1024x128xf32> to vector<1x1024x128xf32>
    %squeeze3A_8 = vector.shape_cast %slice3A_7 : vector<1x1024x128xf32> to vector<1024x128xf32>
    %convert_element_type3A_9 = arith.truncf %squeeze3A_8 : vector<1024x128xf32> to vector<1024x128xbf16>
    %get3A_10 = arith.constant 128 : index
    %get3A_11 = arith.constant 0 : index
    %get3A_12 = vector.load %arg2[%get3A_10, %get3A_11] : memref<512x768xf32, #tpu.memory_space<vmem>>, vector<128x768xf32>
    %convert_element_type3A_13 = arith.truncf %get3A_12 : vector<128x768xf32> to vector<128x768xbf16>
    %dot_general3A_14 = arith.constant dense<0.000000e+00> : vector<1024x768xf32>
    %dot_general3A_15 = tpu.matmul %convert_element_type3A_9, %convert_element_type3A_13, %dot_general3A_14 {dimension_numbers = #tpu.dot_dimension_numbers<[1], [0], [0], [1], [0, 0, 1, 1], [], []>, transpose_lhs_hint = false} : vector<1024x128xbf16>, vector<128x768xbf16>, vector<1024x768xf32> -> vector<1024x768xf32>
    %add3A = arith.addf %dot_general3A_6, %dot_general3A_15 : vector<1024x768xf32>
    %slice3A_16 = vector.extract_strided_slice %reshape3A {offsets = [2, 0, 0], sizes = [1, 1024, 128], strides = [1, 1, 1]} : vector<4x1024x128xf32> to vector<1x1024x128xf32>
    %squeeze3A_17 = vector.shape_cast %slice3A_16 : vector<1x1024x128xf32> to vector<1024x128xf32>
    %convert_element_type3A_18 = arith.truncf %squeeze3A_17 : vector<1024x128xf32> to vector<1024x128xbf16>
    %get3A_19 = arith.constant 256 : index
    %get3A_20 = arith.constant 0 : index
    %get3A_21 = vector.load %arg2[%get3A_19, %get3A_20] : memref<512x768xf32, #tpu.memory_space<vmem>>, vector<128x768xf32>
    %convert_element_type3A_22 = arith.truncf %get3A_21 : vector<128x768xf32> to vector<128x768xbf16>
    %dot_general3A_23 = arith.constant dense<0.000000e+00> : vector<1024x768xf32>
    %dot_general3A_24 = tpu.matmul %convert_element_type3A_18, %convert_element_type3A_22, %dot_general3A_23 {dimension_numbers = #tpu.dot_dimension_numbers<[1], [0], [0], [1], [0, 0, 1, 1], [], []>, transpose_lhs_hint = false} : vector<1024x128xbf16>, vector<128x768xbf16>, vector<1024x768xf32> -> vector<1024x768xf32>
    %add3A_25 = arith.addf %add3A, %dot_general3A_24 : vector<1024x768xf32>
    %slice3A_26 = vector.extract_strided_slice %reshape3A {offsets = [3, 0, 0], sizes = [1, 1024, 128], strides = [1, 1, 1]} : vector<4x1024x128xf32> to vector<1x1024x128xf32>
    %squeeze3A_27 = vector.shape_cast %slice3A_26 : vector<1x1024x128xf32> to vector<1024x128xf32>
    %convert_element_type3A_28 = arith.truncf %squeeze3A_27 : vector<1024x128xf32> to vector<1024x128xbf16>
    %get3A_29 = arith.constant 384 : index
    %get3A_30 = arith.constant 0 : index
    %get3A_31 = vector.load %arg2[%get3A_29, %get3A_30] : memref<512x768xf32, #tpu.memory_space<vmem>>, vector<128x768xf32>
    %convert_element_type3A_32 = arith.truncf %get3A_31 : vector<128x768xf32> to vector<128x768xbf16>
    %dot_general3A_33 = arith.constant dense<0.000000e+00> : vector<1024x768xf32>
    %dot_general3A_34 = tpu.matmul %convert_element_type3A_28, %convert_element_type3A_32, %dot_general3A_33 {dimension_numbers = #tpu.dot_dimension_numbers<[1], [0], [0], [1], [0, 0, 1, 1], [], []>, transpose_lhs_hint = false} : vector<1024x128xbf16>, vector<128x768xbf16>, vector<1024x768xf32> -> vector<1024x768xf32>
    %add3A_35 = arith.addf %add3A_25, %dot_general3A_34 : vector<1024x768xf32>
    %get3A_36 = arith.constant 0 : index
    %get3A_37 = arith.constant 0 : index
    %get3A_38 = vector.load %arg3[%get3A_36, %get3A_37] : memref<1x768xf32, #tpu.memory_space<vmem>>, vector<1x768xf32>
    %add3A_39 = vector.broadcast %get3A_38 : vector<1x768xf32> to vector<1024x768xf32>
    %add3A_40 = arith.addf %add3A_35, %add3A_39 : vector<1024x768xf32>
    %swap3A = arith.constant 0 : index
    %swap3A_41 = arith.constant 0 : index
    %swap3A_42 = vector.load %arg4[%swap3A, %swap3A_41] : memref<1024x768xf32, #tpu.memory_space<vmem>>, vector<1024x768xf32>
    tpu.vector_store %arg4[%swap3A, %swap3A_41], %add3A_40 {strides = array<i32>} : memref<1024x768xf32, #tpu.memory_space<vmem>>, vector<1024x768xf32>,
    return
  }
  func.func @transform_0(%arg0: i32) -> (i32, i32) {
    %c0_i32 = arith.constant 0 : i32
    %c0_i32_0 = arith.constant 0 : i32
    return %arg0, %c0_i32 : i32, i32
  }
  func.func @transform_1(%arg0: i32) -> (i32, i32) {
    %c0_i32 = arith.constant 0 : i32
    %c0_i32_0 = arith.constant 0 : i32
    %c0_i32_1 = arith.constant 0 : i32
    return %c0_i32, %c0_i32_0 : i32, i32
  }
  func.func @transform_2(%arg0: i32) -> (i32, i32) {
    %c0_i32 = arith.constant 0 : i32
    %c0_i32_0 = arith.constant 0 : i32
    %c0_i32_1 = arith.constant 0 : i32
    return %c0_i32, %c0_i32_0 : i32, i32
  }
  func.func @transform_3(%arg0: i32) -> (i32, i32) {
    %add3A = arith.constant 0 : i32
    %add3A_0 = arith.addi %arg0, %add3A : i32
    %c0_i32 = arith.constant 0 : i32
    %c0_i32_1 = arith.constant 0 : i32
    return %add3A_0, %c0_i32 : i32, i32
  }
}

module attributes {stable_mosaic.version = 14 : i64} {
  func.func @_postproject_alias_body(%arg0: i32, %arg1: memref<4096x128xf32, #tpu.memory_space<vmem>>, %arg2: memref<512x768xf32, #tpu.memory_space<vmem>>, %arg3: memref<1x768xf32, #tpu.memory_space<vmem>>, %arg4: memref<9216x768xf32, #tpu.memory_space<any>>, %arg5: memref<1024x768xf32, #tpu.memory_space<vmem>>) attributes {dimension_semantics = [#tpu.dimension_semantics<arbitrary>], iteration_bounds = array<i64: 3>, scalar_prefetch = 0 : i64, scratch_operands = 0 : i64, tpu.core_type = #tpu.core_type<tc>, window_params = [{transform_indices = @transform_0, window_bounds = array<i64: 4096, 128>}, {pipeline_mode = #tpu.pipeline_mode<synchronous>, transform_indices = @transform_1, window_bounds = array<i64: 512, 768>}, {pipeline_mode = #tpu.pipeline_mode<synchronous>, transform_indices = @transform_2, window_bounds = array<i64: 1, 768>}, {}, {transform_indices = @transform_4, window_bounds = array<i64: 1024, 768>}]} {
    %get3A = arith.constant 0 : index
    %get3A_0 = arith.constant 0 : index
    %get3A_1 = vector.load %arg1[%get3A, %get3A_0] : memref<4096x128xf32, #tpu.memory_space<vmem>>, vector<4096x128xf32>
    %reshape3A = vector.shape_cast %get3A_1 : vector<4096x128xf32> to vector<4x1024x128xf32>
    %slice3A = vector.extract_strided_slice %reshape3A {offsets = [0, 0, 0], sizes = [1, 1024, 128], strides = [1, 1, 1]} : vector<4x1024x128xf32> to vector<1x1024x128xf32>
    %squeeze3A = vector.shape_cast %slice3A : vector<1x1024x128xf32> to vector<1024x128xf32>
    %convert_element_type3A = arith.truncf %squeeze3A : vector<1024x128xf32> to vector<1024x128xbf16>
    %get3A_2 = arith.constant 0 : index
    %get3A_3 = arith.constant 0 : index
    %get3A_4 = vector.load %arg2[%get3A_2, %get3A_3] : memref<512x768xf32, #tpu.memory_space<vmem>>, vector<128x768xf32>
    %convert_element_type3A_5 = arith.truncf %get3A_4 : vector<128x768xf32> to vector<128x768xbf16>
    %dot_general3A = arith.constant dense<0.000000e+00> : vector<1024x768xf32>
    %dot_general3A_6 = tpu.matmul %convert_element_type3A, %convert_element_type3A_5, %dot_general3A {dimension_numbers = #tpu.dot_dimension_numbers<[1], [0], [0], [1], [0, 0, 1, 1], [], []>, transpose_lhs_hint = false} : vector<1024x128xbf16>, vector<128x768xbf16>, vector<1024x768xf32> -> vector<1024x768xf32>
    %slice3A_7 = vector.extract_strided_slice %reshape3A {offsets = [1, 0, 0], sizes = [1, 1024, 128], strides = [1, 1, 1]} : vector<4x1024x128xf32> to vector<1x1024x128xf32>
    %squeeze3A_8 = vector.shape_cast %slice3A_7 : vector<1x1024x128xf32> to vector<1024x128xf32>
    %convert_element_type3A_9 = arith.truncf %squeeze3A_8 : vector<1024x128xf32> to vector<1024x128xbf16>
    %get3A_10 = arith.constant 128 : index
    %get3A_11 = arith.constant 0 : index
    %get3A_12 = vector.load %arg2[%get3A_10, %get3A_11] : memref<512x768xf32, #tpu.memory_space<vmem>>, vector<128x768xf32>
    %convert_element_type3A_13 = arith.truncf %get3A_12 : vector<128x768xf32> to vector<128x768xbf16>
    %dot_general3A_14 = arith.constant dense<0.000000e+00> : vector<1024x768xf32>
    %dot_general3A_15 = tpu.matmul %convert_element_type3A_9, %convert_element_type3A_13, %dot_general3A_14 {dimension_numbers = #tpu.dot_dimension_numbers<[1], [0], [0], [1], [0, 0, 1, 1], [], []>, transpose_lhs_hint = false} : vector<1024x128xbf16>, vector<128x768xbf16>, vector<1024x768xf32> -> vector<1024x768xf32>
    %add3A = arith.addf %dot_general3A_6, %dot_general3A_15 : vector<1024x768xf32>
    %slice3A_16 = vector.extract_strided_slice %reshape3A {offsets = [2, 0, 0], sizes = [1, 1024, 128], strides = [1, 1, 1]} : vector<4x1024x128xf32> to vector<1x1024x128xf32>
    %squeeze3A_17 = vector.shape_cast %slice3A_16 : vector<1x1024x128xf32> to vector<1024x128xf32>
    %convert_element_type3A_18 = arith.truncf %squeeze3A_17 : vector<1024x128xf32> to vector<1024x128xbf16>
    %get3A_19 = arith.constant 256 : index
    %get3A_20 = arith.constant 0 : index
    %get3A_21 = vector.load %arg2[%get3A_19, %get3A_20] : memref<512x768xf32, #tpu.memory_space<vmem>>, vector<128x768xf32>
    %convert_element_type3A_22 = arith.truncf %get3A_21 : vector<128x768xf32> to vector<128x768xbf16>
    %dot_general3A_23 = arith.constant dense<0.000000e+00> : vector<1024x768xf32>
    %dot_general3A_24 = tpu.matmul %convert_element_type3A_18, %convert_element_type3A_22, %dot_general3A_23 {dimension_numbers = #tpu.dot_dimension_numbers<[1], [0], [0], [1], [0, 0, 1, 1], [], []>, transpose_lhs_hint = false} : vector<1024x128xbf16>, vector<128x768xbf16>, vector<1024x768xf32> -> vector<1024x768xf32>
    %add3A_25 = arith.addf %add3A, %dot_general3A_24 : vector<1024x768xf32>
    %slice3A_26 = vector.extract_strided_slice %reshape3A {offsets = [3, 0, 0], sizes = [1, 1024, 128], strides = [1, 1, 1]} : vector<4x1024x128xf32> to vector<1x1024x128xf32>
    %squeeze3A_27 = vector.shape_cast %slice3A_26 : vector<1x1024x128xf32> to vector<1024x128xf32>
    %convert_element_type3A_28 = arith.truncf %squeeze3A_27 : vector<1024x128xf32> to vector<1024x128xbf16>
    %get3A_29 = arith.constant 384 : index
    %get3A_30 = arith.constant 0 : index
    %get3A_31 = vector.load %arg2[%get3A_29, %get3A_30] : memref<512x768xf32, #tpu.memory_space<vmem>>, vector<128x768xf32>
    %convert_element_type3A_32 = arith.truncf %get3A_31 : vector<128x768xf32> to vector<128x768xbf16>
    %dot_general3A_33 = arith.constant dense<0.000000e+00> : vector<1024x768xf32>
    %dot_general3A_34 = tpu.matmul %convert_element_type3A_28, %convert_element_type3A_32, %dot_general3A_33 {dimension_numbers = #tpu.dot_dimension_numbers<[1], [0], [0], [1], [0, 0, 1, 1], [], []>, transpose_lhs_hint = false} : vector<1024x128xbf16>, vector<128x768xbf16>, vector<1024x768xf32> -> vector<1024x768xf32>
    %add3A_35 = arith.addf %add3A_25, %dot_general3A_34 : vector<1024x768xf32>
    %get3A_36 = arith.constant 0 : index
    %get3A_37 = arith.constant 0 : index
    %get3A_38 = vector.load %arg3[%get3A_36, %get3A_37] : memref<1x768xf32, #tpu.memory_space<vmem>>, vector<1x768xf32>
    %add3A_39 = vector.broadcast %get3A_38 : vector<1x768xf32> to vector<1024x768xf32>
    %add3A_40 = arith.addf %add3A_35, %add3A_39 : vector<1024x768xf32>
    %swap3A = arith.constant 0 : index
    %swap3A_41 = arith.constant 0 : index
    %swap3A_42 = vector.load %arg5[%swap3A, %swap3A_41] : memref<1024x768xf32, #tpu.memory_space<vmem>>, vector<1024x768xf32>
    tpu.vector_store %arg5[%swap3A, %swap3A_41], %add3A_40 {strides = array<i32>} : memref<1024x768xf32, #tpu.memory_space<vmem>>, vector<1024x768xf32>,
    return
  }
  func.func @transform_0(%arg0: i32) -> (i32, i32) {
    %c0_i32 = arith.constant 0 : i32
    %c0_i32_0 = arith.constant 0 : i32
    return %arg0, %c0_i32 : i32, i32
  }
  func.func @transform_1(%arg0: i32) -> (i32, i32) {
    %c0_i32 = arith.constant 0 : i32
    %c0_i32_0 = arith.constant 0 : i32
    %c0_i32_1 = arith.constant 0 : i32
    return %c0_i32, %c0_i32_0 : i32, i32
  }
  func.func @transform_2(%arg0: i32) -> (i32, i32) {
    %c0_i32 = arith.constant 0 : i32
    %c0_i32_0 = arith.constant 0 : i32
    %c0_i32_1 = arith.constant 0 : i32
    return %c0_i32, %c0_i32_0 : i32, i32
  }
  func.func @transform_4(%arg0: i32) -> (i32, i32) {
    %add3A = arith.constant 3 : i32
    %add3A_0 = arith.addi %arg0, %add3A : i32
    %c0_i32 = arith.constant 0 : i32
    %c0_i32_1 = arith.constant 0 : i32
    return %add3A_0, %c0_i32 : i32, i32
  }
}

module attributes {stable_mosaic.version = 14 : i64} {
  func.func @_postproject_alias_body(%arg0: i32, %arg1: memref<4096x128xf32, #tpu.memory_space<vmem>>, %arg2: memref<512x768xf32, #tpu.memory_space<vmem>>, %arg3: memref<1x768xf32, #tpu.memory_space<vmem>>, %arg4: memref<9216x768xf32, #tpu.memory_space<any>>, %arg5: memref<1024x768xf32, #tpu.memory_space<vmem>>) attributes {dimension_semantics = [#tpu.dimension_semantics<arbitrary>], iteration_bounds = array<i64: 3>, scalar_prefetch = 0 : i64, scratch_operands = 0 : i64, tpu.core_type = #tpu.core_type<tc>, window_params = [{transform_indices = @transform_0, window_bounds = array<i64: 4096, 128>}, {pipeline_mode = #tpu.pipeline_mode<synchronous>, transform_indices = @transform_1, window_bounds = array<i64: 512, 768>}, {pipeline_mode = #tpu.pipeline_mode<synchronous>, transform_indices = @transform_2, window_bounds = array<i64: 1, 768>}, {}, {transform_indices = @transform_4, window_bounds = array<i64: 1024, 768>}]} {
    %get3A = arith.constant 0 : index
    %get3A_0 = arith.constant 0 : index
    %get3A_1 = vector.load %arg1[%get3A, %get3A_0] : memref<4096x128xf32, #tpu.memory_space<vmem>>, vector<4096x128xf32>
    %reshape3A = vector.shape_cast %get3A_1 : vector<4096x128xf32> to vector<4x1024x128xf32>
    %slice3A = vector.extract_strided_slice %reshape3A {offsets = [0, 0, 0], sizes = [1, 1024, 128], strides = [1, 1, 1]} : vector<4x1024x128xf32> to vector<1x1024x128xf32>
    %squeeze3A = vector.shape_cast %slice3A : vector<1x1024x128xf32> to vector<1024x128xf32>
    %convert_element_type3A = arith.truncf %squeeze3A : vector<1024x128xf32> to vector<1024x128xbf16>
    %get3A_2 = arith.constant 0 : index
    %get3A_3 = arith.constant 0 : index
    %get3A_4 = vector.load %arg2[%get3A_2, %get3A_3] : memref<512x768xf32, #tpu.memory_space<vmem>>, vector<128x768xf32>
    %convert_element_type3A_5 = arith.truncf %get3A_4 : vector<128x768xf32> to vector<128x768xbf16>
    %dot_general3A = arith.constant dense<0.000000e+00> : vector<1024x768xf32>
    %dot_general3A_6 = tpu.matmul %convert_element_type3A, %convert_element_type3A_5, %dot_general3A {dimension_numbers = #tpu.dot_dimension_numbers<[1], [0], [0], [1], [0, 0, 1, 1], [], []>, transpose_lhs_hint = false} : vector<1024x128xbf16>, vector<128x768xbf16>, vector<1024x768xf32> -> vector<1024x768xf32>
    %slice3A_7 = vector.extract_strided_slice %reshape3A {offsets = [1, 0, 0], sizes = [1, 1024, 128], strides = [1, 1, 1]} : vector<4x1024x128xf32> to vector<1x1024x128xf32>
    %squeeze3A_8 = vector.shape_cast %slice3A_7 : vector<1x1024x128xf32> to vector<1024x128xf32>
    %convert_element_type3A_9 = arith.truncf %squeeze3A_8 : vector<1024x128xf32> to vector<1024x128xbf16>
    %get3A_10 = arith.constant 128 : index
    %get3A_11 = arith.constant 0 : index
    %get3A_12 = vector.load %arg2[%get3A_10, %get3A_11] : memref<512x768xf32, #tpu.memory_space<vmem>>, vector<128x768xf32>
    %convert_element_type3A_13 = arith.truncf %get3A_12 : vector<128x768xf32> to vector<128x768xbf16>
    %dot_general3A_14 = arith.constant dense<0.000000e+00> : vector<1024x768xf32>
    %dot_general3A_15 = tpu.matmul %convert_element_type3A_9, %convert_element_type3A_13, %dot_general3A_14 {dimension_numbers = #tpu.dot_dimension_numbers<[1], [0], [0], [1], [0, 0, 1, 1], [], []>, transpose_lhs_hint = false} : vector<1024x128xbf16>, vector<128x768xbf16>, vector<1024x768xf32> -> vector<1024x768xf32>
    %add3A = arith.addf %dot_general3A_6, %dot_general3A_15 : vector<1024x768xf32>
    %slice3A_16 = vector.extract_strided_slice %reshape3A {offsets = [2, 0, 0], sizes = [1, 1024, 128], strides = [1, 1, 1]} : vector<4x1024x128xf32> to vector<1x1024x128xf32>
    %squeeze3A_17 = vector.shape_cast %slice3A_16 : vector<1x1024x128xf32> to vector<1024x128xf32>
    %convert_element_type3A_18 = arith.truncf %squeeze3A_17 : vector<1024x128xf32> to vector<1024x128xbf16>
    %get3A_19 = arith.constant 256 : index
    %get3A_20 = arith.constant 0 : index
    %get3A_21 = vector.load %arg2[%get3A_19, %get3A_20] : memref<512x768xf32, #tpu.memory_space<vmem>>, vector<128x768xf32>
    %convert_element_type3A_22 = arith.truncf %get3A_21 : vector<128x768xf32> to vector<128x768xbf16>
    %dot_general3A_23 = arith.constant dense<0.000000e+00> : vector<1024x768xf32>
    %dot_general3A_24 = tpu.matmul %convert_element_type3A_18, %convert_element_type3A_22, %dot_general3A_23 {dimension_numbers = #tpu.dot_dimension_numbers<[1], [0], [0], [1], [0, 0, 1, 1], [], []>, transpose_lhs_hint = false} : vector<1024x128xbf16>, vector<128x768xbf16>, vector<1024x768xf32> -> vector<1024x768xf32>
    %add3A_25 = arith.addf %add3A, %dot_general3A_24 : vector<1024x768xf32>
    %slice3A_26 = vector.extract_strided_slice %reshape3A {offsets = [3, 0, 0], sizes = [1, 1024, 128], strides = [1, 1, 1]} : vector<4x1024x128xf32> to vector<1x1024x128xf32>
    %squeeze3A_27 = vector.shape_cast %slice3A_26 : vector<1x1024x128xf32> to vector<1024x128xf32>
    %convert_element_type3A_28 = arith.truncf %squeeze3A_27 : vector<1024x128xf32> to vector<1024x128xbf16>
    %get3A_29 = arith.constant 384 : index
    %get3A_30 = arith.constant 0 : index
    %get3A_31 = vector.load %arg2[%get3A_29, %get3A_30] : memref<512x768xf32, #tpu.memory_space<vmem>>, vector<128x768xf32>
    %convert_element_type3A_32 = arith.truncf %get3A_31 : vector<128x768xf32> to vector<128x768xbf16>
    %dot_general3A_33 = arith.constant dense<0.000000e+00> : vector<1024x768xf32>
    %dot_general3A_34 = tpu.matmul %convert_element_type3A_28, %convert_element_type3A_32, %dot_general3A_33 {dimension_numbers = #tpu.dot_dimension_numbers<[1], [0], [0], [1], [0, 0, 1, 1], [], []>, transpose_lhs_hint = false} : vector<1024x128xbf16>, vector<128x768xbf16>, vector<1024x768xf32> -> vector<1024x768xf32>
    %add3A_35 = arith.addf %add3A_25, %dot_general3A_34 : vector<1024x768xf32>
    %get3A_36 = arith.constant 0 : index
    %get3A_37 = arith.constant 0 : index
    %get3A_38 = vector.load %arg3[%get3A_36, %get3A_37] : memref<1x768xf32, #tpu.memory_space<vmem>>, vector<1x768xf32>
    %add3A_39 = vector.broadcast %get3A_38 : vector<1x768xf32> to vector<1024x768xf32>
    %add3A_40 = arith.addf %add3A_35, %add3A_39 : vector<1024x768xf32>
    %swap3A = arith.constant 0 : index
    %swap3A_41 = arith.constant 0 : index
    %swap3A_42 = vector.load %arg5[%swap3A, %swap3A_41] : memref<1024x768xf32, #tpu.memory_space<vmem>>, vector<1024x768xf32>
    tpu.vector_store %arg5[%swap3A, %swap3A_41], %add3A_40 {strides = array<i32>} : memref<1024x768xf32, #tpu.memory_space<vmem>>, vector<1024x768xf32>,
    return
  }
  func.func @transform_0(%arg0: i32) -> (i32, i32) {
    %c0_i32 = arith.constant 0 : i32
    %c0_i32_0 = arith.constant 0 : i32
    return %arg0, %c0_i32 : i32, i32
  }
  func.func @transform_1(%arg0: i32) -> (i32, i32) {
    %c0_i32 = arith.constant 0 : i32
    %c0_i32_0 = arith.constant 0 : i32
    %c0_i32_1 = arith.constant 0 : i32
    return %c0_i32, %c0_i32_0 : i32, i32
  }
  func.func @transform_2(%arg0: i32) -> (i32, i32) {
    %c0_i32 = arith.constant 0 : i32
    %c0_i32_0 = arith.constant 0 : i32
    %c0_i32_1 = arith.constant 0 : i32
    return %c0_i32, %c0_i32_0 : i32, i32
  }
  func.func @transform_4(%arg0: i32) -> (i32, i32) {
    %add3A = arith.constant 6 : i32
    %add3A_0 = arith.addi %arg0, %add3A : i32
    %c0_i32 = arith.constant 0 : i32
    %c0_i32_1 = arith.constant 0 : i32
    return %add3A_0, %c0_i32 : i32, i32
  }
}

</mosaic_0001>

<sc_bundles>
// kernel: kernel.12.cloned.1.call-start
scs
__scs_entry_jumppad:
0x0: {  	(pc) =	sbr.rel $0x88, $3  }
0x1: {  	(tag) =	ssettag $0x0;
	lr =	simm.s32 $0x1  }
0x2: {  	[smem:$0x3F99] =	sst lr;
	_ =	strace $0xD0000000  }
0x3: {  	_ = 	snop  }
0x4: {  	_ = 	snop  }
0x5: {  	_ = 	snop  }
0x6: {  	_ = 	snop  }
0x7: {  	_ = 	snop  }
__scs_overlays_trampoline_lowered:
0x8: {  	[smem:$0x3FA8] =	sst s0  }
0x9: {  	[smem:$0x3FA9] =	sst s1  }
0xa: {  	[smem:$0x3FAA] =	sst s2  }
0xb: {  	[smem:$0x3FAB] =	sst s3  }
0xc: {  	[smem:$0x3FAC] =	sst s4  }
0xd: {  	[smem:$0x3FAD] =	sst s5  }
0xe: {  	[smem:$0x3FAE] =	sst s6  }
0xf: {  	[smem:$0x3FAF] =	sst s7  }
0x10: {  	[smem:$0x3FB0] =	sst s8  }
0x11: {  	[smem:$0x3FB1] =	sst s9;
	s0 =	simm.s32 @!p0 $0x0  }
0x12: {  	s1 =	sld [smem:$0x3F97];
	s0 =	simm.s32 @p0 $0x1  }
0x13: {  	[smem:$0x3FB2] =	sst s0;
	s0 =	simm.s32 @!p1 $0x0  }
0x14: {  	s2 =	sld [smem:$0x3F96];
	s0 =	simm.s32 @p1 $0x1  }
0x15: {  	[smem:$0x3FB3] =	sst s0;
	s0 =	simm.s32 @!p2 $0x0  }
0x16: {  	s3 =	sld [smem:$0x3FDB];
	s0 =	simm.s32 @p2 $0x1  }
0x17: {  	s4 =	simm.s32 $0x1BF5;
	[smem:$0x3FB5] =	sst s0  }
0x18: {  	s0 =	sld [smem:$0x3F98];
	_ =	swait.ge [sflag:s4], $0x0  }
0x19: {  	s7 =	sld [smem:$0x3F99]  }
0x1a: {  	s8 =	sadd.s32 $0xFFFFE003, lr  }
0x1b: {  	s9 =	sadd.s32 $0xFFFFFEF7, lr;
	s5 =	simm.s32 $0xFFFFFFFF;
	p2 =	slt.u32 s8, $0xFFFFF086  }
0x1c: {  	p1 =	slt.u32 s9, $0xF7A;
	s5 =	simm.s32 @!p2 $0x0  }
0x1d: {  	s5 =	simm.s32 @p1 $0x1;
	p0 =	seq.s32 s7, s2  }
0x1e: {  	s7 =	smul.u32 @!p0 $0xF7A, s2;
	p2 =	seq.s32 @!p0 s5, $0x0  }
0x1f: {  	s9 =	smul.u32 $0xF7A, s1;
	s8 =	simm.s32 @!p0 $0x1BF5;
	p2 =	por !p2, p0  }
0x20: {  	[sflag:s8] =	ssyncset.s32 @!p0 $0xFFFFF086;
	s6 =	sadd.s32 @!p0 s3, s7;
	s7 =	simm.s32 @!p0 $0x108  }
0x21: {  	s3 =	sadd.s32 s3, s9;
	s6 =	sadd.s32 @!p0 $0x88, s6;
	s7 =	simm.s32 @p2 $0x1082  }
0x22: {  	[simem:s7], [sflag:s8] =	dma.local @!p0 [hbm:s6], $0xF7A  }
0x23: {  	s9 =	sor.u32 $0xD0000000, s2;
	s6 =	simm.s32 $0x108;
	_ =	swait.ge @!p0 [sflag:s8], $0x0  }
0x24: {  	s3 =	sadd.s32 $0x88, s3;
	s6 =	simm.s32 @!p1 $0x1082;
	[sflag:s4] =	ssyncset.s32 $0xFFFFF086  }
0x25: {  	[simem:s6], [sflag:s4] =	dma.local [hbm:s3], $0xF7A  }
0x26: {  	[smem:$0x3F99] =	sst s1;
	(tag) =	ssettag s2;
	_ =	strace s9  }
0x27: {  	s1 =	sld [smem:$0x3FA9]  }
0x28: {  	s2 =	sld [smem:$0x3FAA]  }
0x29: {  	s4 =	sld [smem:$0x3FAC]  }
0x2a: {  	p0 =	seq.s32 s5, $0x0;
	s5 =	sld [smem:$0x3FAD]  }
0x2b: {  	s6 =	sld [smem:$0x3FAE]  }
0x2c: {  	s7 =	sld [smem:$0x3FAF]  }
0x2d: {  	s3 =	simm.s32 $0x108;
	s8 =	sld [smem:$0x3FB0]  }
0x2e: {  	s3 =	simm.s32 @!p0 $0x1082;
	s9 =	sld [smem:$0x3FB1]  }
0x2f: {  	lr =	sadd.s32 s0, s3;
	s0 =	sld [smem:$0x3FA8]  }
0x30: {  	s3 =	sld [smem:$0x3FAB]  }
0x31: {  	[smem:$0x3FB4] =	sst s10  }
0x32: {  	s10 =	sld [smem:$0x3FB2];
	_ =	sdelay $0x3  }
0x33: {  	p0 =	seq.s32 s10, $0x1;
	s10 =	sld [smem:$0x3FB4];
	_ =	sdelay $0x3  }
0x34: {  	[smem:$0x3FB4] =	sst s10  }
0x35: {  	s10 =	sld [smem:$0x3FB3];
	_ =	sdelay $0x3  }
0x36: {  	p1 =	seq.s32 s10, $0x1;
	s10 =	sld [smem:$0x3FB4];
	_ =	sdelay $0x3  }
0x37: {  	[smem:$0x3FB4] =	sst s10  }
0x38: {  	s10 =	sld [smem:$0x3FB5]  }
0x39: {  	_ = 	snop;
	(pc) =	sbr.ind lr, $3  }
0x3a: {  	_ = 	snop  }
0x3b: {  	_ = 	snop  }
0x3c: {  	p2 =	seq.s32 s10, $0x1;
	s10 =	sld [smem:$0x3FB4]  }
0x3d: {  	_ =	shalt  }
0x3e: {  	_ =	shalt  }
0x3f: {  	_ =	shalt  }
0x40: {  	_ =	shalt  }
0x41: {  	_ =	shalt  }
0x42: {  	_ =	shalt  }
0x43: {  	_ =	shalt  }
0x44: {  	_ =	shalt  }
0x45: {  	_ =	shalt  }
0x46: {  	_ =	shalt  }
0x47: {  	_ =	shalt  }
0x48: {  	_ =	shalt  }
0x49: {  	_ =	shalt  }
0x4a: {  	_ =	shalt  }
0x4b: {  	_ =	shalt  }
0x4c: {  	_ =	shalt  }
0x4d: {  	_ =	shalt  }
0x4e: {  	_ =	shalt  }
0x4f: {  	_ =	shalt  }
0x50: {  	_ =	shalt  }
0x51: {  	_ =	shalt  }
0x52: {  	_ =	shalt  }
0x53: {  	_ =	shalt  }
0x54: {  	_ =	shalt  }
0x55: {  	_ =	shalt  }
0x56: {  	_ =	shalt  }
0x57: {  	_ =	shalt  }
0x58: {  	_ =	shalt  }
0x59: {  	_ =	shalt  }
0x5a: {  	_ =	shalt  }
0x5b: {  	_ =	shalt  }
0x5c: {  	_ =	shalt  }
0x5d: {  	_ =	shalt  }
0x5e: {  	_ =	shalt  }
0x5f: {  	_ =	shalt  }
0x60: {  	_ =	shalt  }
0x61: {  	_ =	shalt  }
0x62: {  	_ =	shalt  }
0x63: {  	_ =	shalt  }
0x64: {  	_ =	shalt  }
0x65: {  	_ =	shalt  }
0x66: {  	_ =	shalt  }
0x67: {  	_ =	shalt  }
0x68: {  	_ =	shalt  }
0x69: {  	_ =	shalt  }
0x6a: {  	_ =	shalt  }
0x6b: {  	_ =	shalt  }
0x6c: {  	_ =	shalt  }
0x6d: {  	_ =	shalt  }
0x6e: {  	_ =	shalt  }
0x6f: {  	_ =	shalt  }
0x70: {  	_ =	shalt  }
0x71: {  	_ =	shalt  }
0x72: {  	_ =	shalt  }
0x73: {  	_ =	shalt  }
0x74: {  	_ =	shalt  }
0x75: {  	_ =	shalt  }
0x76: {  	_ =	shalt  }
0x77: {  	_ =	shalt  }
0x78: {  	_ =	shalt  }
0x79: {  	_ =	shalt  }
0x7a: {  	_ =	shalt  }
0x7b: {  	_ =	shalt  }
0x7c: {  	_ =	shalt  }
0x7d: {  	_ =	shalt  }
0x7e: {  	_ =	shalt  }
0x7f: {  	_ =	shalt  }
0x80: {  	_ =	shalt  }
0x81: {  	_ =	shalt  }
0x82: {  	_ =	shalt  }
0x83: {  	_ =	shalt  }
0x84: {  	_ =	shalt  }
0x85: {  	_ =	shalt  }
0x86: {  	_ =	shalt  }
0x87: {  	_ =	shalt  }
.Lfunc_end0:
.L_simem_size_0:
called_computation_lowered:
.L_overlay_start_0:
0x88: {  	s2 =	sld [smem:$0x3FD9]  }
0x89: {  	s3 =	sld [smem:$0x3FFE];
	_ =	sdelay $0x1  }
0x8a: {  	s1 =	srdreg.scid  }
0x8b: {  	s0 =	sand.u32 $0x1, s1  }
0x8c: {  	s17 =	sshll.u32 s0, $0xA;
	s2 =	sadd.s32 s3, s2  }
0x8d: {  	s2 =	sadd.s32 s2, s17  }
0x8e: {  	[smem:$0x3FC0] =	sst s2  }
0x8f: {  	_ = 	snop  }
0x90: {  	s2 =	sld [smem:$0x3FD0];
	(tm) =	ssettm $0x1  }
0x91: {  	s18 =	sld [smem:$0x3FFB];
	_ =	sdelay $0x3  }
0x92: {  	_ =	strace s18  }
0x93: {  	s3 =	sld [smem:$0x3FFC];
	_ =	sdelay $0x3  }
0x94: {  	_ =	strace s3  }
0x95: {  	s3 =	sld [smem:$0x3FFD];
	_ =	sdelay $0x3  }
0x96: {  	_ =	strace s3  }
0x97: {  	_ =	strace $0x8FFFFFFF  }
0x98: {  	s19 =	sld [smem:$0x3FDB];
	_ =	sdelay $0x1  }
0x99: {  	s4 =	simm.s32 $_scs_section_size  }
0x9a: {  	s5 =	simm.s32 $_size__tile_overlayer_lowered;
	s6 =	simm.s32 $_tile_overlayer_lowered  }
0x9b: {  	s22 =	simm.s32 $0x1BFF;
	s21 =	sshll.u32 s6, $0x1;
	s3 =	sadd.s32 s4, s19  }
0x9c: {  	s7 =	simm.s32 $0x0;
	s20 =	sshll.u32 s5, $0x1;
	s5 =	sadd.s32 s21, s3  }
0x9d: {  	[timem:s7], [sflag:s22] =	dma.local [hbm:s5], s20  }
0x9e: {  	_ =	swait.ge [sflag:s22], s20  }
0x9f: {  	s4 =	ssub.s32 $0x0, s20;
	[sflag:s22] =	ssyncset.done $0x0  }
0xa0: {  	[sflag:s22] =	ssyncadd.s32 s4;
	_ =	sdelay $0x1  }
0xa1: {  	s23 =	simm.s32 $0x1B8B  }
0xa2: {  	_ =	swait.ge [sflag:s23], $0x1  }
0xa3: {  	[sflag:s23] =	ssyncset.done $0x0  }
0xa4: {  	s25 =	simm.s32 $0x1B8E;
	s24 =	sld [smem:$0x3FFE];
	[sflag:s23] =	ssyncadd.s32 $0xFFFFFFFF  }
0xa5: {  	s26 =	simm.s32 $execute0_lowered;
	[smem:$0x3FD2] =	sst s25  }
0xa6: {  	s5 =	sshll.u32 s26, $0x1;
	_ =	strace $0x80000046;
	[dreg:$0x1] =	wrdreg $0xFFFFFFFF  }
0xa7: {  	s28 =	simm.s32 $_size_execute0_lowered;
	s3 =	sadd.s32 s3, s5;
	[dreg:$0x0] =	wrdreg $0x0  }
0xa8: {  	s5 =	sshll.u32 s28, $0x1;
	[dreg:$0x2] =	wrdreg s3  }
0xa9: {  	[dreg:$0x3] =	wrdreg s5  }
0xaa: {  	[dreg:$0x4] =	wrdreg $0xC0  }
0xab: {  	_ =	task [dreg:s7], $0x5FFFF  }
0xac: {  	[dreg:$0x1] =	wrdreg $0xFFFFFFFF  }
0xad: {  	[dreg:$0x0] =	wrdreg $0x60  }
0xae: {  	[dreg:$0x2] =	wrdreg s2  }
0xaf: {  	[dreg:$0x3] =	wrdreg s24  }
0xb0: {  	[dreg:$0x4] =	wrdreg $0x9  }
0xb1: {  	_ =	task.clear_ibuf [dreg:s7], $0x5FFFF;
	_ =	strace $0x90000046  }
0xb2: {  	s29 =	simm.s32 $0x9;
	_ =	strace $0x80000048  }
0xb3: {  	_ =	swait.ge [sflag:s29], $0x1  }
0xb4: {  	[sflag:s29] =	ssyncadd.s32 $0xFFFFFFFF  }
0xb5: {  	_ =	strace $0x90000048  }
0xb6: {  	_ =	sfence  }
0xb7: {  	s30 =	sld [smem:$0x0];
	_ =	sdelay $0x2  }
0xb8: {  	s31 =	sshll.u32 s1, $0xD;
	s1 =	sshrl.u32 s1, $0x2  }
0xb9: {  	s3 =	sand.u32 $0x4000, s31;
	s1 =	sadd.s32 s1, s30  }
0xba: {  	s0 =	sor.u32 s3, s0;
	s1 =	sshll.u32 s1, $0x11  }
0xbb: {  	s0 =	sor.u32 s1, s0  }
0xbc: {  	s0 =	sadd.s32 $0x8F2B, s0  }
0xbd: {  	[sflag:s0] =	ssyncadd.remote.s32 $0x1  }
0xbe: {  	_ =	sfence.sel $0xFFFF  }
0xbf: {  	[dreg:$0x0] =	wrdreg $0xFFFFFFFF;
	(pc) =	sbr.abs _section_cstart, $3  }
0xc0: {  	[dreg:$0x1] =	wrdreg $0xFFFFFFFF  }
0xc1: {  	_ =	task.clear_ibuf [dreg:s7], $0x2FFFF;
	_ =	strace $0x9FFFFFFF  }
0xc2: {  	(tm) =	ssettm $0x7FFFFFFF  }
0xc3: {  	_ =	shalt  }
tec
execute0_lowered:
.L_overlay_start_1:
0x0: {  	(tag) =	ssettag $0x1  }
0x1: {  	s3 =	rddreg [dreg:$0x0]  }
0x2: {  	s4 =	rddreg [dreg:$0x1]  }
0x3: {  	s0 =	rddreg [dreg:$0x2]  }
0x4: {  	s5 =	srdreg.scid;
	s1 =	stileid.u32;
	s2 =	simm.s32 $0x0  }
0x5: {  	s14 =	simm.s32 $0x1;
	s15 =	simm.s32 $0x400;
	s16 =	simm.s32 $0x2400  }
0x6: {  	s17 =	simm.s32 $0x0;
	s5 =	sand.u32 $0x1, s5;
	s6 =	sshll.u32 s1, $0x1  }
0x7: {  	[smem:$0x7FF] =	sst s2;
	s29 =	sshll.u32 s1, $0x9;
	s6 =	sor.u32 s5, s6  }
0x8: {  	_ =	strace $0x80000047;
	s28 =	ssub.s32 $0x2, s5;
	s5 =	sand.u32 $0x1800, s29  }
0x9: {  	s7 =	sshll.u32 s6, $0xD;
	s30 =	sshrl.u32 s28, $0x1;
	s6 =	sshll.u32 s6, $0x7  }
0xa: {  	s5 =	sadd.s32 s3, s5;
	s12 =	sadd.s32 s7, s4;
	s31 =	sand.u32 $0x380, s6  }
0xb: {  	s13 =	ssub.s32 s28, s30;
	s4 =	sadd.s32 $0x400, s5;
	s3 =	sadd.s32 s31, s5  }
0xc: {  	s5 =	sadd.s32 $0x2A00, s12;
	s6 =	sadd.s32 $0x2E00, s12;
	s7 =	sadd.s32 $0x3200, s12  }
0xd: {  	s8 =	sadd.s32 $0x3600, s12;
	s9 =	sadd.s32 $0x3A00, s12;
	s10 =	sadd.s32 $0x3E00, s12  }
0xe: {  	s11 =	sadd.s32 $0x4200, s12;
	s12 =	sadd.s32 $0x4600, s12;
	s13 =	smax.u32 s13, $0x1  }
.LBB2_1:
0xf: {  	[tilespmem:s2], [sflag:$0x1] =	stream.linear.gather [hbm4b:s3+s2], $0x400, $0x38;
	[tilespmem:$0x4400] =	vst v63  }
0x10: {  	_ =	swait.ge [sflag:s14], $0x400  }
0x11: {  	[sflag:s14] =	ssyncset.done $0x0  }
0x12: {  	[sflag:s14] =	ssyncadd.s32 $0xFFFFFC00  }
0x13: {  	[tilespmem:s15], [sflag:$0x1] =	stream.linear.gather [hbm4b:s4+s2], $0x2000, $0x38;
	[tilespmem:$0x4400] =	vst v63  }
0x14: {  	_ =	swait.ge [sflag:s14], $0x2000  }
0x15: {  	[sflag:s14] =	ssyncset.done $0x0  }
0x16: {  	s18 =	simm.s32 $0x0;
	[sflag:s14] =	ssyncadd.s32 $0xFFFFE000  }
0x17: {  	v0 =	vld [tilespmem:s18+$0x430]  }
0x18: {  	v1 =	vld [tilespmem:s18+$0x400]  }
0x19: {  	v2 =	vld [tilespmem:s18+$0x410]  }
0x1a: {  	s19 =	simm.s32 $0x200;
	v3 =	vld [tilespmem:s18+$0x420]  }
.LBB2_2:
0x1b: {  	p0 =	sne.s32 s19, $0x7E00  }
.Ltmp0:
0x1c: {  	s20 =	sshra.s32 s19, $0x2;
	s19 =	sadd.s32 $0x200, s19;
	[tilespmem:s18+$0x2470] =	vst v0;
	(pc) =	sbr.rel @p0 .LBB2_2-.Ltmp0, $4  }
0x1d: {  	v0 =	vld [tilespmem:s20+$0x430];
	[tilespmem:s18+$0x2440] =	vst v1  }
0x1e: {  	v1 =	vld [tilespmem:s20+$0x400];
	[tilespmem:s18+$0x2450] =	vst v2  }
0x1f: {  	v2 =	vld [tilespmem:s20+$0x410];
	[tilespmem:s18+$0x2460] =	vst v3;
	s18 =	smov.u32 s20  }
0x20: {  	v3 =	vld [tilespmem:s18+$0x420]  }
0x21: {  	_ = 	snop  }
0x22: {  	[tilespmem:s18+$0x2470] =	vst v0  }
0x23: {  	[tilespmem:s18+$0x2440] =	vst v1  }
0x24: {  	[tilespmem:s18+$0x2450] =	vst v2  }
0x25: {  	[tilespmem:s18+$0x2460] =	vst v3  }
0x26: {  	v3 =	vld [tilespmem:$0x30]  }
0x27: {  	v2 =	vld [tilespmem:$0x20]  }
0x28: {  	v0 =	vld [tilespmem:$0x0]  }
0x29: {  	v1 =	vld [tilespmem:$0x10]  }
0x2a: {  	s19 =	simm.s32 $0x200;
	s18 =	simm.s32 $0x0  }
.LBB2_4:
0x2b: {  	p0 =	sne.s32 s19, $0x7E00;
	[tilespmem:s18+$0x2430] =	vst v3;
	s20 =	smov.u32 s19;
	s19 =	sadd.s32 $0x200, s19  }
.Ltmp1:
0x2c: {  	[tilespmem:s18+$0x2420] =	vst v2;
	(pc) =	sbr.rel @p0 .LBB2_4-.Ltmp1, $3  }
0x2d: {  	[tilespmem:s18+$0x2400] =	vst v0  }
0x2e: {  	[tilespmem:s18+$0x2410] =	vst v1;
	_ =	sdelay $0x1  }
0x2f: {  	s18 =	sshra.s32 s20, $0x2  }
0x30: {  	[tilespmem:s18+$0x2430] =	vst v3  }
0x31: {  	[tilespmem:s18+$0x2420] =	vst v2  }
0x32: {  	[tilespmem:s18+$0x2400] =	vst v0  }
0x33: {  	[tilespmem:s18+$0x2410] =	vst v1;
	s31 =	simm.s32 $0x0  }
0x34: {  	[hbm4b:s5+s31] =	stream.linear.scatter [tilespmem:s16], [sflag:$0x1], $0x2000, $0x38;
	[tilespmem:$0x4400] =	vst v63  }
0x35: {  	_ =	swait.ge [sflag:s14], $0x2000  }
0x36: {  	[sflag:s14] =	ssyncset.done $0x0  }
0x37: {  	[sflag:s14] =	ssyncadd.s32 $0xFFFFE000  }
0x38: {  	v3 =	vld [tilespmem:$0xB0]  }
0x39: {  	v2 =	vld [tilespmem:$0xA0]  }
0x3a: {  	v0 =	vld [tilespmem:$0x80]  }
0x3b: {  	v1 =	vld [tilespmem:$0x90]  }
0x3c: {  	s19 =	simm.s32 $0x200;
	s18 =	simm.s32 $0x0  }
.LBB2_6:
0x3d: {  	p0 =	sne.s32 s19, $0x7E00;
	[tilespmem:s18+$0x2430] =	vst v3;
	s20 =	smov.u32 s19;
	s19 =	sadd.s32 $0x200, s19  }
.Ltmp2:
0x3e: {  	[tilespmem:s18+$0x2420] =	vst v2;
	(pc) =	sbr.rel @p0 .LBB2_6-.Ltmp2, $3  }
0x3f: {  	[tilespmem:s18+$0x2400] =	vst v0  }
0x40: {  	[tilespmem:s18+$0x2410] =	vst v1;
	_ =	sdelay $0x1  }
0x41: {  	s18 =	sshra.s32 s20, $0x2  }
0x42: {  	[tilespmem:s18+$0x2430] =	vst v3  }
0x43: {  	[tilespmem:s18+$0x2420] =	vst v2  }
0x44: {  	[tilespmem:s18+$0x2400] =	vst v0  }
0x45: {  	[tilespmem:s18+$0x2410] =	vst v1;
	s31 =	simm.s32 $0x0  }
0x46: {  	[hbm4b:s6+s31] =	stream.linear.scatter [tilespmem:s16], [sflag:$0x1], $0x2000, $0x38;
	[tilespmem:$0x4400] =	vst v63  }
0x47: {  	_ =	swait.ge [sflag:s14], $0x2000  }
0x48: {  	[sflag:s14] =	ssyncset.done $0x0  }
0x49: {  	[sflag:s14] =	ssyncadd.s32 $0xFFFFE000  }
0x4a: {  	v3 =	vld [tilespmem:$0x130]  }
0x4b: {  	v2 =	vld [tilespmem:$0x120]  }
0x4c: {  	v0 =	vld [tilespmem:$0x100]  }
0x4d: {  	v1 =	vld [tilespmem:$0x110]  }
0x4e: {  	s19 =	simm.s32 $0x200;
	s18 =	simm.s32 $0x0  }
.LBB2_8:
0x4f: {  	p0 =	sne.s32 s19, $0x7E00;
	[tilespmem:s18+$0x2430] =	vst v3;
	s20 =	smov.u32 s19;
	s19 =	sadd.s32 $0x200, s19  }
.Ltmp3:
0x50: {  	[tilespmem:s18+$0x2420] =	vst v2;
	(pc) =	sbr.rel @p0 .LBB2_8-.Ltmp3, $3  }
0x51: {  	[tilespmem:s18+$0x2400] =	vst v0  }
0x52: {  	[tilespmem:s18+$0x2410] =	vst v1;
	_ =	sdelay $0x1  }
0x53: {  	s18 =	sshra.s32 s20, $0x2  }
0x54: {  	[tilespmem:s18+$0x2430] =	vst v3  }
0x55: {  	[tilespmem:s18+$0x2420] =	vst v2  }
0x56: {  	[tilespmem:s18+$0x2400] =	vst v0  }
0x57: {  	[tilespmem:s18+$0x2410] =	vst v1;
	s31 =	simm.s32 $0x0  }
0x58: {  	[hbm4b:s7+s31] =	stream.linear.scatter [tilespmem:s16], [sflag:$0x1], $0x2000, $0x38;
	[tilespmem:$0x4400] =	vst v63  }
0x59: {  	_ =	swait.ge [sflag:s14], $0x2000  }
0x5a: {  	[sflag:s14] =	ssyncset.done $0x0  }
0x5b: {  	[sflag:s14] =	ssyncadd.s32 $0xFFFFE000  }
0x5c: {  	v3 =	vld [tilespmem:$0x1B0]  }
0x5d: {  	v2 =	vld [tilespmem:$0x1A0]  }
0x5e: {  	v0 =	vld [tilespmem:$0x180]  }
0x5f: {  	v1 =	vld [tilespmem:$0x190]  }
0x60: {  	s19 =	simm.s32 $0x200;
	s18 =	simm.s32 $0x0  }
.LBB2_10:
0x61: {  	p0 =	sne.s32 s19, $0x7E00;
	[tilespmem:s18+$0x2430] =	vst v3;
	s20 =	smov.u32 s19;
	s19 =	sadd.s32 $0x200, s19  }
.Ltmp4:
0x62: {  	[tilespmem:s18+$0x2420] =	vst v2;
	(pc) =	sbr.rel @p0 .LBB2_10-.Ltmp4, $3  }
0x63: {  	[tilespmem:s18+$0x2400] =	vst v0  }
0x64: {  	[tilespmem:s18+$0x2410] =	vst v1;
	_ =	sdelay $0x1  }
0x65: {  	s18 =	sshra.s32 s20, $0x2  }
0x66: {  	[tilespmem:s18+$0x2430] =	vst v3  }
0x67: {  	[tilespmem:s18+$0x2420] =	vst v2  }
0x68: {  	[tilespmem:s18+$0x2400] =	vst v0  }
0x69: {  	[tilespmem:s18+$0x2410] =	vst v1;
	s31 =	simm.s32 $0x0  }
0x6a: {  	[hbm4b:s8+s31] =	stream.linear.scatter [tilespmem:s16], [sflag:$0x1], $0x2000, $0x38;
	[tilespmem:$0x4400] =	vst v63  }
0x6b: {  	_ =	swait.ge [sflag:s14], $0x2000  }
0x6c: {  	[sflag:s14] =	ssyncset.done $0x0  }
0x6d: {  	[sflag:s14] =	ssyncadd.s32 $0xFFFFE000  }
0x6e: {  	v3 =	vld [tilespmem:$0x230]  }
0x6f: {  	v2 =	vld [tilespmem:$0x220]  }
0x70: {  	v0 =	vld [tilespmem:$0x200]  }
0x71: {  	v1 =	vld [tilespmem:$0x210]  }
0x72: {  	s19 =	simm.s32 $0x200;
	s18 =	simm.s32 $0x0  }
.LBB2_12:
0x73: {  	p0 =	sne.s32 s19, $0x7E00;
	[tilespmem:s18+$0x2430] =	vst v3;
	s20 =	smov.u32 s19;
	s19 =	sadd.s32 $0x200, s19  }
.Ltmp5:
0x74: {  	[tilespmem:s18+$0x2420] =	vst v2;
	(pc) =	sbr.rel @p0 .LBB2_12-.Ltmp5, $3  }
0x75: {  	[tilespmem:s18+$0x2400] =	vst v0  }
0x76: {  	[tilespmem:s18+$0x2410] =	vst v1;
	_ =	sdelay $0x1  }
0x77: {  	s18 =	sshra.s32 s20, $0x2  }
0x78: {  	[tilespmem:s18+$0x2430] =	vst v3  }
0x79: {  	[tilespmem:s18+$0x2420] =	vst v2  }
0x7a: {  	[tilespmem:s18+$0x2400] =	vst v0  }
0x7b: {  	[tilespmem:s18+$0x2410] =	vst v1;
	s31 =	simm.s32 $0x0  }
0x7c: {  	[hbm4b:s9+s31] =	stream.linear.scatter [tilespmem:s16], [sflag:$0x1], $0x2000, $0x38;
	[tilespmem:$0x4400] =	vst v63  }
0x7d: {  	_ =	swait.ge [sflag:s14], $0x2000  }
0x7e: {  	[sflag:s14] =	ssyncset.done $0x0  }
0x7f: {  	[sflag:s14] =	ssyncadd.s32 $0xFFFFE000  }
0x80: {  	v3 =	vld [tilespmem:$0x2B0]  }
0x81: {  	v2 =	vld [tilespmem:$0x2A0]  }
0x82: {  	v0 =	vld [tilespmem:$0x280]  }
0x83: {  	v1 =	vld [tilespmem:$0x290]  }
0x84: {  	s19 =	simm.s32 $0x200;
	s18 =	simm.s32 $0x0  }
.LBB2_14:
0x85: {  	p0 =	sne.s32 s19, $0x7E00;
	[tilespmem:s18+$0x2430] =	vst v3;
	s20 =	smov.u32 s19;
	s19 =	sadd.s32 $0x200, s19  }
.Ltmp6:
0x86: {  	[tilespmem:s18+$0x2420] =	vst v2;
	(pc) =	sbr.rel @p0 .LBB2_14-.Ltmp6, $3  }
0x87: {  	[tilespmem:s18+$0x2400] =	vst v0  }
0x88: {  	[tilespmem:s18+$0x2410] =	vst v1;
	_ =	sdelay $0x1  }
0x89: {  	s18 =	sshra.s32 s20, $0x2  }
0x8a: {  	[tilespmem:s18+$0x2430] =	vst v3  }
0x8b: {  	[tilespmem:s18+$0x2420] =	vst v2  }
0x8c: {  	[tilespmem:s18+$0x2400] =	vst v0  }
0x8d: {  	[tilespmem:s18+$0x2410] =	vst v1;
	s31 =	simm.s32 $0x0  }
0x8e: {  	[hbm4b:s10+s31] =	stream.linear.scatter [tilespmem:s16], [sflag:$0x1], $0x2000, $0x38;
	[tilespmem:$0x4400] =	vst v63  }
0x8f: {  	_ =	swait.ge [sflag:s14], $0x2000  }
0x90: {  	[sflag:s14] =	ssyncset.done $0x0  }
0x91: {  	[sflag:s14] =	ssyncadd.s32 $0xFFFFE000  }
0x92: {  	v3 =	vld [tilespmem:$0x330]  }
0x93: {  	v2 =	vld [tilespmem:$0x320]  }
0x94: {  	v0 =	vld [tilespmem:$0x300]  }
0x95: {  	v1 =	vld [tilespmem:$0x310]  }
0x96: {  	s19 =	simm.s32 $0x200;
	s18 =	simm.s32 $0x0  }
.LBB2_16:
0x97: {  	p0 =	sne.s32 s19, $0x7E00;
	[tilespmem:s18+$0x2430] =	vst v3;
	s20 =	smov.u32 s19;
	s19 =	sadd.s32 $0x200, s19  }
.Ltmp7:
0x98: {  	[tilespmem:s18+$0x2420] =	vst v2;
	(pc) =	sbr.rel @p0 .LBB2_16-.Ltmp7, $3  }
0x99: {  	[tilespmem:s18+$0x2400] =	vst v0  }
0x9a: {  	[tilespmem:s18+$0x2410] =	vst v1;
	_ =	sdelay $0x1  }
0x9b: {  	s18 =	sshra.s32 s20, $0x2  }
0x9c: {  	[tilespmem:s18+$0x2430] =	vst v3  }
0x9d: {  	[tilespmem:s18+$0x2420] =	vst v2  }
0x9e: {  	[tilespmem:s18+$0x2400] =	vst v0  }
0x9f: {  	[tilespmem:s18+$0x2410] =	vst v1;
	s31 =	simm.s32 $0x0  }
0xa0: {  	[hbm4b:s11+s31] =	stream.linear.scatter [tilespmem:s16], [sflag:$0x1], $0x2000, $0x38;
	[tilespmem:$0x4400] =	vst v63  }
0xa1: {  	_ =	swait.ge [sflag:s14], $0x2000  }
0xa2: {  	[sflag:s14] =	ssyncset.done $0x0  }
0xa3: {  	[sflag:s14] =	ssyncadd.s32 $0xFFFFE000  }
0xa4: {  	v3 =	vld [tilespmem:$0x3B0]  }
0xa5: {  	v2 =	vld [tilespmem:$0x3A0]  }
0xa6: {  	v0 =	vld [tilespmem:$0x380]  }
0xa7: {  	v1 =	vld [tilespmem:$0x390]  }
0xa8: {  	s19 =	simm.s32 $0x200;
	s18 =	simm.s32 $0x0  }
.LBB2_18:
0xa9: {  	p0 =	sne.s32 s19, $0x7E00;
	[tilespmem:s18+$0x2430] =	vst v3;
	s20 =	smov.u32 s19;
	s19 =	sadd.s32 $0x200, s19  }
.Ltmp8:
0xaa: {  	[tilespmem:s18+$0x2420] =	vst v2;
	(pc) =	sbr.rel @p0 .LBB2_18-.Ltmp8, $3  }
0xab: {  	[tilespmem:s18+$0x2400] =	vst v0  }
0xac: {  	[tilespmem:s18+$0x2410] =	vst v1;
	_ =	sdelay $0x1  }
0xad: {  	s18 =	sshra.s32 s20, $0x2  }
0xae: {  	[tilespmem:s18+$0x2430] =	vst v3  }
0xaf: {  	[tilespmem:s18+$0x2420] =	vst v2;
	s17 =	sadd.s32 $0x1, s17  }
0xb0: {  	[tilespmem:s18+$0x2400] =	vst v0;
	p0 =	sne.s32 s17, s13  }
.Ltmp9:
0xb1: {  	[tilespmem:s18+$0x2410] =	vst v1;
	(pc) =	sbr.rel @p0 .LBB2_1-.Ltmp9, $4  }
0xb2: {  	[hbm4b:s12+s2] =	stream.linear.scatter [tilespmem:s16], [sflag:$0x1], $0x2000, $0x38;
	[tilespmem:$0x4400] =	vst v63  }
0xb3: {  	_ =	swait.ge [sflag:s14], $0x2000  }
0xb4: {  	[sflag:s14] =	ssyncset.done $0x0  }
0xb5: {  	[sflag:s14] =	ssyncadd.s32 $0xFFFFE000  }
0xb6: {  	_ =	sfence.sel $0x180000  }
0xb7: {  	[bflag:$0x0] =	sbarrier.arrive $0xFFFF  }
0xb8: {  	p0 =	sne.s32 s1, $0x0;
	_ =	strace $0x90000047  }
0xb9: {  	s0 =	sadd.s32 @!p0 $0x100000, s0;
	[bflag:$0x2] =	sbarrier.arrive $0xFFFF  }
0xba: {  	[sflag:s0] =	ssyncadd.tile.s32 @!p0 $0x1;
	_ =	shalt  }
.Lfunc_end2:
_tile_overlayer_lowered:
.L_overlay_start_2:
0xbb: {  	(tag) =	ssettag $0x2  }
0xbc: {  	s0 =	rddreg [dreg:$0x0];
	s2 =	stileid.u32  }
0xbd: {  	s1 =	rddreg [dreg:$0x1];
	p0 =	sne.s32 s2, $0x0  }
0xbe: {  	s3 =	rddreg [dreg:$0x2];
	[bflag:$0x3] =	sbarrier.arrive $0xFFFF;
	s2 =	simm.s32 @!p0 $0x1C01  }
0xbf: {  	[timem:s3], [sflag:s2] =	dma.local @!p0 [hbm:s0], s1  }
0xc0: {  	s0 =	simm.s32 @!p0 $0x1  }
0xc1: {  	_ =	swait.ge @!p0 [sflag:s0], s1  }
0xc2: {  	s1 =	ssub.s32 @!p0 $0x0, s1;
	[sflag:s0] =	ssyncset.done @!p0 $0x0  }
0xc3: {  	[sflag:s0] =	ssyncadd.s32 @!p0 s1  }
0xc4: {  	[bflag:$0x3] =	sbarrier.arrive $0xFFFF  }
0xc5: {  	_ =	shalt  }

// kernel: kernel.15.cloned.1.call-start
scs
__scs_entry_jumppad:
0x0: {  	(pc) =	sbr.rel $0x88, $3  }
0x1: {  	(tag) =	ssettag $0x0;
	lr =	simm.s32 $0x1  }
0x2: {  	[smem:$0x3F99] =	sst lr;
	_ =	strace $0xD0000000  }
0x3: {  	_ = 	snop  }
0x4: {  	_ = 	snop  }
0x5: {  	_ = 	snop  }
0x6: {  	_ = 	snop  }
0x7: {  	_ = 	snop  }
__scs_overlays_trampoline_lowered:
0x8: {  	[smem:$0x3FA8] =	sst s0  }
0x9: {  	[smem:$0x3FA9] =	sst s1  }
0xa: {  	[smem:$0x3FAA] =	sst s2  }
0xb: {  	[smem:$0x3FAB] =	sst s3  }
0xc: {  	[smem:$0x3FAC] =	sst s4  }
0xd: {  	[smem:$0x3FAD] =	sst s5  }
0xe: {  	[smem:$0x3FAE] =	sst s6  }
0xf: {  	[smem:$0x3FAF] =	sst s7  }
0x10: {  	[smem:$0x3FB0] =	sst s8  }
0x11: {  	[smem:$0x3FB1] =	sst s9;
	s0 =	simm.s32 @!p0 $0x0  }
0x12: {  	s1 =	sld [smem:$0x3F97];
	s0 =	simm.s32 @p0 $0x1  }
0x13: {  	[smem:$0x3FB2] =	sst s0;
	s0 =	simm.s32 @!p1 $0x0  }
0x14: {  	s2 =	sld [smem:$0x3F96];
	s0 =	simm.s32 @p1 $0x1  }
0x15: {  	[smem:$0x3FB3] =	sst s0;
	s0 =	simm.s32 @!p2 $0x0  }
0x16: {  	s3 =	sld [smem:$0x3FDB];
	s0 =	simm.s32 @p2 $0x1  }
0x17: {  	s4 =	simm.s32 $0x1BF5;
	[smem:$0x3FB5] =	sst s0  }
0x18: {  	s0 =	sld [smem:$0x3F98];
	_ =	swait.ge [sflag:s4], $0x0  }
0x19: {  	s7 =	sld [smem:$0x3F99]  }
0x1a: {  	s8 =	sadd.s32 $0xFFFFE003, lr  }
0x1b: {  	s9 =	sadd.s32 $0xFFFFFEF7, lr;
	s5 =	simm.s32 $0xFFFFFFFF;
	p2 =	slt.u32 s8, $0xFFFFF086  }
0x1c: {  	p1 =	slt.u32 s9, $0xF7A;
	s5 =	simm.s32 @!p2 $0x0  }
0x1d: {  	s5 =	simm.s32 @p1 $0x1;
	p0 =	seq.s32 s7, s2  }
0x1e: {  	s7 =	smul.u32 @!p0 $0xF7A, s2;
	p2 =	seq.s32 @!p0 s5, $0x0  }
0x1f: {  	s9 =	smul.u32 $0xF7A, s1;
	s8 =	simm.s32 @!p0 $0x1BF5;
	p2 =	por !p2, p0  }
0x20: {  	[sflag:s8] =	ssyncset.s32 @!p0 $0xFFFFF086;
	s6 =	sadd.s32 @!p0 s3, s7;
	s7 =	simm.s32 @!p0 $0x108  }
0x21: {  	s3 =	sadd.s32 s3, s9;
	s6 =	sadd.s32 @!p0 $0x88, s6;
	s7 =	simm.s32 @p2 $0x1082  }
0x22: {  	[simem:s7], [sflag:s8] =	dma.local @!p0 [hbm:s6], $0xF7A  }
0x23: {  	s9 =	sor.u32 $0xD0000000, s2;
	s6 =	simm.s32 $0x108;
	_ =	swait.ge @!p0 [sflag:s8], $0x0  }
0x24: {  	s3 =	sadd.s32 $0x88, s3;
	s6 =	simm.s32 @!p1 $0x1082;
	[sflag:s4] =	ssyncset.s32 $0xFFFFF086  }
0x25: {  	[simem:s6], [sflag:s4] =	dma.local [hbm:s3], $0xF7A  }
0x26: {  	[smem:$0x3F99] =	sst s1;
	(tag) =	ssettag s2;
	_ =	strace s9  }
0x27: {  	s1 =	sld [smem:$0x3FA9]  }
0x28: {  	s2 =	sld [smem:$0x3FAA]  }
0x29: {  	s4 =	sld [smem:$0x3FAC]  }
0x2a: {  	p0 =	seq.s32 s5, $0x0;
	s5 =	sld [smem:$0x3FAD]  }
0x2b: {  	s6 =	sld [smem:$0x3FAE]  }
0x2c: {  	s7 =	sld [smem:$0x3FAF]  }
0x2d: {  	s3 =	simm.s32 $0x108;
	s8 =	sld [smem:$0x3FB0]  }
0x2e: {  	s3 =	simm.s32 @!p0 $0x1082;
	s9 =	sld [smem:$0x3FB1]  }
0x2f: {  	lr =	sadd.s32 s0, s3;
	s0 =	sld [smem:$0x3FA8]  }
0x30: {  	s3 =	sld [smem:$0x3FAB]  }
0x31: {  	[smem:$0x3FB4] =	sst s10  }
0x32: {  	s10 =	sld [smem:$0x3FB2];
	_ =	sdelay $0x3  }
0x33: {  	p0 =	seq.s32 s10, $0x1;
	s10 =	sld [smem:$0x3FB4];
	_ =	sdelay $0x3  }
0x34: {  	[smem:$0x3FB4] =	sst s10  }
0x35: {  	s10 =	sld [smem:$0x3FB3];
	_ =	sdelay $0x3  }
0x36: {  	p1 =	seq.s32 s10, $0x1;
	s10 =	sld [smem:$0x3FB4];
	_ =	sdelay $0x3  }
0x37: {  	[smem:$0x3FB4] =	sst s10  }
0x38: {  	s10 =	sld [smem:$0x3FB5]  }
0x39: {  	_ = 	snop;
	(pc) =	sbr.ind lr, $3  }
0x3a: {  	_ = 	snop  }
0x3b: {  	_ = 	snop  }
0x3c: {  	p2 =	seq.s32 s10, $0x1;
	s10 =	sld [smem:$0x3FB4]  }
0x3d: {  	_ =	shalt  }
0x3e: {  	_ =	shalt  }
0x3f: {  	_ =	shalt  }
0x40: {  	_ =	shalt  }
0x41: {  	_ =	shalt  }
0x42: {  	_ =	shalt  }
0x43: {  	_ =	shalt  }
0x44: {  	_ =	shalt  }
0x45: {  	_ =	shalt  }
0x46: {  	_ =	shalt  }
0x47: {  	_ =	shalt  }
0x48: {  	_ =	shalt  }
0x49: {  	_ =	shalt  }
0x4a: {  	_ =	shalt  }
0x4b: {  	_ =	shalt  }
0x4c: {  	_ =	shalt  }
0x4d: {  	_ =	shalt  }
0x4e: {  	_ =	shalt  }
0x4f: {  	_ =	shalt  }
0x50: {  	_ =	shalt  }
0x51: {  	_ =	shalt  }
0x52: {  	_ =	shalt  }
0x53: {  	_ =	shalt  }
0x54: {  	_ =	shalt  }
0x55: {  	_ =	shalt  }
0x56: {  	_ =	shalt  }
0x57: {  	_ =	shalt  }
0x58: {  	_ =	shalt  }
0x59: {  	_ =	shalt  }
0x5a: {  	_ =	shalt  }
0x5b: {  	_ =	shalt  }
0x5c: {  	_ =	shalt  }
0x5d: {  	_ =	shalt  }
0x5e: {  	_ =	shalt  }
0x5f: {  	_ =	shalt  }
0x60: {  	_ =	shalt  }
0x61: {  	_ =	shalt  }
0x62: {  	_ =	shalt  }
0x63: {  	_ =	shalt  }
0x64: {  	_ =	shalt  }
0x65: {  	_ =	shalt  }
0x66: {  	_ =	shalt  }
0x67: {  	_ =	shalt  }
0x68: {  	_ =	shalt  }
0x69: {  	_ =	shalt  }
0x6a: {  	_ =	shalt  }
0x6b: {  	_ =	shalt  }
0x6c: {  	_ =	shalt  }
0x6d: {  	_ =	shalt  }
0x6e: {  	_ =	shalt  }
0x6f: {  	_ =	shalt  }
0x70: {  	_ =	shalt  }
0x71: {  	_ =	shalt  }
0x72: {  	_ =	shalt  }
0x73: {  	_ =	shalt  }
0x74: {  	_ =	shalt  }
0x75: {  	_ =	shalt  }
0x76: {  	_ =	shalt  }
0x77: {  	_ =	shalt  }
0x78: {  	_ =	shalt  }
0x79: {  	_ =	shalt  }
0x7a: {  	_ =	shalt  }
0x7b: {  	_ =	shalt  }
0x7c: {  	_ =	shalt  }
0x7d: {  	_ =	shalt  }
0x7e: {  	_ =	shalt  }
0x7f: {  	_ =	shalt  }
0x80: {  	_ =	shalt  }
0x81: {  	_ =	shalt  }
0x82: {  	_ =	shalt  }
0x83: {  	_ =	shalt  }
0x84: {  	_ =	shalt  }
0x85: {  	_ =	shalt  }
0x86: {  	_ =	shalt  }
0x87: {  	_ =	shalt  }
.Lfunc_end0:
.L_simem_size_0:
called_computation.1_lowered:
.L_overlay_start_0:
0x88: {  	s2 =	sld [smem:$0x3FD9]  }
0x89: {  	s3 =	sld [smem:$0x3FFE];
	_ =	sdelay $0x1  }
0x8a: {  	s1 =	srdreg.scid  }
0x8b: {  	s0 =	sand.u32 $0x1, s1  }
0x8c: {  	s17 =	sshll.u32 s0, $0xA;
	s2 =	sadd.s32 s3, s2  }
0x8d: {  	s2 =	sadd.s32 s2, s17  }
0x8e: {  	[smem:$0x3FC0] =	sst s2  }
0x8f: {  	_ = 	snop  }
0x90: {  	s2 =	sld [smem:$0x3FD0];
	(tm) =	ssettm $0x1  }
0x91: {  	s18 =	sld [smem:$0x3FFB];
	_ =	sdelay $0x3  }
0x92: {  	_ =	strace s18  }
0x93: {  	s3 =	sld [smem:$0x3FFC];
	_ =	sdelay $0x3  }
0x94: {  	_ =	strace s3  }
0x95: {  	s3 =	sld [smem:$0x3FFD];
	_ =	sdelay $0x3  }
0x96: {  	_ =	strace s3  }
0x97: {  	_ =	strace $0x8FFFFFFF  }
0x98: {  	s19 =	sld [smem:$0x3FDB];
	_ =	sdelay $0x1  }
0x99: {  	s4 =	simm.s32 $_scs_section_size  }
0x9a: {  	s5 =	simm.s32 $_size__tile_overlayer_lowered;
	s6 =	simm.s32 $_tile_overlayer_lowered  }
0x9b: {  	s22 =	simm.s32 $0x1BFF;
	s21 =	sshll.u32 s6, $0x1;
	s3 =	sadd.s32 s4, s19  }
0x9c: {  	s7 =	simm.s32 $0x0;
	s20 =	sshll.u32 s5, $0x1;
	s5 =	sadd.s32 s21, s3  }
0x9d: {  	[timem:s7], [sflag:s22] =	dma.local [hbm:s5], s20  }
0x9e: {  	_ =	swait.ge [sflag:s22], s20  }
0x9f: {  	s4 =	ssub.s32 $0x0, s20;
	[sflag:s22] =	ssyncset.done $0x0  }
0xa0: {  	[sflag:s22] =	ssyncadd.s32 s4;
	_ =	sdelay $0x1  }
0xa1: {  	s23 =	simm.s32 $0x1B8B  }
0xa2: {  	_ =	swait.ge [sflag:s23], $0x1  }
0xa3: {  	[sflag:s23] =	ssyncset.done $0x0  }
0xa4: {  	s25 =	simm.s32 $0x1B8E;
	s24 =	sld [smem:$0x3FFE];
	[sflag:s23] =	ssyncadd.s32 $0xFFFFFFFF  }
0xa5: {  	s26 =	simm.s32 $execute0_lowered;
	[smem:$0x3FD2] =	sst s25  }
0xa6: {  	s5 =	sshll.u32 s26, $0x1;
	_ =	strace $0x80000049;
	[dreg:$0x1] =	wrdreg $0xFFFFFFFF  }
0xa7: {  	s28 =	simm.s32 $_size_execute0_lowered;
	s3 =	sadd.s32 s3, s5;
	[dreg:$0x0] =	wrdreg $0x0  }
0xa8: {  	s5 =	sshll.u32 s28, $0x1;
	[dreg:$0x2] =	wrdreg s3  }
0xa9: {  	[dreg:$0x3] =	wrdreg s5  }
0xaa: {  	[dreg:$0x4] =	wrdreg $0xC0  }
0xab: {  	_ =	task [dreg:s7], $0x5FFFF  }
0xac: {  	[dreg:$0x1] =	wrdreg $0xFFFFFFFF  }
0xad: {  	[dreg:$0x0] =	wrdreg $0x60  }
0xae: {  	[dreg:$0x2] =	wrdreg s24  }
0xaf: {  	[dreg:$0x3] =	wrdreg s2  }
0xb0: {  	[dreg:$0x4] =	wrdreg $0x9  }
0xb1: {  	_ =	task.clear_ibuf [dreg:s7], $0x5FFFF;
	_ =	strace $0x90000049  }
0xb2: {  	s29 =	simm.s32 $0x9;
	_ =	strace $0x8000004B  }
0xb3: {  	_ =	swait.ge [sflag:s29], $0x1  }
0xb4: {  	[sflag:s29] =	ssyncadd.s32 $0xFFFFFFFF  }
0xb5: {  	_ =	strace $0x9000004B  }
0xb6: {  	_ =	sfence  }
0xb7: {  	s30 =	sld [smem:$0x0];
	_ =	sdelay $0x2  }
0xb8: {  	s31 =	sshll.u32 s1, $0xD;
	s1 =	sshrl.u32 s1, $0x2  }
0xb9: {  	s3 =	sand.u32 $0x4000, s31;
	s1 =	sadd.s32 s1, s30  }
0xba: {  	s0 =	sor.u32 s3, s0;
	s1 =	sshll.u32 s1, $0x11  }
0xbb: {  	s0 =	sor.u32 s1, s0  }
0xbc: {  	s0 =	sadd.s32 $0x8F2B, s0  }
0xbd: {  	[sflag:s0] =	ssyncadd.remote.s32 $0x1  }
0xbe: {  	_ =	sfence.sel $0xFFFF  }
0xbf: {  	[dreg:$0x0] =	wrdreg $0xFFFFFFFF;
	(pc) =	sbr.abs _section_cstart, $3  }
0xc0: {  	[dreg:$0x1] =	wrdreg $0xFFFFFFFF  }
0xc1: {  	_ =	task.clear_ibuf [dreg:s7], $0x2FFFF;
	_ =	strace $0x9FFFFFFF  }
0xc2: {  	(tm) =	ssettm $0x7FFFFFFF  }
0xc3: {  	_ =	shalt  }
tec
execute0_lowered:
.L_overlay_start_1:
0x0: {  	(tag) =	ssettag $0x1  }
0x1: {  	s5 =	rddreg [dreg:$0x0]  }
0x2: {  	s15 =	rddreg [dreg:$0x1]  }
0x3: {  	s0 =	rddreg [dreg:$0x2];
	s2 =	simm.s32 $0x0  }
0x4: {  	s3 =	srdreg.scid;
	s1 =	stileid.u32;
	s4 =	simm.s32 $0x3  }
0x5: {  	[smem:$0x7FF] =	sst s2;
	s16 =	sand.u32 $0x1, s3;
	s30 =	sshll.u32 s1, $0x1  }
0x6: {  	s3 =	sadd.s32 $0x42A00, s5;
	_ =	strace $0x8000004A;
	s14 =	sor.u32 s16, s30  }
0x7: {  	[tilespmem:s2], [sflag:$0x3] =	stream.linear.gather [hbm4b:s3+s2], $0x3000, $0x38;
	[tilespmem:$0xB000] =	vst v63  }
0x8: {  	s6 =	smul.u32 $0x600, s14;
	_ =	swait.ge [sflag:s4], $0x3000  }
0x9: {  	s7 =	simm.s32 $0x80;
	s8 =	simm.s32 $0x3000;
	[sflag:s4] =	ssyncset.done $0x0  }
0xa: {  	s5 =	sadd.s32 $0x2A00, s5;
	s6 =	sshrl.u32 s6, $0x2;
	[sflag:s4] =	ssyncadd.s32 $0xFFFFD000  }
0xb: {  	[tilespmem:s8], [sflag:$0x1] =	stream.indirect.gather [hbm4b:s5+s7], $0x80, s6, s7, $0xb8;
	[tilespmem:$0xB000] =	vst v63  }
0xc: {  	s10 =	simm.s32 $0x7000;
	s11 =	simm.s32 $0x1;
	s9 =	sadd.s32 $0x80, s6  }
0xd: {  	[tilespmem:s10], [sflag:$0x2] =	stream.indirect.gather [hbm4b:s5+s7], $0x80, s9, s7, $0xb8;
	[tilespmem:$0xB000] =	vst v63  }
0xe: {  	s12 =	smul.u32 $0x1800, s14;
	_ =	swait.ge [sflag:s11], $0x4000  }
0xf: {  	[sflag:s11] =	ssyncset.done $0x0  }
0x10: {  	s12 =	sadd.s32 s15, s12;
	[sflag:s11] =	ssyncadd.s32 $0xFFFFC000  }
0x11: {  	[hbm4b:s12+s2] =	stream.linear.scatter [tilespmem:s8], [sflag:$0x3], $0x4000, $0x38;
	[tilespmem:$0xB000] =	vst v63  }
0x12: {  	_ =	swait.ge [sflag:s4], $0x4000  }
0x13: {  	s17 =	smul.u32 $0xC000, s14;
	[sflag:s4] =	ssyncset.done $0x0  }
0x14: {  	s14 =	simm.s32 $0x2;
	s13 =	sadd.s32 $0x100, s6;
	[sflag:s4] =	ssyncadd.s32 $0xFFFFC000  }
0x15: {  	[tilespmem:s8], [sflag:$0x1] =	stream.indirect.gather [hbm4b:s5+s7], $0x80, s13, s7, $0xb8;
	[tilespmem:$0xB000] =	vst v63  }
0x16: {  	s17 =	sshrl.u32 s17, $0x3;
	_ =	swait.ge [sflag:s14], $0x4000  }
0x17: {  	s17 =	sadd.s32 s15, s17;
	[sflag:s14] =	ssyncset.done $0x0  }
0x18: {  	s16 =	ssub.s32 $0x2, s16;
	s15 =	sadd.s32 $0x800, s17;
	[sflag:s14] =	ssyncadd.s32 $0xFFFFC000  }
0x19: {  	[hbm4b:s15+s2] =	stream.linear.scatter [tilespmem:s10], [sflag:$0x3], $0x4000, $0x38;
	[tilespmem:$0xB000] =	vst v63  }
0x1a: {  	s18 =	sshrl.u32 s16, $0x1;
	_ =	swait.ge [sflag:s4], $0x4000  }
0x1b: {  	s18 =	ssub.s32 s16, s18;
	[sflag:s4] =	ssyncset.done $0x0  }
0x1c: {  	s31 =	smax.u32 s18, $0x1;
	[sflag:s4] =	ssyncadd.s32 $0xFFFFC000  }
0x1d: {  	p0 =	sne.s32 s31, $0x1;
	_ =	swait.ge [sflag:s11], $0x4000  }
.Ltmp0:
0x1e: {  	[sflag:s11] =	ssyncset.done $0x0;
	(pc) =	sbr.rel @!p0 .LBB2_2-.Ltmp0, $4  }
0x1f: {  	s16 =	sadd.s32 $0x1000, s17;
	[sflag:s11] =	ssyncadd.s32 $0xFFFFC000  }
0x20: {  	[hbm4b:s16+s2] =	stream.linear.scatter [tilespmem:s8], [sflag:$0x3], $0x4000, $0x38;
	[tilespmem:$0xB000] =	vst v63  }
0x21: {  	_ =	swait.ge [sflag:s4], $0x4000  }
0x22: {  	s17 =	sadd.s32 $0xFFFFFFFF, s31;
	[sflag:s4] =	ssyncset.done $0x0  }
.LBB2_1:
0x23: {  	p0 =	sne.s32 s17, $0x1;
	s17 =	sadd.s32 $0xFFFFFFFF, s17;
	[sflag:s4] =	ssyncadd.s32 $0xFFFFC000  }
0x24: {  	[tilespmem:s2], [sflag:$0x3] =	stream.linear.gather [hbm4b:s3+s2], $0x3000, $0x38;
	[tilespmem:$0xB000] =	vst v63  }
0x25: {  	_ =	swait.ge [sflag:s4], $0x3000  }
0x26: {  	[sflag:s4] =	ssyncset.done $0x0  }
0x27: {  	[sflag:s4] =	ssyncadd.s32 $0xFFFFD000  }
0x28: {  	[tilespmem:s8], [sflag:$0x1] =	stream.indirect.gather [hbm4b:s5+s7], $0x80, s6, s7, $0xb8;
	[tilespmem:$0xB000] =	vst v63  }
0x29: {  	_ = 	snop  }
0x2a: {  	[tilespmem:s10], [sflag:$0x2] =	stream.indirect.gather [hbm4b:s5+s7], $0x80, s9, s7, $0xb8;
	[tilespmem:$0xB000] =	vst v63  }
0x2b: {  	_ =	swait.ge [sflag:s11], $0x4000  }
0x2c: {  	[sflag:s11] =	ssyncset.done $0x0  }
0x2d: {  	[sflag:s11] =	ssyncadd.s32 $0xFFFFC000  }
0x2e: {  	[hbm4b:s12+s2] =	stream.linear.scatter [tilespmem:s8], [sflag:$0x3], $0x4000, $0x38;
	[tilespmem:$0xB000] =	vst v63  }
0x2f: {  	_ =	swait.ge [sflag:s4], $0x4000  }
0x30: {  	[sflag:s4] =	ssyncset.done $0x0  }
0x31: {  	[sflag:s4] =	ssyncadd.s32 $0xFFFFC000  }
0x32: {  	[tilespmem:s8], [sflag:$0x1] =	stream.indirect.gather [hbm4b:s5+s7], $0x80, s13, s7, $0xb8;
	[tilespmem:$0xB000] =	vst v63  }
0x33: {  	_ =	swait.ge [sflag:s14], $0x4000  }
0x34: {  	[sflag:s14] =	ssyncset.done $0x0  }
0x35: {  	[sflag:s14] =	ssyncadd.s32 $0xFFFFC000  }
0x36: {  	[hbm4b:s15+s2] =	stream.linear.scatter [tilespmem:s10], [sflag:$0x3], $0x4000, $0x38;
	[tilespmem:$0xB000] =	vst v63  }
0x37: {  	_ =	swait.ge [sflag:s4], $0x4000  }
0x38: {  	[sflag:s4] =	ssyncset.done $0x0  }
0x39: {  	[sflag:s4] =	ssyncadd.s32 $0xFFFFC000  }
0x3a: {  	_ =	swait.ge [sflag:s11], $0x4000  }
.Ltmp1:
0x3b: {  	[sflag:s11] =	ssyncset.done $0x0;
	(pc) =	sbr.rel @p0 .LBB2_1-.Ltmp1, $4  }
0x3c: {  	[sflag:s11] =	ssyncadd.s32 $0xFFFFC000  }
0x3d: {  	[hbm4b:s16+s2] =	stream.linear.scatter [tilespmem:s8], [sflag:$0x3], $0x4000, $0x38;
	[tilespmem:$0xB000] =	vst v63  }
0x3e: {  	_ =	swait.ge [sflag:s4], $0x4000  }
0x3f: {  	[sflag:s4] =	ssyncset.done $0x0  }
.LBB2_2:
0x40: {  	[sflag:s4] =	ssyncadd.s32 $0xFFFFC000  }
0x41: {  	_ =	sfence.sel $0x180000  }
0x42: {  	[bflag:$0x0] =	sbarrier.arrive $0xFFFF  }
0x43: {  	p0 =	sne.s32 s1, $0x0;
	_ =	strace $0x9000004A  }
0x44: {  	s0 =	sadd.s32 @!p0 $0x100000, s0;
	[bflag:$0x2] =	sbarrier.arrive $0xFFFF  }
0x45: {  	[sflag:s0] =	ssyncadd.tile.s32 @!p0 $0x1;
	_ =	shalt  }
.Lfunc_end2:
_tile_overlayer_lowered:
.L_overlay_start_2:
0x46: {  	(tag) =	ssettag $0x2  }
0x47: {  	s0 =	rddreg [dreg:$0x0];
	s2 =	stileid.u32  }
0x48: {  	s1 =	rddreg [dreg:$0x1];
	p0 =	sne.s32 s2, $0x0  }
0x49: {  	s3 =	rddreg [dreg:$0x2];
	[bflag:$0x3] =	sbarrier.arrive $0xFFFF;
	s2 =	simm.s32 @!p0 $0x1C03  }
0x4a: {  	[timem:s3], [sflag:s2] =	dma.local @!p0 [hbm:s0], s1  }
0x4b: {  	s0 =	simm.s32 @!p0 $0x3  }
0x4c: {  	_ =	swait.ge @!p0 [sflag:s0], s1  }
0x4d: {  	s1 =	ssub.s32 @!p0 $0x0, s1;
	[sflag:s0] =	ssyncset.done @!p0 $0x0  }
0x4e: {  	[sflag:s0] =	ssyncadd.s32 @!p0 s1  }
0x4f: {  	[bflag:$0x3] =	sbarrier.arrive $0xFFFF  }
0x50: {  	_ =	shalt  }

// kernel: kernel.18.cloned.1.call-start
scs
__scs_entry_jumppad:
0x0: {  	(pc) =	sbr.rel $0x88, $3  }
0x1: {  	(tag) =	ssettag $0x0;
	lr =	simm.s32 $0x1  }
0x2: {  	[smem:$0x3F99] =	sst lr;
	_ =	strace $0xD0000000  }
0x3: {  	_ = 	snop  }
0x4: {  	_ = 	snop  }
0x5: {  	_ = 	snop  }
0x6: {  	_ = 	snop  }
0x7: {  	_ = 	snop  }
__scs_overlays_trampoline_lowered:
0x8: {  	[smem:$0x3FA8] =	sst s0  }
0x9: {  	[smem:$0x3FA9] =	sst s1  }
0xa: {  	[smem:$0x3FAA] =	sst s2  }
0xb: {  	[smem:$0x3FAB] =	sst s3  }
0xc: {  	[smem:$0x3FAC] =	sst s4  }
0xd: {  	[smem:$0x3FAD] =	sst s5  }
0xe: {  	[smem:$0x3FAE] =	sst s6  }
0xf: {  	[smem:$0x3FAF] =	sst s7  }
0x10: {  	[smem:$0x3FB0] =	sst s8  }
0x11: {  	[smem:$0x3FB1] =	sst s9;
	s0 =	simm.s32 @!p0 $0x0  }
0x12: {  	s1 =	sld [smem:$0x3F97];
	s0 =	simm.s32 @p0 $0x1  }
0x13: {  	[smem:$0x3FB2] =	sst s0;
	s0 =	simm.s32 @!p1 $0x0  }
0x14: {  	s2 =	sld [smem:$0x3F96];
	s0 =	simm.s32 @p1 $0x1  }
0x15: {  	[smem:$0x3FB3] =	sst s0;
	s0 =	simm.s32 @!p2 $0x0  }
0x16: {  	s3 =	sld [smem:$0x3FDB];
	s0 =	simm.s32 @p2 $0x1  }
0x17: {  	s4 =	simm.s32 $0x1BF5;
	[smem:$0x3FB5] =	sst s0  }
0x18: {  	s0 =	sld [smem:$0x3F98];
	_ =	swait.ge [sflag:s4], $0x0  }
0x19: {  	s7 =	sld [smem:$0x3F99]  }
0x1a: {  	s8 =	sadd.s32 $0xFFFFE003, lr  }
0x1b: {  	s9 =	sadd.s32 $0xFFFFFEF7, lr;
	s5 =	simm.s32 $0xFFFFFFFF;
	p2 =	slt.u32 s8, $0xFFFFF086  }
0x1c: {  	p1 =	slt.u32 s9, $0xF7A;
	s5 =	simm.s32 @!p2 $0x0  }
0x1d: {  	s5 =	simm.s32 @p1 $0x1;
	p0 =	seq.s32 s7, s2  }
0x1e: {  	s7 =	smul.u32 @!p0 $0xF7A, s2;
	p2 =	seq.s32 @!p0 s5, $0x0  }
0x1f: {  	s9 =	smul.u32 $0xF7A, s1;
	s8 =	simm.s32 @!p0 $0x1BF5;
	p2 =	por !p2, p0  }
0x20: {  	[sflag:s8] =	ssyncset.s32 @!p0 $0xFFFFF086;
	s6 =	sadd.s32 @!p0 s3, s7;
	s7 =	simm.s32 @!p0 $0x108  }
0x21: {  	s3 =	sadd.s32 s3, s9;
	s6 =	sadd.s32 @!p0 $0x88, s6;
	s7 =	simm.s32 @p2 $0x1082  }
0x22: {  	[simem:s7], [sflag:s8] =	dma.local @!p0 [hbm:s6], $0xF7A  }
0x23: {  	s9 =	sor.u32 $0xD0000000, s2;
	s6 =	simm.s32 $0x108;
	_ =	swait.ge @!p0 [sflag:s8], $0x0  }
0x24: {  	s3 =	sadd.s32 $0x88, s3;
	s6 =	simm.s32 @!p1 $0x1082;
	[sflag:s4] =	ssyncset.s32 $0xFFFFF086  }
0x25: {  	[simem:s6], [sflag:s4] =	dma.local [hbm:s3], $0xF7A  }
0x26: {  	[smem:$0x3F99] =	sst s1;
	(tag) =	ssettag s2;
	_ =	strace s9  }
0x27: {  	s1 =	sld [smem:$0x3FA9]  }
0x28: {  	s2 =	sld [smem:$0x3FAA]  }
0x29: {  	s4 =	sld [smem:$0x3FAC]  }
0x2a: {  	p0 =	seq.s32 s5, $0x0;
	s5 =	sld [smem:$0x3FAD]  }
0x2b: {  	s6 =	sld [smem:$0x3FAE]  }
0x2c: {  	s7 =	sld [smem:$0x3FAF]  }
0x2d: {  	s3 =	simm.s32 $0x108;
	s8 =	sld [smem:$0x3FB0]  }
0x2e: {  	s3 =	simm.s32 @!p0 $0x1082;
	s9 =	sld [smem:$0x3FB1]  }
0x2f: {  	lr =	sadd.s32 s0, s3;
	s0 =	sld [smem:$0x3FA8]  }
0x30: {  	s3 =	sld [smem:$0x3FAB]  }
0x31: {  	[smem:$0x3FB4] =	sst s10  }
0x32: {  	s10 =	sld [smem:$0x3FB2];
	_ =	sdelay $0x3  }
0x33: {  	p0 =	seq.s32 s10, $0x1;
	s10 =	sld [smem:$0x3FB4];
	_ =	sdelay $0x3  }
0x34: {  	[smem:$0x3FB4] =	sst s10  }
0x35: {  	s10 =	sld [smem:$0x3FB3];
	_ =	sdelay $0x3  }
0x36: {  	p1 =	seq.s32 s10, $0x1;
	s10 =	sld [smem:$0x3FB4];
	_ =	sdelay $0x3  }
0x37: {  	[smem:$0x3FB4] =	sst s10  }
0x38: {  	s10 =	sld [smem:$0x3FB5]  }
0x39: {  	_ = 	snop;
	(pc) =	sbr.ind lr, $3  }
0x3a: {  	_ = 	snop  }
0x3b: {  	_ = 	snop  }
0x3c: {  	p2 =	seq.s32 s10, $0x1;
	s10 =	sld [smem:$0x3FB4]  }
0x3d: {  	_ =	shalt  }
0x3e: {  	_ =	shalt  }
0x3f: {  	_ =	shalt  }
0x40: {  	_ =	shalt  }
0x41: {  	_ =	shalt  }
0x42: {  	_ =	shalt  }
0x43: {  	_ =	shalt  }
0x44: {  	_ =	shalt  }
0x45: {  	_ =	shalt  }
0x46: {  	_ =	shalt  }
0x47: {  	_ =	shalt  }
0x48: {  	_ =	shalt  }
0x49: {  	_ =	shalt  }
0x4a: {  	_ =	shalt  }
0x4b: {  	_ =	shalt  }
0x4c: {  	_ =	shalt  }
0x4d: {  	_ =	shalt  }
0x4e: {  	_ =	shalt  }
0x4f: {  	_ =	shalt  }
0x50: {  	_ =	shalt  }
0x51: {  	_ =	shalt  }
0x52: {  	_ =	shalt  }
0x53: {  	_ =	shalt  }
0x54: {  	_ =	shalt  }
0x55: {  	_ =	shalt  }
0x56: {  	_ =	shalt  }
0x57: {  	_ =	shalt  }
0x58: {  	_ =	shalt  }
0x59: {  	_ =	shalt  }
0x5a: {  	_ =	shalt  }
0x5b: {  	_ =	shalt  }
0x5c: {  	_ =	shalt  }
0x5d: {  	_ =	shalt  }
0x5e: {  	_ =	shalt  }
0x5f: {  	_ =	shalt  }
0x60: {  	_ =	shalt  }
0x61: {  	_ =	shalt  }
0x62: {  	_ =	shalt  }
0x63: {  	_ =	shalt  }
0x64: {  	_ =	shalt  }
0x65: {  	_ =	shalt  }
0x66: {  	_ =	shalt  }
0x67: {  	_ =	shalt  }
0x68: {  	_ =	shalt  }
0x69: {  	_ =	shalt  }
0x6a: {  	_ =	shalt  }
0x6b: {  	_ =	shalt  }
0x6c: {  	_ =	shalt  }
0x6d: {  	_ =	shalt  }
0x6e: {  	_ =	shalt  }
0x6f: {  	_ =	shalt  }
0x70: {  	_ =	shalt  }
0x71: {  	_ =	shalt  }
0x72: {  	_ =	shalt  }
0x73: {  	_ =	shalt  }
0x74: {  	_ =	shalt  }
0x75: {  	_ =	shalt  }
0x76: {  	_ =	shalt  }
0x77: {  	_ =	shalt  }
0x78: {  	_ =	shalt  }
0x79: {  	_ =	shalt  }
0x7a: {  	_ =	shalt  }
0x7b: {  	_ =	shalt  }
0x7c: {  	_ =	shalt  }
0x7d: {  	_ =	shalt  }
0x7e: {  	_ =	shalt  }
0x7f: {  	_ =	shalt  }
0x80: {  	_ =	shalt  }
0x81: {  	_ =	shalt  }
0x82: {  	_ =	shalt  }
0x83: {  	_ =	shalt  }
0x84: {  	_ =	shalt  }
0x85: {  	_ =	shalt  }
0x86: {  	_ =	shalt  }
0x87: {  	_ =	shalt  }
.Lfunc_end0:
.L_simem_size_0:
called_computation.2_lowered:
.L_overlay_start_0:
0x88: {  	s2 =	sld [smem:$0x3FD9]  }
0x89: {  	s3 =	sld [smem:$0x3FFE];
	_ =	sdelay $0x1  }
0x8a: {  	s1 =	srdreg.scid  }
0x8b: {  	s0 =	sand.u32 $0x1, s1  }
0x8c: {  	s17 =	sshll.u32 s0, $0xA;
	s2 =	sadd.s32 s3, s2  }
0x8d: {  	s2 =	sadd.s32 s2, s17  }
0x8e: {  	[smem:$0x3FC0] =	sst s2  }
0x8f: {  	_ = 	snop  }
0x90: {  	(tm) =	ssettm $0x1  }
0x91: {  	s18 =	sld [smem:$0x3FFB];
	_ =	sdelay $0x3  }
0x92: {  	_ =	strace s18  }
0x93: {  	s2 =	sld [smem:$0x3FFC];
	_ =	sdelay $0x3  }
0x94: {  	_ =	strace s2  }
0x95: {  	s2 =	sld [smem:$0x3FFD];
	_ =	sdelay $0x3  }
0x96: {  	_ =	strace s2  }
0x97: {  	_ =	strace $0x8FFFFFFF  }
0x98: {  	s19 =	sld [smem:$0x3FDB];
	_ =	sdelay $0x1  }
0x99: {  	s20 =	simm.s32 $_scs_section_size  }
0x9a: {  	s4 =	simm.s32 $_size__tile_overlayer_lowered;
	s5 =	simm.s32 $_tile_overlayer_lowered  }
0x9b: {  	s6 =	simm.s32 $0x1BFF;
	s21 =	sshll.u32 s5, $0x1;
	s3 =	sadd.s32 s20, s19  }
0x9c: {  	s22 =	simm.s32 $0x0;
	s4 =	sshll.u32 s4, $0x1;
	s5 =	sadd.s32 s21, s3  }
0x9d: {  	[timem:s22], [sflag:s6] =	dma.local [hbm:s5], s4  }
0x9e: {  	_ =	swait.ge [sflag:s6], s4  }
0x9f: {  	s4 =	ssub.s32 $0x0, s4;
	[sflag:s6] =	ssyncset.done $0x0  }
0xa0: {  	[sflag:s6] =	ssyncadd.s32 s4;
	_ =	sdelay $0x1  }
0xa1: {  	s23 =	simm.s32 $0x1B8B  }
0xa2: {  	_ =	swait.ge [sflag:s23], $0x1  }
0xa3: {  	[sflag:s23] =	ssyncset.done $0x0  }
0xa4: {  	[sflag:s23] =	ssyncadd.s32 $0xFFFFFFFF  }
0xa5: {  	s4 =	sld [smem:$0x0]  }
0xa6: {  	s5 =	sand.u32 $0xFFFFFFFE, s1  }
0xa7: {  	p0 =	sne.s32 s1, s5  }
0xa8: {  	s5 =	sshll.u32 @p0 s5, $0xE  }
0xa9: {  	s5 =	sadd.s32 @p0 $0x11B8D, s5;
	s6 =	sshll.u32 @p0 s4, $0x11  }
0xaa: {  	s5 =	sor.u32 @p0 s6, s5  }
0xab: {  	[sflag:s5] =	ssyncadd.remote.s32 @p0 $0x1;
	_ =	sdelay $0x1  }
0xac: {  	s5 =	simm.s32 @p0 $0x1B8D  }
0xad: {  	_ =	swait.eq @p0 [sflag:s5], $0x1  }
0xae: {  	[sflag:s5] =	ssyncadd.s32 @p0 $0xFFFFFFFF  }
0xaf: {  	s6 =	sshll.u32 @!p0 s1, $0xE  }
0xb0: {  	s6 =	sor.u32 @!p0 $0x4000, s6;
	s5 =	simm.s32 @!p0 $0x1B8D  }
0xb1: {  	s4 =	sshll.u32 @!p0 s4, $0x11;
	s6 =	sadd.s32 @!p0 $0x11B8D, s6;
	_ =	swait.eq @!p0 [sflag:s5], $0x1  }
0xb2: {  	s4 =	sor.u32 @!p0 s4, s6;
	[sflag:s5] =	ssyncadd.s32 @!p0 $0xFFFFFFFF  }
0xb3: {  	s25 =	simm.s32 $0x1B8E;
	s24 =	sld [smem:$0x3FFE];
	[sflag:s4] =	ssyncadd.remote.s32 @!p0 $0x1  }
0xb4: {  	s26 =	simm.s32 $execute0_lowered;
	[smem:$0x3FD2] =	sst s25  }
0xb5: {  	s5 =	sshll.u32 s26, $0x1;
	_ =	strace $0x8000004C;
	[dreg:$0x1] =	wrdreg $0xFFFFFFFF  }
0xb6: {  	s28 =	simm.s32 $_size_execute0_lowered;
	s3 =	sadd.s32 s3, s5;
	[dreg:$0x0] =	wrdreg $0x0  }
0xb7: {  	s5 =	sshll.u32 s28, $0x1;
	[dreg:$0x2] =	wrdreg s3  }
0xb8: {  	[dreg:$0x3] =	wrdreg s5  }
0xb9: {  	[dreg:$0x4] =	wrdreg $0xC0  }
0xba: {  	_ =	task [dreg:s22], $0x5FFFF  }
0xbb: {  	[dreg:$0x1] =	wrdreg $0xFFFFFFFF  }
0xbc: {  	[dreg:$0x0] =	wrdreg $0x60  }
0xbd: {  	[dreg:$0x2] =	wrdreg s24  }
0xbe: {  	[dreg:$0x3] =	wrdreg $0xA  }
0xbf: {  	_ =	task.clear_ibuf [dreg:s22], $0x4FFFF;
	_ =	strace $0x9000004C  }
0xc0: {  	s29 =	simm.s32 $0xA;
	_ =	strace $0x8000004E  }
0xc1: {  	_ =	swait.ge [sflag:s29], $0x1  }
0xc2: {  	[sflag:s29] =	ssyncadd.s32 $0xFFFFFFFF  }
0xc3: {  	_ =	strace $0x9000004E  }
0xc4: {  	_ =	sfence  }
0xc5: {  	s30 =	sld [smem:$0x0];
	_ =	sdelay $0x2  }
0xc6: {  	s31 =	sshll.u32 s1, $0xD;
	s1 =	sshrl.u32 s1, $0x2  }
0xc7: {  	s4 =	sand.u32 $0x4000, s31;
	s1 =	sadd.s32 s1, s30  }
0xc8: {  	s0 =	sor.u32 s4, s0;
	s1 =	sshll.u32 s1, $0x11  }
0xc9: {  	s0 =	sor.u32 s1, s0  }
0xca: {  	s0 =	sadd.s32 $0x8F2B, s0  }
0xcb: {  	[sflag:s0] =	ssyncadd.remote.s32 $0x1  }
0xcc: {  	_ =	sfence.sel $0xFFFF  }
0xcd: {  	[dreg:$0x0] =	wrdreg $0xFFFFFFFF;
	(pc) =	sbr.abs _section_cstart, $3  }
0xce: {  	[dreg:$0x1] =	wrdreg $0xFFFFFFFF  }
0xcf: {  	_ =	task.clear_ibuf [dreg:s22], $0x2FFFF;
	_ =	strace $0x9FFFFFFF  }
0xd0: {  	(tm) =	ssettm $0x7FFFFFFF  }
0xd1: {  	_ =	shalt  }
tec
execute0_lowered:
.L_overlay_start_1:
0x0: {  	(tag) =	ssettag $0x1  }
0x1: {  	s12 =	rddreg [dreg:$0x0]  }
0x2: {  	s0 =	rddreg [dreg:$0x1];
	s2 =	simm.s32 $0x0  }
0x3: {  	s3 =	srdreg.scid;
	s1 =	stileid.u32;
	s4 =	simm.s32 $0x3  }
0x4: {  	[smem:$0x7FF] =	sst s2;
	s16 =	sand.u32 $0x1, s3;
	s30 =	sshll.u32 s1, $0x1  }
0x5: {  	s3 =	sadd.s32 $0x43000, s12;
	_ =	strace $0x8000004D;
	s14 =	sor.u32 s16, s30  }
0x6: {  	[tilespmem:s2], [sflag:$0x3] =	stream.linear.gather [hbm4b:s3+s2], $0x3000, $0x38;
	[tilespmem:$0xB000] =	vst v63  }
0x7: {  	s6 =	smul.u32 $0x600, s14;
	_ =	swait.ge [sflag:s4], $0x3000  }
0x8: {  	s7 =	simm.s32 $0x80;
	s8 =	simm.s32 $0x3000;
	[sflag:s4] =	ssyncset.done $0x0  }
0x9: {  	s5 =	sadd.s32 $0x2A00, s12;
	s6 =	sshrl.u32 s6, $0x2;
	[sflag:s4] =	ssyncadd.s32 $0xFFFFD000  }
0xa: {  	[tilespmem:s8], [sflag:$0x1] =	stream.indirect.gather [hbm4b:s5+s7], $0x80, s6, s7, $0xb8;
	[tilespmem:$0xB000] =	vst v63  }
0xb: {  	s10 =	simm.s32 $0x7000;
	s11 =	simm.s32 $0x1;
	s9 =	sadd.s32 $0x80, s6  }
0xc: {  	[tilespmem:s10], [sflag:$0x2] =	stream.indirect.gather [hbm4b:s5+s7], $0x80, s9, s7, $0xb8;
	[tilespmem:$0xB000] =	vst v63  }
0xd: {  	s13 =	smul.u32 $0x1800, s14;
	_ =	swait.ge [sflag:s11], $0x4000  }
0xe: {  	s15 =	sadd.s32 $0x43600, s12;
	[sflag:s11] =	ssyncset.done $0x0  }
0xf: {  	s12 =	sadd.s32 s15, s13;
	[sflag:s11] =	ssyncadd.s32 $0xFFFFC000  }
0x10: {  	[hbm4b:s12+s2] =	stream.linear.scatter [tilespmem:s8], [sflag:$0x3], $0x4000, $0x38;
	[tilespmem:$0xB000] =	vst v63  }
0x11: {  	_ =	swait.ge [sflag:s4], $0x4000  }
0x12: {  	s17 =	smul.u32 $0xC000, s14;
	[sflag:s4] =	ssyncset.done $0x0  }
0x13: {  	s14 =	simm.s32 $0x2;
	s13 =	sadd.s32 $0x100, s6;
	[sflag:s4] =	ssyncadd.s32 $0xFFFFC000  }
0x14: {  	[tilespmem:s8], [sflag:$0x1] =	stream.indirect.gather [hbm4b:s5+s7], $0x80, s13, s7, $0xb8;
	[tilespmem:$0xB000] =	vst v63  }
0x15: {  	s17 =	sshrl.u32 s17, $0x3;
	_ =	swait.ge [sflag:s14], $0x4000  }
0x16: {  	s17 =	sadd.s32 s15, s17;
	[sflag:s14] =	ssyncset.done $0x0  }
0x17: {  	s16 =	ssub.s32 $0x2, s16;
	s15 =	sadd.s32 $0x800, s17;
	[sflag:s14] =	ssyncadd.s32 $0xFFFFC000  }
0x18: {  	[hbm4b:s15+s2] =	stream.linear.scatter [tilespmem:s10], [sflag:$0x3], $0x4000, $0x38;
	[tilespmem:$0xB000] =	vst v63  }
0x19: {  	s18 =	sshrl.u32 s16, $0x1;
	_ =	swait.ge [sflag:s4], $0x4000  }
0x1a: {  	s18 =	ssub.s32 s16, s18;
	[sflag:s4] =	ssyncset.done $0x0  }
0x1b: {  	s31 =	smax.u32 s18, $0x1;
	[sflag:s4] =	ssyncadd.s32 $0xFFFFC000  }
0x1c: {  	p0 =	sne.s32 s31, $0x1;
	_ =	swait.ge [sflag:s11], $0x4000  }
.Ltmp0:
0x1d: {  	[sflag:s11] =	ssyncset.done $0x0;
	(pc) =	sbr.rel @!p0 .LBB2_2-.Ltmp0, $4  }
0x1e: {  	s16 =	sadd.s32 $0x1000, s17;
	[sflag:s11] =	ssyncadd.s32 $0xFFFFC000  }
0x1f: {  	[hbm4b:s16+s2] =	stream.linear.scatter [tilespmem:s8], [sflag:$0x3], $0x4000, $0x38;
	[tilespmem:$0xB000] =	vst v63  }
0x20: {  	_ =	swait.ge [sflag:s4], $0x4000  }
0x21: {  	s17 =	sadd.s32 $0xFFFFFFFF, s31;
	[sflag:s4] =	ssyncset.done $0x0  }
.LBB2_1:
0x22: {  	p0 =	sne.s32 s17, $0x1;
	s17 =	sadd.s32 $0xFFFFFFFF, s17;
	[sflag:s4] =	ssyncadd.s32 $0xFFFFC000  }
0x23: {  	[tilespmem:s2], [sflag:$0x3] =	stream.linear.gather [hbm4b:s3+s2], $0x3000, $0x38;
	[tilespmem:$0xB000] =	vst v63  }
0x24: {  	_ =	swait.ge [sflag:s4], $0x3000  }
0x25: {  	[sflag:s4] =	ssyncset.done $0x0  }
0x26: {  	[sflag:s4] =	ssyncadd.s32 $0xFFFFD000  }
0x27: {  	[tilespmem:s8], [sflag:$0x1] =	stream.indirect.gather [hbm4b:s5+s7], $0x80, s6, s7, $0xb8;
	[tilespmem:$0xB000] =	vst v63  }
0x28: {  	_ = 	snop  }
0x29: {  	[tilespmem:s10], [sflag:$0x2] =	stream.indirect.gather [hbm4b:s5+s7], $0x80, s9, s7, $0xb8;
	[tilespmem:$0xB000] =	vst v63  }
0x2a: {  	_ =	swait.ge [sflag:s11], $0x4000  }
0x2b: {  	[sflag:s11] =	ssyncset.done $0x0  }
0x2c: {  	[sflag:s11] =	ssyncadd.s32 $0xFFFFC000  }
0x2d: {  	[hbm4b:s12+s2] =	stream.linear.scatter [tilespmem:s8], [sflag:$0x3], $0x4000, $0x38;
	[tilespmem:$0xB000] =	vst v63  }
0x2e: {  	_ =	swait.ge [sflag:s4], $0x4000  }
0x2f: {  	[sflag:s4] =	ssyncset.done $0x0  }
0x30: {  	[sflag:s4] =	ssyncadd.s32 $0xFFFFC000  }
0x31: {  	[tilespmem:s8], [sflag:$0x1] =	stream.indirect.gather [hbm4b:s5+s7], $0x80, s13, s7, $0xb8;
	[tilespmem:$0xB000] =	vst v63  }
0x32: {  	_ =	swait.ge [sflag:s14], $0x4000  }
0x33: {  	[sflag:s14] =	ssyncset.done $0x0  }
0x34: {  	[sflag:s14] =	ssyncadd.s32 $0xFFFFC000  }
0x35: {  	[hbm4b:s15+s2] =	stream.linear.scatter [tilespmem:s10], [sflag:$0x3], $0x4000, $0x38;
	[tilespmem:$0xB000] =	vst v63  }
0x36: {  	_ =	swait.ge [sflag:s4], $0x4000  }
0x37: {  	[sflag:s4] =	ssyncset.done $0x0  }
0x38: {  	[sflag:s4] =	ssyncadd.s32 $0xFFFFC000  }
0x39: {  	_ =	swait.ge [sflag:s11], $0x4000  }
.Ltmp1:
0x3a: {  	[sflag:s11] =	ssyncset.done $0x0;
	(pc) =	sbr.rel @p0 .LBB2_1-.Ltmp1, $4  }
0x3b: {  	[sflag:s11] =	ssyncadd.s32 $0xFFFFC000  }
0x3c: {  	[hbm4b:s16+s2] =	stream.linear.scatter [tilespmem:s8], [sflag:$0x3], $0x4000, $0x38;
	[tilespmem:$0xB000] =	vst v63  }
0x3d: {  	_ =	swait.ge [sflag:s4], $0x4000  }
0x3e: {  	[sflag:s4] =	ssyncset.done $0x0  }
.LBB2_2:
0x3f: {  	[sflag:s4] =	ssyncadd.s32 $0xFFFFC000  }
0x40: {  	_ =	sfence.sel $0x180000  }
0x41: {  	[bflag:$0x0] =	sbarrier.arrive $0xFFFF  }
0x42: {  	p0 =	sne.s32 s1, $0x0;
	_ =	strace $0x9000004D  }
0x43: {  	s0 =	sadd.s32 @!p0 $0x100000, s0;
	[bflag:$0x2] =	sbarrier.arrive $0xFFFF  }
0x44: {  	[sflag:s0] =	ssyncadd.tile.s32 @!p0 $0x1;
	_ =	shalt  }
.Lfunc_end2:
_tile_overlayer_lowered:
.L_overlay_start_2:
0x45: {  	(tag) =	ssettag $0x2  }
0x46: {  	s0 =	rddreg [dreg:$0x0];
	s2 =	stileid.u32  }
0x47: {  	s1 =	rddreg [dreg:$0x1];
	p0 =	sne.s32 s2, $0x0  }
0x48: {  	s3 =	rddreg [dreg:$0x2];
	[bflag:$0x3] =	sbarrier.arrive $0xFFFF;
	s2 =	simm.s32 @!p0 $0x1C03  }
0x49: {  	[timem:s3], [sflag:s2] =	dma.local @!p0 [hbm:s0], s1  }
0x4a: {  	s0 =	simm.s32 @!p0 $0x3  }
0x4b: {  	_ =	swait.ge @!p0 [sflag:s0], s1  }
0x4c: {  	s1 =	ssub.s32 @!p0 $0x0, s1;
	[sflag:s0] =	ssyncset.done @!p0 $0x0  }
0x4d: {  	[sflag:s0] =	ssyncadd.s32 @!p0 s1  }
0x4e: {  	[bflag:$0x3] =	sbarrier.arrive $0xFFFF  }
0x4f: {  	_ =	shalt  }

// kernel: kernel.21.cloned.1.call-start
scs
__scs_entry_jumppad:
0x0: {  	(pc) =	sbr.rel $0x88, $3  }
0x1: {  	(tag) =	ssettag $0x0;
	lr =	simm.s32 $0x1  }
0x2: {  	[smem:$0x3F99] =	sst lr;
	_ =	strace $0xD0000000  }
0x3: {  	_ = 	snop  }
0x4: {  	_ = 	snop  }
0x5: {  	_ = 	snop  }
0x6: {  	_ = 	snop  }
0x7: {  	_ = 	snop  }
__scs_overlays_trampoline_lowered:
0x8: {  	[smem:$0x3FA8] =	sst s0  }
0x9: {  	[smem:$0x3FA9] =	sst s1  }
0xa: {  	[smem:$0x3FAA] =	sst s2  }
0xb: {  	[smem:$0x3FAB] =	sst s3  }
0xc: {  	[smem:$0x3FAC] =	sst s4  }
0xd: {  	[smem:$0x3FAD] =	sst s5  }
0xe: {  	[smem:$0x3FAE] =	sst s6  }
0xf: {  	[smem:$0x3FAF] =	sst s7  }
0x10: {  	[smem:$0x3FB0] =	sst s8  }
0x11: {  	[smem:$0x3FB1] =	sst s9;
	s0 =	simm.s32 @!p0 $0x0  }
0x12: {  	s1 =	sld [smem:$0x3F97];
	s0 =	simm.s32 @p0 $0x1  }
0x13: {  	[smem:$0x3FB2] =	sst s0;
	s0 =	simm.s32 @!p1 $0x0  }
0x14: {  	s2 =	sld [smem:$0x3F96];
	s0 =	simm.s32 @p1 $0x1  }
0x15: {  	[smem:$0x3FB3] =	sst s0;
	s0 =	simm.s32 @!p2 $0x0  }
0x16: {  	s3 =	sld [smem:$0x3FDB];
	s0 =	simm.s32 @p2 $0x1  }
0x17: {  	s4 =	simm.s32 $0x1BF5;
	[smem:$0x3FB5] =	sst s0  }
0x18: {  	s0 =	sld [smem:$0x3F98];
	_ =	swait.ge [sflag:s4], $0x0  }
0x19: {  	s7 =	sld [smem:$0x3F99]  }
0x1a: {  	s8 =	sadd.s32 $0xFFFFE003, lr  }
0x1b: {  	s9 =	sadd.s32 $0xFFFFFEF7, lr;
	s5 =	simm.s32 $0xFFFFFFFF;
	p2 =	slt.u32 s8, $0xFFFFF086  }
0x1c: {  	p1 =	slt.u32 s9, $0xF7A;
	s5 =	simm.s32 @!p2 $0x0  }
0x1d: {  	s5 =	simm.s32 @p1 $0x1;
	p0 =	seq.s32 s7, s2  }
0x1e: {  	s7 =	smul.u32 @!p0 $0xF7A, s2;
	p2 =	seq.s32 @!p0 s5, $0x0  }
0x1f: {  	s9 =	smul.u32 $0xF7A, s1;
	s8 =	simm.s32 @!p0 $0x1BF5;
	p2 =	por !p2, p0  }
0x20: {  	[sflag:s8] =	ssyncset.s32 @!p0 $0xFFFFF086;
	s6 =	sadd.s32 @!p0 s3, s7;
	s7 =	simm.s32 @!p0 $0x108  }
0x21: {  	s3 =	sadd.s32 s3, s9;
	s6 =	sadd.s32 @!p0 $0x88, s6;
	s7 =	simm.s32 @p2 $0x1082  }
0x22: {  	[simem:s7], [sflag:s8] =	dma.local @!p0 [hbm:s6], $0xF7A  }
0x23: {  	s9 =	sor.u32 $0xD0000000, s2;
	s6 =	simm.s32 $0x108;
	_ =	swait.ge @!p0 [sflag:s8], $0x0  }
0x24: {  	s3 =	sadd.s32 $0x88, s3;
	s6 =	simm.s32 @!p1 $0x1082;
	[sflag:s4] =	ssyncset.s32 $0xFFFFF086  }
0x25: {  	[simem:s6], [sflag:s4] =	dma.local [hbm:s3], $0xF7A  }
0x26: {  	[smem:$0x3F99] =	sst s1;
	(tag) =	ssettag s2;
	_ =	strace s9  }
0x27: {  	s1 =	sld [smem:$0x3FA9]  }
0x28: {  	s2 =	sld [smem:$0x3FAA]  }
0x29: {  	s4 =	sld [smem:$0x3FAC]  }
0x2a: {  	p0 =	seq.s32 s5, $0x0;
	s5 =	sld [smem:$0x3FAD]  }
0x2b: {  	s6 =	sld [smem:$0x3FAE]  }
0x2c: {  	s7 =	sld [smem:$0x3FAF]  }
0x2d: {  	s3 =	simm.s32 $0x108;
	s8 =	sld [smem:$0x3FB0]  }
0x2e: {  	s3 =	simm.s32 @!p0 $0x1082;
	s9 =	sld [smem:$0x3FB1]  }
0x2f: {  	lr =	sadd.s32 s0, s3;
	s0 =	sld [smem:$0x3FA8]  }
0x30: {  	s3 =	sld [smem:$0x3FAB]  }
0x31: {  	[smem:$0x3FB4] =	sst s10  }
0x32: {  	s10 =	sld [smem:$0x3FB2];
	_ =	sdelay $0x3  }
0x33: {  	p0 =	seq.s32 s10, $0x1;
	s10 =	sld [smem:$0x3FB4];
	_ =	sdelay $0x3  }
0x34: {  	[smem:$0x3FB4] =	sst s10  }
0x35: {  	s10 =	sld [smem:$0x3FB3];
	_ =	sdelay $0x3  }
0x36: {  	p1 =	seq.s32 s10, $0x1;
	s10 =	sld [smem:$0x3FB4];
	_ =	sdelay $0x3  }
0x37: {  	[smem:$0x3FB4] =	sst s10  }
0x38: {  	s10 =	sld [smem:$0x3FB5]  }
0x39: {  	_ = 	snop;
	(pc) =	sbr.ind lr, $3  }
0x3a: {  	_ = 	snop  }
0x3b: {  	_ = 	snop  }
0x3c: {  	p2 =	seq.s32 s10, $0x1;
	s10 =	sld [smem:$0x3FB4]  }
0x3d: {  	_ =	shalt  }
0x3e: {  	_ =	shalt  }
0x3f: {  	_ =	shalt  }
0x40: {  	_ =	shalt  }
0x41: {  	_ =	shalt  }
0x42: {  	_ =	shalt  }
0x43: {  	_ =	shalt  }
0x44: {  	_ =	shalt  }
0x45: {  	_ =	shalt  }
0x46: {  	_ =	shalt  }
0x47: {  	_ =	shalt  }
0x48: {  	_ =	shalt  }
0x49: {  	_ =	shalt  }
0x4a: {  	_ =	shalt  }
0x4b: {  	_ =	shalt  }
0x4c: {  	_ =	shalt  }
0x4d: {  	_ =	shalt  }
0x4e: {  	_ =	shalt  }
0x4f: {  	_ =	shalt  }
0x50: {  	_ =	shalt  }
0x51: {  	_ =	shalt  }
0x52: {  	_ =	shalt  }
0x53: {  	_ =	shalt  }
0x54: {  	_ =	shalt  }
0x55: {  	_ =	shalt  }
0x56: {  	_ =	shalt  }
0x57: {  	_ =	shalt  }
0x58: {  	_ =	shalt  }
0x59: {  	_ =	shalt  }
0x5a: {  	_ =	shalt  }
0x5b: {  	_ =	shalt  }
0x5c: {  	_ =	shalt  }
0x5d: {  	_ =	shalt  }
0x5e: {  	_ =	shalt  }
0x5f: {  	_ =	shalt  }
0x60: {  	_ =	shalt  }
0x61: {  	_ =	shalt  }
0x62: {  	_ =	shalt  }
0x63: {  	_ =	shalt  }
0x64: {  	_ =	shalt  }
0x65: {  	_ =	shalt  }
0x66: {  	_ =	shalt  }
0x67: {  	_ =	shalt  }
0x68: {  	_ =	shalt  }
0x69: {  	_ =	shalt  }
0x6a: {  	_ =	shalt  }
0x6b: {  	_ =	shalt  }
0x6c: {  	_ =	shalt  }
0x6d: {  	_ =	shalt  }
0x6e: {  	_ =	shalt  }
0x6f: {  	_ =	shalt  }
0x70: {  	_ =	shalt  }
0x71: {  	_ =	shalt  }
0x72: {  	_ =	shalt  }
0x73: {  	_ =	shalt  }
0x74: {  	_ =	shalt  }
0x75: {  	_ =	shalt  }
0x76: {  	_ =	shalt  }
0x77: {  	_ =	shalt  }
0x78: {  	_ =	shalt  }
0x79: {  	_ =	shalt  }
0x7a: {  	_ =	shalt  }
0x7b: {  	_ =	shalt  }
0x7c: {  	_ =	shalt  }
0x7d: {  	_ =	shalt  }
0x7e: {  	_ =	shalt  }
0x7f: {  	_ =	shalt  }
0x80: {  	_ =	shalt  }
0x81: {  	_ =	shalt  }
0x82: {  	_ =	shalt  }
0x83: {  	_ =	shalt  }
0x84: {  	_ =	shalt  }
0x85: {  	_ =	shalt  }
0x86: {  	_ =	shalt  }
0x87: {  	_ =	shalt  }
.Lfunc_end0:
.L_simem_size_0:
called_computation.3_lowered:
.L_overlay_start_0:
0x88: {  	s2 =	sld [smem:$0x3FD9]  }
0x89: {  	s3 =	sld [smem:$0x3FFE];
	_ =	sdelay $0x1  }
0x8a: {  	s1 =	srdreg.scid  }
0x8b: {  	s0 =	sand.u32 $0x1, s1  }
0x8c: {  	s17 =	sshll.u32 s0, $0xA;
	s2 =	sadd.s32 s3, s2  }
0x8d: {  	s2 =	sadd.s32 s2, s17  }
0x8e: {  	[smem:$0x3FC0] =	sst s2  }
0x8f: {  	_ = 	snop  }
0x90: {  	(tm) =	ssettm $0x1  }
0x91: {  	s18 =	sld [smem:$0x3FFB];
	_ =	sdelay $0x3  }
0x92: {  	_ =	strace s18  }
0x93: {  	s2 =	sld [smem:$0x3FFC];
	_ =	sdelay $0x3  }
0x94: {  	_ =	strace s2  }
0x95: {  	s2 =	sld [smem:$0x3FFD];
	_ =	sdelay $0x3  }
0x96: {  	_ =	strace s2  }
0x97: {  	_ =	strace $0x8FFFFFFF  }
0x98: {  	s19 =	sld [smem:$0x3FDB];
	_ =	sdelay $0x1  }
0x99: {  	s20 =	simm.s32 $_scs_section_size  }
0x9a: {  	s4 =	simm.s32 $_size__tile_overlayer_lowered;
	s5 =	simm.s32 $_tile_overlayer_lowered  }
0x9b: {  	s6 =	simm.s32 $0x1BFF;
	s21 =	sshll.u32 s5, $0x1;
	s3 =	sadd.s32 s20, s19  }
0x9c: {  	s22 =	simm.s32 $0x0;
	s4 =	sshll.u32 s4, $0x1;
	s5 =	sadd.s32 s21, s3  }
0x9d: {  	[timem:s22], [sflag:s6] =	dma.local [hbm:s5], s4  }
0x9e: {  	_ =	swait.ge [sflag:s6], s4  }
0x9f: {  	s4 =	ssub.s32 $0x0, s4;
	[sflag:s6] =	ssyncset.done $0x0  }
0xa0: {  	[sflag:s6] =	ssyncadd.s32 s4;
	_ =	sdelay $0x1  }
0xa1: {  	s23 =	simm.s32 $0x1B8B  }
0xa2: {  	_ =	swait.ge [sflag:s23], $0x1  }
0xa3: {  	[sflag:s23] =	ssyncset.done $0x0  }
0xa4: {  	[sflag:s23] =	ssyncadd.s32 $0xFFFFFFFF  }
0xa5: {  	s4 =	sld [smem:$0x0]  }
0xa6: {  	s5 =	sand.u32 $0xFFFFFFFE, s1  }
0xa7: {  	p0 =	sne.s32 s1, s5  }
0xa8: {  	s5 =	sshll.u32 @p0 s5, $0xE  }
0xa9: {  	s5 =	sadd.s32 @p0 $0x11B8D, s5;
	s6 =	sshll.u32 @p0 s4, $0x11  }
0xaa: {  	s5 =	sor.u32 @p0 s6, s5  }
0xab: {  	[sflag:s5] =	ssyncadd.remote.s32 @p0 $0x1;
	_ =	sdelay $0x1  }
0xac: {  	s5 =	simm.s32 @p0 $0x1B8D  }
0xad: {  	_ =	swait.eq @p0 [sflag:s5], $0x1  }
0xae: {  	[sflag:s5] =	ssyncadd.s32 @p0 $0xFFFFFFFF  }
0xaf: {  	s6 =	sshll.u32 @!p0 s1, $0xE  }
0xb0: {  	s6 =	sor.u32 @!p0 $0x4000, s6;
	s5 =	simm.s32 @!p0 $0x1B8D  }
0xb1: {  	s4 =	sshll.u32 @!p0 s4, $0x11;
	s6 =	sadd.s32 @!p0 $0x11B8D, s6;
	_ =	swait.eq @!p0 [sflag:s5], $0x1  }
0xb2: {  	s4 =	sor.u32 @!p0 s4, s6;
	[sflag:s5] =	ssyncadd.s32 @!p0 $0xFFFFFFFF  }
0xb3: {  	s25 =	simm.s32 $0x1B8E;
	s24 =	sld [smem:$0x3FFE];
	[sflag:s4] =	ssyncadd.remote.s32 @!p0 $0x1  }
0xb4: {  	s26 =	simm.s32 $execute0_lowered;
	[smem:$0x3FD2] =	sst s25  }
0xb5: {  	s5 =	sshll.u32 s26, $0x1;
	_ =	strace $0x8000004F;
	[dreg:$0x1] =	wrdreg $0xFFFFFFFF  }
0xb6: {  	s28 =	simm.s32 $_size_execute0_lowered;
	s3 =	sadd.s32 s3, s5;
	[dreg:$0x0] =	wrdreg $0x0  }
0xb7: {  	s5 =	sshll.u32 s28, $0x1;
	[dreg:$0x2] =	wrdreg s3  }
0xb8: {  	[dreg:$0x3] =	wrdreg s5  }
0xb9: {  	[dreg:$0x4] =	wrdreg $0xC0  }
0xba: {  	_ =	task [dreg:s22], $0x5FFFF  }
0xbb: {  	[dreg:$0x1] =	wrdreg $0xFFFFFFFF  }
0xbc: {  	[dreg:$0x0] =	wrdreg $0x60  }
0xbd: {  	[dreg:$0x2] =	wrdreg s24  }
0xbe: {  	[dreg:$0x3] =	wrdreg $0xB  }
0xbf: {  	_ =	task.clear_ibuf [dreg:s22], $0x4FFFF;
	_ =	strace $0x9000004F  }
0xc0: {  	s29 =	simm.s32 $0xB;
	_ =	strace $0x80000051  }
0xc1: {  	_ =	swait.ge [sflag:s29], $0x1  }
0xc2: {  	[sflag:s29] =	ssyncadd.s32 $0xFFFFFFFF  }
0xc3: {  	_ =	strace $0x90000051  }
0xc4: {  	_ =	sfence  }
0xc5: {  	s30 =	sld [smem:$0x0];
	_ =	sdelay $0x2  }
0xc6: {  	s31 =	sshll.u32 s1, $0xD;
	s1 =	sshrl.u32 s1, $0x2  }
0xc7: {  	s4 =	sand.u32 $0x4000, s31;
	s1 =	sadd.s32 s1, s30  }
0xc8: {  	s0 =	sor.u32 s4, s0;
	s1 =	sshll.u32 s1, $0x11  }
0xc9: {  	s0 =	sor.u32 s1, s0  }
0xca: {  	s0 =	sadd.s32 $0x8F2B, s0  }
0xcb: {  	[sflag:s0] =	ssyncadd.remote.s32 $0x1  }
0xcc: {  	_ =	sfence.sel $0xFFFF  }
0xcd: {  	[dreg:$0x0] =	wrdreg $0xFFFFFFFF;
	(pc) =	sbr.abs _section_cstart, $3  }
0xce: {  	[dreg:$0x1] =	wrdreg $0xFFFFFFFF  }
0xcf: {  	_ =	task.clear_ibuf [dreg:s22], $0x2FFFF;
	_ =	strace $0x9FFFFFFF  }
0xd0: {  	(tm) =	ssettm $0x7FFFFFFF  }
0xd1: {  	_ =	shalt  }
tec
execute0_lowered:
.L_overlay_start_1:
0x0: {  	(tag) =	ssettag $0x1  }
0x1: {  	s12 =	rddreg [dreg:$0x0]  }
0x2: {  	s0 =	rddreg [dreg:$0x1];
	s2 =	simm.s32 $0x0  }
0x3: {  	s3 =	srdreg.scid;
	s1 =	stileid.u32;
	s4 =	simm.s32 $0x3  }
0x4: {  	[smem:$0x7FF] =	sst s2;
	s16 =	sand.u32 $0x1, s3;
	s30 =	sshll.u32 s1, $0x1  }
0x5: {  	s3 =	sadd.s32 $0x73600, s12;
	_ =	strace $0x80000050;
	s14 =	sor.u32 s16, s30  }
0x6: {  	[tilespmem:s2], [sflag:$0x3] =	stream.linear.gather [hbm4b:s3+s2], $0x3000, $0x38;
	[tilespmem:$0xB000] =	vst v63  }
0x7: {  	s6 =	smul.u32 $0x600, s14;
	_ =	swait.ge [sflag:s4], $0x3000  }
0x8: {  	s7 =	simm.s32 $0x80;
	s8 =	simm.s32 $0x3000;
	[sflag:s4] =	ssyncset.done $0x0  }
0x9: {  	s5 =	sadd.s32 $0x2A00, s12;
	s6 =	sshrl.u32 s6, $0x2;
	[sflag:s4] =	ssyncadd.s32 $0xFFFFD000  }
0xa: {  	[tilespmem:s8], [sflag:$0x1] =	stream.indirect.gather [hbm4b:s5+s7], $0x80, s6, s7, $0xb8;
	[tilespmem:$0xB000] =	vst v63  }
0xb: {  	s10 =	simm.s32 $0x7000;
	s11 =	simm.s32 $0x1;
	s9 =	sadd.s32 $0x80, s6  }
0xc: {  	[tilespmem:s10], [sflag:$0x2] =	stream.indirect.gather [hbm4b:s5+s7], $0x80, s9, s7, $0xb8;
	[tilespmem:$0xB000] =	vst v63  }
0xd: {  	s13 =	smul.u32 $0x1800, s14;
	_ =	swait.ge [sflag:s11], $0x4000  }
0xe: {  	s15 =	sadd.s32 $0x73C00, s12;
	[sflag:s11] =	ssyncset.done $0x0  }
0xf: {  	s12 =	sadd.s32 s15, s13;
	[sflag:s11] =	ssyncadd.s32 $0xFFFFC000  }
0x10: {  	[hbm4b:s12+s2] =	stream.linear.scatter [tilespmem:s8], [sflag:$0x3], $0x4000, $0x38;
	[tilespmem:$0xB000] =	vst v63  }
0x11: {  	_ =	swait.ge [sflag:s4], $0x4000  }
0x12: {  	s17 =	smul.u32 $0xC000, s14;
	[sflag:s4] =	ssyncset.done $0x0  }
0x13: {  	s14 =	simm.s32 $0x2;
	s13 =	sadd.s32 $0x100, s6;
	[sflag:s4] =	ssyncadd.s32 $0xFFFFC000  }
0x14: {  	[tilespmem:s8], [sflag:$0x1] =	stream.indirect.gather [hbm4b:s5+s7], $0x80, s13, s7, $0xb8;
	[tilespmem:$0xB000] =	vst v63  }
0x15: {  	s17 =	sshrl.u32 s17, $0x3;
	_ =	swait.ge [sflag:s14], $0x4000  }
0x16: {  	s17 =	sadd.s32 s15, s17;
	[sflag:s14] =	ssyncset.done $0x0  }
0x17: {  	s16 =	ssub.s32 $0x2, s16;
	s15 =	sadd.s32 $0x800, s17;
	[sflag:s14] =	ssyncadd.s32 $0xFFFFC000  }
0x18: {  	[hbm4b:s15+s2] =	stream.linear.scatter [tilespmem:s10], [sflag:$0x3], $0x4000, $0x38;
	[tilespmem:$0xB000] =	vst v63  }
0x19: {  	s18 =	sshrl.u32 s16, $0x1;
	_ =	swait.ge [sflag:s4], $0x4000  }
0x1a: {  	s18 =	ssub.s32 s16, s18;
	[sflag:s4] =	ssyncset.done $0x0  }
0x1b: {  	s31 =	smax.u32 s18, $0x1;
	[sflag:s4] =	ssyncadd.s32 $0xFFFFC000  }
0x1c: {  	p0 =	sne.s32 s31, $0x1;
	_ =	swait.ge [sflag:s11], $0x4000  }
.Ltmp0:
0x1d: {  	[sflag:s11] =	ssyncset.done $0x0;
	(pc) =	sbr.rel @!p0 .LBB2_2-.Ltmp0, $4  }
0x1e: {  	s16 =	sadd.s32 $0x1000, s17;
	[sflag:s11] =	ssyncadd.s32 $0xFFFFC000  }
0x1f: {  	[hbm4b:s16+s2] =	stream.linear.scatter [tilespmem:s8], [sflag:$0x3], $0x4000, $0x38;
	[tilespmem:$0xB000] =	vst v63  }
0x20: {  	_ =	swait.ge [sflag:s4], $0x4000  }
0x21: {  	s17 =	sadd.s32 $0xFFFFFFFF, s31;
	[sflag:s4] =	ssyncset.done $0x0  }
.LBB2_1:
0x22: {  	p0 =	sne.s32 s17, $0x1;
	s17 =	sadd.s32 $0xFFFFFFFF, s17;
	[sflag:s4] =	ssyncadd.s32 $0xFFFFC000  }
0x23: {  	[tilespmem:s2], [sflag:$0x3] =	stream.linear.gather [hbm4b:s3+s2], $0x3000, $0x38;
	[tilespmem:$0xB000] =	vst v63  }
0x24: {  	_ =	swait.ge [sflag:s4], $0x3000  }
0x25: {  	[sflag:s4] =	ssyncset.done $0x0  }
0x26: {  	[sflag:s4] =	ssyncadd.s32 $0xFFFFD000  }
0x27: {  	[tilespmem:s8], [sflag:$0x1] =	stream.indirect.gather [hbm4b:s5+s7], $0x80, s6, s7, $0xb8;
	[tilespmem:$0xB000] =	vst v63  }
0x28: {  	_ = 	snop  }
0x29: {  	[tilespmem:s10], [sflag:$0x2] =	stream.indirect.gather [hbm4b:s5+s7], $0x80, s9, s7, $0xb8;
	[tilespmem:$0xB000] =	vst v63  }
0x2a: {  	_ =	swait.ge [sflag:s11], $0x4000  }
0x2b: {  	[sflag:s11] =	ssyncset.done $0x0  }
0x2c: {  	[sflag:s11] =	ssyncadd.s32 $0xFFFFC000  }
0x2d: {  	[hbm4b:s12+s2] =	stream.linear.scatter [tilespmem:s8], [sflag:$0x3], $0x4000, $0x38;
	[tilespmem:$0xB000] =	vst v63  }
0x2e: {  	_ =	swait.ge [sflag:s4], $0x4000  }
0x2f: {  	[sflag:s4] =	ssyncset.done $0x0  }
0x30: {  	[sflag:s4] =	ssyncadd.s32 $0xFFFFC000  }
0x31: {  	[tilespmem:s8], [sflag:$0x1] =	stream.indirect.gather [hbm4b:s5+s7], $0x80, s13, s7, $0xb8;
	[tilespmem:$0xB000] =	vst v63  }
0x32: {  	_ =	swait.ge [sflag:s14], $0x4000  }
0x33: {  	[sflag:s14] =	ssyncset.done $0x0  }
0x34: {  	[sflag:s14] =	ssyncadd.s32 $0xFFFFC000  }
0x35: {  	[hbm4b:s15+s2] =	stream.linear.scatter [tilespmem:s10], [sflag:$0x3], $0x4000, $0x38;
	[tilespmem:$0xB000] =	vst v63  }
0x36: {  	_ =	swait.ge [sflag:s4], $0x4000  }
0x37: {  	[sflag:s4] =	ssyncset.done $0x0  }
0x38: {  	[sflag:s4] =	ssyncadd.s32 $0xFFFFC000  }
0x39: {  	_ =	swait.ge [sflag:s11], $0x4000  }
.Ltmp1:
0x3a: {  	[sflag:s11] =	ssyncset.done $0x0;
	(pc) =	sbr.rel @p0 .LBB2_1-.Ltmp1, $4  }
0x3b: {  	[sflag:s11] =	ssyncadd.s32 $0xFFFFC000  }
0x3c: {  	[hbm4b:s16+s2] =	stream.linear.scatter [tilespmem:s8], [sflag:$0x3], $0x4000, $0x38;
	[tilespmem:$0xB000] =	vst v63  }
0x3d: {  	_ =	swait.ge [sflag:s4], $0x4000  }
0x3e: {  	[sflag:s4] =	ssyncset.done $0x0  }
.LBB2_2:
0x3f: {  	[sflag:s4] =	ssyncadd.s32 $0xFFFFC000  }
0x40: {  	_ =	sfence.sel $0x180000  }
0x41: {  	[bflag:$0x0] =	sbarrier.arrive $0xFFFF  }
0x42: {  	p0 =	sne.s32 s1, $0x0;
	_ =	strace $0x90000050  }
0x43: {  	s0 =	sadd.s32 @!p0 $0x100000, s0;
	[bflag:$0x2] =	sbarrier.arrive $0xFFFF  }
0x44: {  	[sflag:s0] =	ssyncadd.tile.s32 @!p0 $0x1;
	_ =	shalt  }
.Lfunc_end2:
_tile_overlayer_lowered:
.L_overlay_start_2:
0x45: {  	(tag) =	ssettag $0x2  }
0x46: {  	s0 =	rddreg [dreg:$0x0];
	s2 =	stileid.u32  }
0x47: {  	s1 =	rddreg [dreg:$0x1];
	p0 =	sne.s32 s2, $0x0  }
0x48: {  	s3 =	rddreg [dreg:$0x2];
	[bflag:$0x3] =	sbarrier.arrive $0xFFFF;
	s2 =	simm.s32 @!p0 $0x1C03  }
0x49: {  	[timem:s3], [sflag:s2] =	dma.local @!p0 [hbm:s0], s1  }
0x4a: {  	s0 =	simm.s32 @!p0 $0x3  }
0x4b: {  	_ =	swait.ge @!p0 [sflag:s0], s1  }
0x4c: {  	s1 =	ssub.s32 @!p0 $0x0, s1;
	[sflag:s0] =	ssyncset.done @!p0 $0x0  }
0x4d: {  	[sflag:s0] =	ssyncadd.s32 @!p0 s1  }
0x4e: {  	[bflag:$0x3] =	sbarrier.arrive $0xFFFF  }
0x4f: {  	_ =	shalt  }

</sc_bundles>
